<compile_context>
chip_gen: v7x
topology: tpu7x:2x2x1
jax: 0.10.2.dev20260603
libtpu: 0.0.44.dev20260713+nightly
codegen_flags: <defaults>
</compile_context>

<pallas_src>
import functools

import jax
import jax.numpy as jnp
from jax import lax
from jax.experimental import pallas as pl
from jax.experimental.pallas import tpu as pltpu
from jax.experimental.pallas import tpu_sc as plsc

NC = 2
NS = 16
NW = NC * NS
NBUF = 2


@functools.partial(jax.jit, static_argnames=("bblk", "bsz", "hist"))
def _emb_lookup(idx_flat, table, bblk, bsz, hist):
    d = table.shape[1]
    chunk = bblk * hist
    b_per_w = bsz // NW
    nchunk = b_per_w // bblk
    assert nchunk % NBUF == 0
    mesh = plsc.VectorSubcoreMesh(core_axis_name="c", subcore_axis_name="s")

    @functools.partial(
        pl.kernel,
        mesh=mesh,
        out_type=jax.ShapeDtypeStruct((bsz, hist, d), jnp.float32),
        scratch_types=(
            [pltpu.VMEM((chunk,), jnp.int32) for _ in range(NBUF)]
            + [pltpu.VMEM((chunk, d), jnp.float32) for _ in range(NBUF)]
            + [pltpu.SemaphoreType.DMA for _ in range(2 * NBUF)]
        ),
        compiler_params=pltpu.CompilerParams(use_tc_tiling_on_sc=False),
    )
    def emb(idx_hbm, table_hbm, out_hbm, *scratch):
        idx_v = scratch[:NBUF]
        rows_v = scratch[NBUF:2 * NBUF]
        gsem = scratch[2 * NBUF:3 * NBUF]
        wsem = scratch[3 * NBUF:]
        wid = lax.axis_index("s") * NC + lax.axis_index("c")
        bbase = wid * b_per_w
        fbase = bbase * hist

        def start_gather(g, b):
            off = pl.multiple_of(fbase + g * chunk, 8)
            pltpu.sync_copy(idx_hbm.at[pl.ds(off, chunk)], idx_v[b])
            pltpu.async_copy(table_hbm.at[idx_v[b]], rows_v[b], gsem[b])

        for b in range(NBUF):
            start_gather(b, b)

        def group(j, _):
            for b in range(NBUF):
                g = j * NBUF + b
                pltpu.make_async_copy(
                    table_hbm.at[idx_v[b]], rows_v[b], gsem[b]
                ).wait()
                b0 = bbase + g * bblk
                for j2 in range(bblk):
                    pltpu.async_copy(
                        rows_v[b].at[pl.ds(j2 * hist, hist)],
                        out_hbm.at[b0 + j2],
                        wsem[b],
                    )
                for j2 in range(bblk):
                    pltpu.make_async_copy(
                        rows_v[b].at[pl.ds(j2 * hist, hist)],
                        out_hbm.at[b0 + j2],
                        wsem[b],
                    ).wait()

                @pl.when(g + NBUF < nchunk)
                def _():
                    start_gather(g + NBUF, b)
            return 0

        lax.fori_loop(0, nchunk // NBUF, group, 0)

    return emb(idx_flat, table)


def kernel(input_ids, table):
    b, h = input_ids.shape
    return _emb_lookup(input_ids.reshape(b * h), table, bblk=32, bsz=b, hist=h)

# --- scband reference (transcript-rebuilt; emitter-appended) ---
"""Pipeline reference for scband-embedding-layer-76579266888326 (READ-ONLY COPY).

The authoritative reference and input builder live on the scoring server;
editing this copy changes nothing except your own understanding.
"""

import jax, jax.numpy as jnp
import numpy as np

NUM_EMBEDDINGS = 1000000
EMBEDDING_DIM = 32
BATCH = 16384
HIST = 50

def setup_inputs(seed: int = 0) -> dict:
    key = jax.random.key(seed)
    k_idx, k_tab = jax.random.split(key)
    input_ids = jax.random.randint(k_idx, (BATCH, HIST), 0, NUM_EMBEDDINGS, dtype=jnp.int64 if jax.config.jax_enable_x64 else jnp.int32)
    table = jax.random.normal(k_tab, (NUM_EMBEDDINGS, EMBEDDING_DIM), dtype=jnp.float32)
    return {"input_ids": input_ids, "table": table}

def reference(input_ids, table):
    # Faithful translation of nn.Embedding forward: row gather from the table.
    return jnp.take(table, input_ids, axis=0)

if __name__ == "__main__":
    import jax
    _d = setup_inputs()
    print(jax.jit(kernel)(*tuple(_d.values())))

</pallas_src>

<mosaic_0001>
#map = affine_map<(d0, d1) -> (0)>
#map1 = affine_map<(d0, d1) -> (0, 0)>
#map2 = affine_map<(d0, d1) -> (0, 0, 0)>
module attributes {stable_mosaic.version = 14 : i64} {
  func.func @emb(%arg0: i32, %arg1: i32, %arg2: memref<819200xi32, #tpu.memory_space<hbm>>, %arg3: memref<1000000x32xf32, #tpu.memory_space<hbm>>, %arg4: memref<16384x50x32xf32, #tpu.memory_space<hbm>>, %arg5: memref<1600xi32, #tpu.memory_space<vmem>>, %arg6: memref<1600xi32, #tpu.memory_space<vmem>>, %arg7: memref<1600x32xf32, #tpu.memory_space<vmem>>, %arg8: memref<1600x32xf32, #tpu.memory_space<vmem>>, %arg9: memref<!tpu.dma_semaphore, #tpu.memory_space<semaphore_mem>>, %arg10: memref<!tpu.dma_semaphore, #tpu.memory_space<semaphore_mem>>, %arg11: memref<!tpu.dma_semaphore, #tpu.memory_space<semaphore_mem>>, %arg12: memref<!tpu.dma_semaphore, #tpu.memory_space<semaphore_mem>>) attributes {dimension_semantics = [#tpu.dimension_semantics<core_parallel>, #tpu.dimension_semantics<subcore_parallel>], iteration_bounds = array<i64: 2, 16>, scalar_prefetch = 0 : i64, scratch_operands = 8 : i64, tpu.core_type = #tpu.core_type<sc_vector_subcore>, window_params = [{transform_indices = #map}, {transform_indices = #map1}, {transform_indices = #map2}]} {
    %mul3A = arith.constant 2 : i32
    %mul3A_0 = arith.muli %arg1, %mul3A : i32
    %add3A = arith.addi %mul3A_0, %arg0 : i32
    %mul3A_1 = arith.constant 512 : i32
    %mul3A_2 = arith.muli %add3A, %mul3A_1 : i32
    %mul3A_3 = arith.constant 50 : i32
    %mul3A_4 = arith.muli %mul3A_2, %mul3A_3 : i32
    %add3A_5 = arith.constant 0 : i32
    %add3A_6 = arith.addi %mul3A_4, %add3A_5 : i32
    %multiple_of3A = tpu.assume_multiple %add3A_6, 8 : i32
    "tpu.region"() ({
      %run_scoped3A = tpu.sem_alloc : memref<!tpu.dma_semaphore, #tpu.memory_space<semaphore_mem>>
      %dma_start3A_21 = tpu.memref_slice %arg2[%multiple_of3A] : memref<819200xi32, #tpu.memory_space<hbm>> -> memref<1600xi32, #tpu.memory_space<hbm>>
      %dma_start3A_22 = tpu.memref_slice %arg2[%multiple_of3A] : memref<819200xi32, #tpu.memory_space<hbm>> -> memref<1600xi32, #tpu.memory_space<hbm>>
      tpu.enqueue_dma source(%dma_start3A_22 : memref<1600xi32, #tpu.memory_space<hbm>>) target(%arg5 : memref<1600xi32, #tpu.memory_space<vmem>>) target_semaphore(%run_scoped3A : memref<!tpu.dma_semaphore, #tpu.memory_space<semaphore_mem>>)
      %dma_wait3A = tpu.memref_slice %arg2[%multiple_of3A] : memref<819200xi32, #tpu.memory_space<hbm>> -> memref<1600xi32, #tpu.memory_space<hbm>>
      %dma_wait3A_23 = tpu.memref_slice %arg2[%multiple_of3A] : memref<819200xi32, #tpu.memory_space<hbm>> -> memref<1600xi32, #tpu.memory_space<hbm>>
      tpu.wait_dma2 semaphore(%run_scoped3A : memref<!tpu.dma_semaphore, #tpu.memory_space<semaphore_mem>>) src(%dma_wait3A_23 : memref<1600xi32, #tpu.memory_space<hbm>>) dst(%arg5 : memref<1600xi32, #tpu.memory_space<vmem>>)
      tpu.yield
    }) : () -> ()
    %dma_start3A = arith.constant 0 : i32
    %dma_start3A_7 = arith.constant 0 : i32
    %dma_start3A_8 = tpu.memref_slice %arg3[%dma_start3A, %dma_start3A_7] : memref<1000000x32xf32, #tpu.memory_space<hbm>> -> memref<1000000x32xf32, #tpu.memory_space<hbm>>
    tpu.enqueue_indirect_dma source(%dma_start3A_8 : memref<1000000x32xf32, #tpu.memory_space<hbm>>) target(%arg7 : memref<1600x32xf32, #tpu.memory_space<vmem>>) offsets(%arg5 : memref<1600xi32, #tpu.memory_space<vmem>>) semaphore(%arg9 : memref<!tpu.dma_semaphore, #tpu.memory_space<semaphore_mem>>)
    %add3A_9 = arith.constant 1600 : i32
    %add3A_10 = arith.addi %mul3A_4, %add3A_9 : i32
    %multiple_of3A_11 = tpu.assume_multiple %add3A_10, 8 : i32
    "tpu.region"() ({
      %run_scoped3A = tpu.sem_alloc : memref<!tpu.dma_semaphore, #tpu.memory_space<semaphore_mem>>
      %dma_start3A_21 = tpu.memref_slice %arg2[%multiple_of3A_11] : memref<819200xi32, #tpu.memory_space<hbm>> -> memref<1600xi32, #tpu.memory_space<hbm>>
      %dma_start3A_22 = tpu.memref_slice %arg2[%multiple_of3A_11] : memref<819200xi32, #tpu.memory_space<hbm>> -> memref<1600xi32, #tpu.memory_space<hbm>>
      tpu.enqueue_dma source(%dma_start3A_22 : memref<1600xi32, #tpu.memory_space<hbm>>) target(%arg6 : memref<1600xi32, #tpu.memory_space<vmem>>) target_semaphore(%run_scoped3A : memref<!tpu.dma_semaphore, #tpu.memory_space<semaphore_mem>>)
      %dma_wait3A = tpu.memref_slice %arg2[%multiple_of3A_11] : memref<819200xi32, #tpu.memory_space<hbm>> -> memref<1600xi32, #tpu.memory_space<hbm>>
      %dma_wait3A_23 = tpu.memref_slice %arg2[%multiple_of3A_11] : memref<819200xi32, #tpu.memory_space<hbm>> -> memref<1600xi32, #tpu.memory_space<hbm>>
      tpu.wait_dma2 semaphore(%run_scoped3A : memref<!tpu.dma_semaphore, #tpu.memory_space<semaphore_mem>>) src(%dma_wait3A_23 : memref<1600xi32, #tpu.memory_space<hbm>>) dst(%arg6 : memref<1600xi32, #tpu.memory_space<vmem>>)
      tpu.yield
    }) : () -> ()
    %dma_start3A_12 = arith.constant 0 : i32
    %dma_start3A_13 = arith.constant 0 : i32
    %dma_start3A_14 = tpu.memref_slice %arg3[%dma_start3A_12, %dma_start3A_13] : memref<1000000x32xf32, #tpu.memory_space<hbm>> -> memref<1000000x32xf32, #tpu.memory_space<hbm>>
    tpu.enqueue_indirect_dma source(%dma_start3A_14 : memref<1000000x32xf32, #tpu.memory_space<hbm>>) target(%arg8 : memref<1600x32xf32, #tpu.memory_space<vmem>>) offsets(%arg6 : memref<1600xi32, #tpu.memory_space<vmem>>) semaphore(%arg10 : memref<!tpu.dma_semaphore, #tpu.memory_space<semaphore_mem>>)
    %scan3A = arith.constant 0 : i32
    %scan3A_15 = arith.constant 0 : i32
    %scan3A_16 = arith.constant 8 : i32
    %scan3A_17 = arith.addi %scan3A_15, %scan3A_16 : i32
    %scan3A_18 = arith.constant 1 : i32
    %scan3A_19 = scf.for %scan3A_21 = %scan3A_15 to %scan3A_17 step %scan3A_18 iter_args(%scan3A_22 = %scan3A) -> (i32)  : i32 {
      %mul3A_23 = arith.constant 2 : i32
      %mul3A_24 = arith.muli %scan3A_21, %mul3A_23 : i32
      %add3A_25 = arith.constant 0 : i32
      %add3A_26 = arith.addi %mul3A_24, %add3A_25 : i32
      %dma_wait3A = arith.constant 0 : i32
      %dma_wait3A_27 = arith.constant 0 : i32
      %dma_wait3A_28 = tpu.memref_slice %arg3[%dma_wait3A, %dma_wait3A_27] : memref<1000000x32xf32, #tpu.memory_space<hbm>> -> memref<1000000x32xf32, #tpu.memory_space<hbm>>
      tpu.wait_indirect_dma semaphore(%arg9 : memref<!tpu.dma_semaphore, #tpu.memory_space<semaphore_mem>>) src(%dma_wait3A_28 : memref<1000000x32xf32, #tpu.memory_space<hbm>>) dst(%arg7 : memref<1600x32xf32, #tpu.memory_space<vmem>>)
      %mul3A_29 = arith.constant 32 : i32
      %mul3A_30 = arith.muli %add3A_26, %mul3A_29 : i32
      %add3A_31 = arith.addi %mul3A_2, %mul3A_30 : i32
      %add3A_32 = arith.constant 0 : i32
      %add3A_33 = arith.addi %add3A_31, %add3A_32 : i32
      %dma_start3A_34 = arith.constant 0 : i32
      %dma_start3A_35 = arith.constant 0 : i32
      %dma_start3A_36 = tpu.memref_slice %arg7[%dma_start3A_34, %dma_start3A_35] : memref<1600x32xf32, #tpu.memory_space<vmem>> -> memref<50x32xf32, #tpu.memory_space<vmem>>
      %dma_start3A_37 = arith.constant 0 : i32
      %dma_start3A_38 = arith.constant 0 : i32
      %dma_start3A_39 = tpu.memref_slice %arg4[%add3A_33, %dma_start3A_37, %dma_start3A_38] : memref<16384x50x32xf32, #tpu.memory_space<hbm>> -> memref<1x50x32xf32, #tpu.memory_space<hbm>>
      %dma_start3A_40 = tpu.memref_squeeze %dma_start3A_39 : memref<1x50x32xf32, #tpu.memory_space<hbm>> -> memref<50x32xf32, #tpu.memory_space<hbm>>
      %dma_start3A_41 = arith.constant 0 : i32
      %dma_start3A_42 = arith.constant 0 : i32
      %dma_start3A_43 = tpu.memref_slice %arg4[%add3A_33, %dma_start3A_41, %dma_start3A_42] : memref<16384x50x32xf32, #tpu.memory_space<hbm>> -> memref<1x50x32xf32, #tpu.memory_space<hbm>>
      %dma_start3A_44 = tpu.memref_squeeze %dma_start3A_43 : memref<1x50x32xf32, #tpu.memory_space<hbm>> -> memref<50x32xf32, #tpu.memory_space<hbm>>
      %dma_start3A_45 = arith.constant 0 : i32
      %dma_start3A_46 = arith.constant 0 : i32
      %dma_start3A_47 = tpu.memref_slice %arg7[%dma_start3A_45, %dma_start3A_46] : memref<1600x32xf32, #tpu.memory_space<vmem>> -> memref<50x32xf32, #tpu.memory_space<vmem>>
      tpu.enqueue_dma source(%dma_start3A_47 : memref<50x32xf32, #tpu.memory_space<vmem>>) target(%dma_start3A_44 : memref<50x32xf32, #tpu.memory_space<hbm>>) target_semaphore(%arg11 : memref<!tpu.dma_semaphore, #tpu.memory_space<semaphore_mem>>)
      %add3A_48 = arith.constant 1 : i32
      %add3A_49 = arith.addi %add3A_31, %add3A_48 : i32
      %dma_start3A_50 = arith.constant 50 : i32
      %dma_start3A_51 = arith.constant 0 : i32
      %dma_start3A_52 = tpu.memref_slice %arg7[%dma_start3A_50, %dma_start3A_51] : memref<1600x32xf32, #tpu.memory_space<vmem>> -> memref<50x32xf32, #tpu.memory_space<vmem>>
      %dma_start3A_53 = arith.constant 0 : i32
      %dma_start3A_54 = arith.constant 0 : i32
      %dma_start3A_55 = tpu.memref_slice %arg4[%add3A_49, %dma_start3A_53, %dma_start3A_54] : memref<16384x50x32xf32, #tpu.memory_space<hbm>> -> memref<1x50x32xf32, #tpu.memory_space<hbm>>
      %dma_start3A_56 = tpu.memref_squeeze %dma_start3A_55 : memref<1x50x32xf32, #tpu.memory_space<hbm>> -> memref<50x32xf32, #tpu.memory_space<hbm>>
      %dma_start3A_57 = arith.constant 0 : i32
      %dma_start3A_58 = arith.constant 0 : i32
      %dma_start3A_59 = tpu.memref_slice %arg4[%add3A_49, %dma_start3A_57, %dma_start3A_58] : memref<16384x50x32xf32, #tpu.memory_space<hbm>> -> memref<1x50x32xf32, #tpu.memory_space<hbm>>
      %dma_start3A_60 = tpu.memref_squeeze %dma_start3A_59 : memref<1x50x32xf32, #tpu.memory_space<hbm>> -> memref<50x32xf32, #tpu.memory_space<hbm>>
      %dma_start3A_61 = arith.constant 50 : i32
      %dma_start3A_62 = arith.constant 0 : i32
      %dma_start3A_63 = tpu.memref_slice %arg7[%dma_start3A_61, %dma_start3A_62] : memref<1600x32xf32, #tpu.memory_space<vmem>> -> memref<50x32xf32, #tpu.memory_space<vmem>>
      tpu.enqueue_dma source(%dma_start3A_63 : memref<50x32xf32, #tpu.memory_space<vmem>>) target(%dma_start3A_60 : memref<50x32xf32, #tpu.memory_space<hbm>>) target_semaphore(%arg11 : memref<!tpu.dma_semaphore, #tpu.memory_space<semaphore_mem>>)
      %add3A_64 = arith.constant 2 : i32
      %add3A_65 = arith.addi %add3A_31, %add3A_64 : i32
      %dma_start3A_66 = arith.constant 100 : i32
      %dma_start3A_67 = arith.constant 0 : i32
      %dma_start3A_68 = tpu.memref_slice %arg7[%dma_start3A_66, %dma_start3A_67] : memref<1600x32xf32, #tpu.memory_space<vmem>> -> memref<50x32xf32, #tpu.memory_space<vmem>>
      %dma_start3A_69 = arith.constant 0 : i32
      %dma_start3A_70 = arith.constant 0 : i32
      %dma_start3A_71 = tpu.memref_slice %arg4[%add3A_65, %dma_start3A_69, %dma_start3A_70] : memref<16384x50x32xf32, #tpu.memory_space<hbm>> -> memref<1x50x32xf32, #tpu.memory_space<hbm>>
      %dma_start3A_72 = tpu.memref_squeeze %dma_start3A_71 : memref<1x50x32xf32, #tpu.memory_space<hbm>> -> memref<50x32xf32, #tpu.memory_space<hbm>>
      %dma_start3A_73 = arith.constant 0 : i32
      %dma_start3A_74 = arith.constant 0 : i32
      %dma_start3A_75 = tpu.memref_slice %arg4[%add3A_65, %dma_start3A_73, %dma_start3A_74] : memref<16384x50x32xf32, #tpu.memory_space<hbm>> -> memref<1x50x32xf32, #tpu.memory_space<hbm>>
      %dma_start3A_76 = tpu.memref_squeeze %dma_start3A_75 : memref<1x50x32xf32, #tpu.memory_space<hbm>> -> memref<50x32xf32, #tpu.memory_space<hbm>>
      %dma_start3A_77 = arith.constant 100 : i32
      %dma_start3A_78 = arith.constant 0 : i32
      %dma_start3A_79 = tpu.memref_slice %arg7[%dma_start3A_77, %dma_start3A_78] : memref<1600x32xf32, #tpu.memory_space<vmem>> -> memref<50x32xf32, #tpu.memory_space<vmem>>
      tpu.enqueue_dma source(%dma_start3A_79 : memref<50x32xf32, #tpu.memory_space<vmem>>) target(%dma_start3A_76 : memref<50x32xf32, #tpu.memory_space<hbm>>) target_semaphore(%arg11 : memref<!tpu.dma_semaphore, #tpu.memory_space<semaphore_mem>>)
      %add3A_80 = arith.constant 3 : i32
      %add3A_81 = arith.addi %add3A_31, %add3A_80 : i32
      %dma_start3A_82 = arith.constant 150 : i32
      %dma_start3A_83 = arith.constant 0 : i32
      %dma_start3A_84 = tpu.memref_slice %arg7[%dma_start3A_82, %dma_start3A_83] : memref<1600x32xf32, #tpu.memory_space<vmem>> -> memref<50x32xf32, #tpu.memory_space<vmem>>
      %dma_start3A_85 = arith.constant 0 : i32
      %dma_start3A_86 = arith.constant 0 : i32
      %dma_start3A_87 = tpu.memref_slice %arg4[%add3A_81, %dma_start3A_85, %dma_start3A_86] : memref<16384x50x32xf32, #tpu.memory_space<hbm>> -> memref<1x50x32xf32, #tpu.memory_space<hbm>>
      %dma_start3A_88 = tpu.memref_squeeze %dma_start3A_87 : memref<1x50x32xf32, #tpu.memory_space<hbm>> -> memref<50x32xf32, #tpu.memory_space<hbm>>
      %dma_start3A_89 = arith.constant 0 : i32
      %dma_start3A_90 = arith.constant 0 : i32
      %dma_start3A_91 = tpu.memref_slice %arg4[%add3A_81, %dma_start3A_89, %dma_start3A_90] : memref<16384x50x32xf32, #tpu.memory_space<hbm>> -> memref<1x50x32xf32, #tpu.memory_space<hbm>>
      %dma_start3A_92 = tpu.memref_squeeze %dma_start3A_91 : memref<1x50x32xf32, #tpu.memory_space<hbm>> -> memref<50x32xf32, #tpu.memory_space<hbm>>
      %dma_start3A_93 = arith.constant 150 : i32
      %dma_start3A_94 = arith.constant 0 : i32
      %dma_start3A_95 = tpu.memref_slice %arg7[%dma_start3A_93, %dma_start3A_94] : memref<1600x32xf32, #tpu.memory_space<vmem>> -> memref<50x32xf32, #tpu.memory_space<vmem>>
      tpu.enqueue_dma source(%dma_start3A_95 : memref<50x32xf32, #tpu.memory_space<vmem>>) target(%dma_start3A_92 : memref<50x32xf32, #tpu.memory_space<hbm>>) target_semaphore(%arg11 : memref<!tpu.dma_semaphore, #tpu.memory_space<semaphore_mem>>)
      %add3A_96 = arith.constant 4 : i32
      %add3A_97 = arith.addi %add3A_31, %add3A_96 : i32
      %dma_start3A_98 = arith.constant 200 : i32
      %dma_start3A_99 = arith.constant 0 : i32
      %dma_start3A_100 = tpu.memref_slice %arg7[%dma_start3A_98, %dma_start3A_99] : memref<1600x32xf32, #tpu.memory_space<vmem>> -> memref<50x32xf32, #tpu.memory_space<vmem>>
      %dma_start3A_101 = arith.constant 0 : i32
      %dma_start3A_102 = arith.constant 0 : i32
      %dma_start3A_103 = tpu.memref_slice %arg4[%add3A_97, %dma_start3A_101, %dma_start3A_102] : memref<16384x50x32xf32, #tpu.memory_space<hbm>> -> memref<1x50x32xf32, #tpu.memory_space<hbm>>
      %dma_start3A_104 = tpu.memref_squeeze %dma_start3A_103 : memref<1x50x32xf32, #tpu.memory_space<hbm>> -> memref<50x32xf32, #tpu.memory_space<hbm>>
      %dma_start3A_105 = arith.constant 0 : i32
      %dma_start3A_106 = arith.constant 0 : i32
      %dma_start3A_107 = tpu.memref_slice %arg4[%add3A_97, %dma_start3A_105, %dma_start3A_106] : memref<16384x50x32xf32, #tpu.memory_space<hbm>> -> memref<1x50x32xf32, #tpu.memory_space<hbm>>
      %dma_start3A_108 = tpu.memref_squeeze %dma_start3A_107 : memref<1x50x32xf32, #tpu.memory_space<hbm>> -> memref<50x32xf32, #tpu.memory_space<hbm>>
      %dma_start3A_109 = arith.constant 200 : i32
      %dma_start3A_110 = arith.constant 0 : i32
      %dma_start3A_111 = tpu.memref_slice %arg7[%dma_start3A_109, %dma_start3A_110] : memref<1600x32xf32, #tpu.memory_space<vmem>> -> memref<50x32xf32, #tpu.memory_space<vmem>>
      tpu.enqueue_dma source(%dma_start3A_111 : memref<50x32xf32, #tpu.memory_space<vmem>>) target(%dma_start3A_108 : memref<50x32xf32, #tpu.memory_space<hbm>>) target_semaphore(%arg11 : memref<!tpu.dma_semaphore, #tpu.memory_space<semaphore_mem>>)
      %add3A_112 = arith.constant 5 : i32
      %add3A_113 = arith.addi %add3A_31, %add3A_112 : i32
      %dma_start3A_114 = arith.constant 250 : i32
      %dma_start3A_115 = arith.constant 0 : i32
      %dma_start3A_116 = tpu.memref_slice %arg7[%dma_start3A_114, %dma_start3A_115] : memref<1600x32xf32, #tpu.memory_space<vmem>> -> memref<50x32xf32, #tpu.memory_space<vmem>>
      %dma_start3A_117 = arith.constant 0 : i32
      %dma_start3A_118 = arith.constant 0 : i32
      %dma_start3A_119 = tpu.memref_slice %arg4[%add3A_113, %dma_start3A_117, %dma_start3A_118] : memref<16384x50x32xf32, #tpu.memory_space<hbm>> -> memref<1x50x32xf32, #tpu.memory_space<hbm>>
      %dma_start3A_120 = tpu.memref_squeeze %dma_start3A_119 : memref<1x50x32xf32, #tpu.memory_space<hbm>> -> memref<50x32xf32, #tpu.memory_space<hbm>>
      %dma_start3A_121 = arith.constant 0 : i32
      %dma_start3A_122 = arith.constant 0 : i32
      %dma_start3A_123 = tpu.memref_slice %arg4[%add3A_113, %dma_start3A_121, %dma_start3A_122] : memref<16384x50x32xf32, #tpu.memory_space<hbm>> -> memref<1x50x32xf32, #tpu.memory_space<hbm>>
      %dma_start3A_124 = tpu.memref_squeeze %dma_start3A_123 : memref<1x50x32xf32, #tpu.memory_space<hbm>> -> memref<50x32xf32, #tpu.memory_space<hbm>>
      %dma_start3A_125 = arith.constant 250 : i32
      %dma_start3A_126 = arith.constant 0 : i32
      %dma_start3A_127 = tpu.memref_slice %arg7[%dma_start3A_125, %dma_start3A_126] : memref<1600x32xf32, #tpu.memory_space<vmem>> -> memref<50x32xf32, #tpu.memory_space<vmem>>
      tpu.enqueue_dma source(%dma_start3A_127 : memref<50x32xf32, #tpu.memory_space<vmem>>) target(%dma_start3A_124 : memref<50x32xf32, #tpu.memory_space<hbm>>) target_semaphore(%arg11 : memref<!tpu.dma_semaphore, #tpu.memory_space<semaphore_mem>>)
      %add3A_128 = arith.constant 6 : i32
      %add3A_129 = arith.addi %add3A_31, %add3A_128 : i32
      %dma_start3A_130 = arith.constant 300 : i32
      %dma_start3A_131 = arith.constant 0 : i32
      %dma_start3A_132 = tpu.memref_slice %arg7[%dma_start3A_130, %dma_start3A_131] : memref<1600x32xf32, #tpu.memory_space<vmem>> -> memref<50x32xf32, #tpu.memory_space<vmem>>
      %dma_start3A_133 = arith.constant 0 : i32
      %dma_start3A_134 = arith.constant 0 : i32
      %dma_start3A_135 = tpu.memref_slice %arg4[%add3A_129, %dma_start3A_133, %dma_start3A_134] : memref<16384x50x32xf32, #tpu.memory_space<hbm>> -> memref<1x50x32xf32, #tpu.memory_space<hbm>>
      %dma_start3A_136 = tpu.memref_squeeze %dma_start3A_135 : memref<1x50x32xf32, #tpu.memory_space<hbm>> -> memref<50x32xf32, #tpu.memory_space<hbm>>
      %dma_start3A_137 = arith.constant 0 : i32
      %dma_start3A_138 = arith.constant 0 : i32
      %dma_start3A_139 = tpu.memref_slice %arg4[%add3A_129, %dma_start3A_137, %dma_start3A_138] : memref<16384x50x32xf32, #tpu.memory_space<hbm>> -> memref<1x50x32xf32, #tpu.memory_space<hbm>>
      %dma_start3A_140 = tpu.memref_squeeze %dma_start3A_139 : memref<1x50x32xf32, #tpu.memory_space<hbm>> -> memref<50x32xf32, #tpu.memory_space<hbm>>
      %dma_start3A_141 = arith.constant 300 : i32
      %dma_start3A_142 = arith.constant 0 : i32
      %dma_start3A_143 = tpu.memref_slice %arg7[%dma_start3A_141, %dma_start3A_142] : memref<1600x32xf32, #tpu.memory_space<vmem>> -> memref<50x32xf32, #tpu.memory_space<vmem>>
      tpu.enqueue_dma source(%dma_start3A_143 : memref<50x32xf32, #tpu.memory_space<vmem>>) target(%dma_start3A_140 : memref<50x32xf32, #tpu.memory_space<hbm>>) target_semaphore(%arg11 : memref<!tpu.dma_semaphore, #tpu.memory_space<semaphore_mem>>)
      %add3A_144 = arith.constant 7 : i32
      %add3A_145 = arith.addi %add3A_31, %add3A_144 : i32
      %dma_start3A_146 = arith.constant 350 : i32
      %dma_start3A_147 = arith.constant 0 : i32
      %dma_start3A_148 = tpu.memref_slice %arg7[%dma_start3A_146, %dma_start3A_147] : memref<1600x32xf32, #tpu.memory_space<vmem>> -> memref<50x32xf32, #tpu.memory_space<vmem>>
      %dma_start3A_149 = arith.constant 0 : i32
      %dma_start3A_150 = arith.constant 0 : i32
      %dma_start3A_151 = tpu.memref_slice %arg4[%add3A_145, %dma_start3A_149, %dma_start3A_150] : memref<16384x50x32xf32, #tpu.memory_space<hbm>> -> memref<1x50x32xf32, #tpu.memory_space<hbm>>
      %dma_start3A_152 = tpu.memref_squeeze %dma_start3A_151 : memref<1x50x32xf32, #tpu.memory_space<hbm>> -> memref<50x32xf32, #tpu.memory_space<hbm>>
      %dma_start3A_153 = arith.constant 0 : i32
      %dma_start3A_154 = arith.constant 0 : i32
      %dma_start3A_155 = tpu.memref_slice %arg4[%add3A_145, %dma_start3A_153, %dma_start3A_154] : memref<16384x50x32xf32, #tpu.memory_space<hbm>> -> memref<1x50x32xf32, #tpu.memory_space<hbm>>
      %dma_start3A_156 = tpu.memref_squeeze %dma_start3A_155 : memref<1x50x32xf32, #tpu.memory_space<hbm>> -> memref<50x32xf32, #tpu.memory_space<hbm>>
      %dma_start3A_157 = arith.constant 350 : i32
      %dma_start3A_158 = arith.constant 0 : i32
      %dma_start3A_159 = tpu.memref_slice %arg7[%dma_start3A_157, %dma_start3A_158] : memref<1600x32xf32, #tpu.memory_space<vmem>> -> memref<50x32xf32, #tpu.memory_space<vmem>>
      tpu.enqueue_dma source(%dma_start3A_159 : memref<50x32xf32, #tpu.memory_space<vmem>>) target(%dma_start3A_156 : memref<50x32xf32, #tpu.memory_space<hbm>>) target_semaphore(%arg11 : memref<!tpu.dma_semaphore, #tpu.memory_space<semaphore_mem>>)
      %add3A_160 = arith.constant 8 : i32
      %add3A_161 = arith.addi %add3A_31, %add3A_160 : i32
      %dma_start3A_162 = arith.constant 400 : i32
      %dma_start3A_163 = arith.constant 0 : i32
      %dma_start3A_164 = tpu.memref_slice %arg7[%dma_start3A_162, %dma_start3A_163] : memref<1600x32xf32, #tpu.memory_space<vmem>> -> memref<50x32xf32, #tpu.memory_space<vmem>>
      %dma_start3A_165 = arith.constant 0 : i32
      %dma_start3A_166 = arith.constant 0 : i32
      %dma_start3A_167 = tpu.memref_slice %arg4[%add3A_161, %dma_start3A_165, %dma_start3A_166] : memref<16384x50x32xf32, #tpu.memory_space<hbm>> -> memref<1x50x32xf32, #tpu.memory_space<hbm>>
      %dma_start3A_168 = tpu.memref_squeeze %dma_start3A_167 : memref<1x50x32xf32, #tpu.memory_space<hbm>> -> memref<50x32xf32, #tpu.memory_space<hbm>>
      %dma_start3A_169 = arith.constant 0 : i32
      %dma_start3A_170 = arith.constant 0 : i32
      %dma_start3A_171 = tpu.memref_slice %arg4[%add3A_161, %dma_start3A_169, %dma_start3A_170] : memref<16384x50x32xf32, #tpu.memory_space<hbm>> -> memref<1x50x32xf32, #tpu.memory_space<hbm>>
      %dma_start3A_172 = tpu.memref_squeeze %dma_start3A_171 : memref<1x50x32xf32, #tpu.memory_space<hbm>> -> memref<50x32xf32, #tpu.memory_space<hbm>>
      %dma_start3A_173 = arith.constant 400 : i32
      %dma_start3A_174 = arith.constant 0 : i32
      %dma_start3A_175 = tpu.memref_slice %arg7[%dma_start3A_173, %dma_start3A_174] : memref<1600x32xf32, #tpu.memory_space<vmem>> -> memref<50x32xf32, #tpu.memory_space<vmem>>
      tpu.enqueue_dma source(%dma_start3A_175 : memref<50x32xf32, #tpu.memory_space<vmem>>) target(%dma_start3A_172 : memref<50x32xf32, #tpu.memory_space<hbm>>) target_semaphore(%arg11 : memref<!tpu.dma_semaphore, #tpu.memory_space<semaphore_mem>>)
      %add3A_176 = arith.constant 9 : i32
      %add3A_177 = arith.addi %add3A_31, %add3A_176 : i32
      %dma_start3A_178 = arith.constant 450 : i32
      %dma_start3A_179 = arith.constant 0 : i32
      %dma_start3A_180 = tpu.memref_slice %arg7[%dma_start3A_178, %dma_start3A_179] : memref<1600x32xf32, #tpu.memory_space<vmem>> -> memref<50x32xf32, #tpu.memory_space<vmem>>
      %dma_start3A_181 = arith.constant 0 : i32
      %dma_start3A_182 = arith.constant 0 : i32
      %dma_start3A_183 = tpu.memref_slice %arg4[%add3A_177, %dma_start3A_181, %dma_start3A_182] : memref<16384x50x32xf32, #tpu.memory_space<hbm>> -> memref<1x50x32xf32, #tpu.memory_space<hbm>>
      %dma_start3A_184 = tpu.memref_squeeze %dma_start3A_183 : memref<1x50x32xf32, #tpu.memory_space<hbm>> -> memref<50x32xf32, #tpu.memory_space<hbm>>
      %dma_start3A_185 = arith.constant 0 : i32
      %dma_start3A_186 = arith.constant 0 : i32
      %dma_start3A_187 = tpu.memref_slice %arg4[%add3A_177, %dma_start3A_185, %dma_start3A_186] : memref<16384x50x32xf32, #tpu.memory_space<hbm>> -> memref<1x50x32xf32, #tpu.memory_space<hbm>>
      %dma_start3A_188 = tpu.memref_squeeze %dma_start3A_187 : memref<1x50x32xf32, #tpu.memory_space<hbm>> -> memref<50x32xf32, #tpu.memory_space<hbm>>
      %dma_start3A_189 = arith.constant 450 : i32
      %dma_start3A_190 = arith.constant 0 : i32
      %dma_start3A_191 = tpu.memref_slice %arg7[%dma_start3A_189, %dma_start3A_190] : memref<1600x32xf32, #tpu.memory_space<vmem>> -> memref<50x32xf32, #tpu.memory_space<vmem>>
      tpu.enqueue_dma source(%dma_start3A_191 : memref<50x32xf32, #tpu.memory_space<vmem>>) target(%dma_start3A_188 : memref<50x32xf32, #tpu.memory_space<hbm>>) target_semaphore(%arg11 : memref<!tpu.dma_semaphore, #tpu.memory_space<semaphore_mem>>)
      %add3A_192 = arith.constant 10 : i32
      %add3A_193 = arith.addi %add3A_31, %add3A_192 : i32
      %dma_start3A_194 = arith.constant 500 : i32
      %dma_start3A_195 = arith.constant 0 : i32
      %dma_start3A_196 = tpu.memref_slice %arg7[%dma_start3A_194, %dma_start3A_195] : memref<1600x32xf32, #tpu.memory_space<vmem>> -> memref<50x32xf32, #tpu.memory_space<vmem>>
      %dma_start3A_197 = arith.constant 0 : i32
      %dma_start3A_198 = arith.constant 0 : i32
      %dma_start3A_199 = tpu.memref_slice %arg4[%add3A_193, %dma_start3A_197, %dma_start3A_198] : memref<16384x50x32xf32, #tpu.memory_space<hbm>> -> memref<1x50x32xf32, #tpu.memory_space<hbm>>
      %dma_start3A_200 = tpu.memref_squeeze %dma_start3A_199 : memref<1x50x32xf32, #tpu.memory_space<hbm>> -> memref<50x32xf32, #tpu.memory_space<hbm>>
      %dma_start3A_201 = arith.constant 0 : i32
      %dma_start3A_202 = arith.constant 0 : i32
      %dma_start3A_203 = tpu.memref_slice %arg4[%add3A_193, %dma_start3A_201, %dma_start3A_202] : memref<16384x50x32xf32, #tpu.memory_space<hbm>> -> memref<1x50x32xf32, #tpu.memory_space<hbm>>
      %dma_start3A_204 = tpu.memref_squeeze %dma_start3A_203 : memref<1x50x32xf32, #tpu.memory_space<hbm>> -> memref<50x32xf32, #tpu.memory_space<hbm>>
      %dma_start3A_205 = arith.constant 500 : i32
      %dma_start3A_206 = arith.constant 0 : i32
      %dma_start3A_207 = tpu.memref_slice %arg7[%dma_start3A_205, %dma_start3A_206] : memref<1600x32xf32, #tpu.memory_space<vmem>> -> memref<50x32xf32, #tpu.memory_space<vmem>>
      tpu.enqueue_dma source(%dma_start3A_207 : memref<50x32xf32, #tpu.memory_space<vmem>>) target(%dma_start3A_204 : memref<50x32xf32, #tpu.memory_space<hbm>>) target_semaphore(%arg11 : memref<!tpu.dma_semaphore, #tpu.memory_space<semaphore_mem>>)
      %add3A_208 = arith.constant 11 : i32
      %add3A_209 = arith.addi %add3A_31, %add3A_208 : i32
      %dma_start3A_210 = arith.constant 550 : i32
      %dma_start3A_211 = arith.constant 0 : i32
      %dma_start3A_212 = tpu.memref_slice %arg7[%dma_start3A_210, %dma_start3A_211] : memref<1600x32xf32, #tpu.memory_space<vmem>> -> memref<50x32xf32, #tpu.memory_space<vmem>>
      %dma_start3A_213 = arith.constant 0 : i32
      %dma_start3A_214 = arith.constant 0 : i32
      %dma_start3A_215 = tpu.memref_slice %arg4[%add3A_209, %dma_start3A_213, %dma_start3A_214] : memref<16384x50x32xf32, #tpu.memory_space<hbm>> -> memref<1x50x32xf32, #tpu.memory_space<hbm>>
      %dma_start3A_216 = tpu.memref_squeeze %dma_start3A_215 : memref<1x50x32xf32, #tpu.memory_space<hbm>> -> memref<50x32xf32, #tpu.memory_space<hbm>>
      %dma_start3A_217 = arith.constant 0 : i32
      %dma_start3A_218 = arith.constant 0 : i32
      %dma_start3A_219 = tpu.memref_slice %arg4[%add3A_209, %dma_start3A_217, %dma_start3A_218] : memref<16384x50x32xf32, #tpu.memory_space<hbm>> -> memref<1x50x32xf32, #tpu.memory_space<hbm>>
      %dma_start3A_220 = tpu.memref_squeeze %dma_start3A_219 : memref<1x50x32xf32, #tpu.memory_space<hbm>> -> memref<50x32xf32, #tpu.memory_space<hbm>>
      %dma_start3A_221 = arith.constant 550 : i32
      %dma_start3A_222 = arith.constant 0 : i32
      %dma_start3A_223 = tpu.memref_slice %arg7[%dma_start3A_221, %dma_start3A_222] : memref<1600x32xf32, #tpu.memory_space<vmem>> -> memref<50x32xf32, #tpu.memory_space<vmem>>
      tpu.enqueue_dma source(%dma_start3A_223 : memref<50x32xf32, #tpu.memory_space<vmem>>) target(%dma_start3A_220 : memref<50x32xf32, #tpu.memory_space<hbm>>) target_semaphore(%arg11 : memref<!tpu.dma_semaphore, #tpu.memory_space<semaphore_mem>>)
      %add3A_224 = arith.constant 12 : i32
      %add3A_225 = arith.addi %add3A_31, %add3A_224 : i32
      %dma_start3A_226 = arith.constant 600 : i32
      %dma_start3A_227 = arith.constant 0 : i32
      %dma_start3A_228 = tpu.memref_slice %arg7[%dma_start3A_226, %dma_start3A_227] : memref<1600x32xf32, #tpu.memory_space<vmem>> -> memref<50x32xf32, #tpu.memory_space<vmem>>
      %dma_start3A_229 = arith.constant 0 : i32
      %dma_start3A_230 = arith.constant 0 : i32
      %dma_start3A_231 = tpu.memref_slice %arg4[%add3A_225, %dma_start3A_229, %dma_start3A_230] : memref<16384x50x32xf32, #tpu.memory_space<hbm>> -> memref<1x50x32xf32, #tpu.memory_space<hbm>>
      %dma_start3A_232 = tpu.memref_squeeze %dma_start3A_231 : memref<1x50x32xf32, #tpu.memory_space<hbm>> -> memref<50x32xf32, #tpu.memory_space<hbm>>
      %dma_start3A_233 = arith.constant 0 : i32
      %dma_start3A_234 = arith.constant 0 : i32
      %dma_start3A_235 = tpu.memref_slice %arg4[%add3A_225, %dma_start3A_233, %dma_start3A_234] : memref<16384x50x32xf32, #tpu.memory_space<hbm>> -> memref<1x50x32xf32, #tpu.memory_space<hbm>>
      %dma_start3A_236 = tpu.memref_squeeze %dma_start3A_235 : memref<1x50x32xf32, #tpu.memory_space<hbm>> -> memref<50x32xf32, #tpu.memory_space<hbm>>
      %dma_start3A_237 = arith.constant 600 : i32
      %dma_start3A_238 = arith.constant 0 : i32
      %dma_start3A_239 = tpu.memref_slice %arg7[%dma_start3A_237, %dma_start3A_238] : memref<1600x32xf32, #tpu.memory_space<vmem>> -> memref<50x32xf32, #tpu.memory_space<vmem>>
      tpu.enqueue_dma source(%dma_start3A_239 : memref<50x32xf32, #tpu.memory_space<vmem>>) target(%dma_start3A_236 : memref<50x32xf32, #tpu.memory_space<hbm>>) target_semaphore(%arg11 : memref<!tpu.dma_semaphore, #tpu.memory_space<semaphore_mem>>)
      %add3A_240 = arith.constant 13 : i32
      %add3A_241 = arith.addi %add3A_31, %add3A_240 : i32
      %dma_start3A_242 = arith.constant 650 : i32
      %dma_start3A_243 = arith.constant 0 : i32
      %dma_start3A_244 = tpu.memref_slice %arg7[%dma_start3A_242, %dma_start3A_243] : memref<1600x32xf32, #tpu.memory_space<vmem>> -> memref<50x32xf32, #tpu.memory_space<vmem>>
      %dma_start3A_245 = arith.constant 0 : i32
      %dma_start3A_246 = arith.constant 0 : i32
      %dma_start3A_247 = tpu.memref_slice %arg4[%add3A_241, %dma_start3A_245, %dma_start3A_246] : memref<16384x50x32xf32, #tpu.memory_space<hbm>> -> memref<1x50x32xf32, #tpu.memory_space<hbm>>
      %dma_start3A_248 = tpu.memref_squeeze %dma_start3A_247 : memref<1x50x32xf32, #tpu.memory_space<hbm>> -> memref<50x32xf32, #tpu.memory_space<hbm>>
      %dma_start3A_249 = arith.constant 0 : i32
      %dma_start3A_250 = arith.constant 0 : i32
      %dma_start3A_251 = tpu.memref_slice %arg4[%add3A_241, %dma_start3A_249, %dma_start3A_250] : memref<16384x50x32xf32, #tpu.memory_space<hbm>> -> memref<1x50x32xf32, #tpu.memory_space<hbm>>
      %dma_start3A_252 = tpu.memref_squeeze %dma_start3A_251 : memref<1x50x32xf32, #tpu.memory_space<hbm>> -> memref<50x32xf32, #tpu.memory_space<hbm>>
      %dma_start3A_253 = arith.constant 650 : i32
      %dma_start3A_254 = arith.constant 0 : i32
      %dma_start3A_255 = tpu.memref_slice %arg7[%dma_start3A_253, %dma_start3A_254] : memref<1600x32xf32, #tpu.memory_space<vmem>> -> memref<50x32xf32, #tpu.memory_space<vmem>>
      tpu.enqueue_dma source(%dma_start3A_255 : memref<50x32xf32, #tpu.memory_space<vmem>>) target(%dma_start3A_252 : memref<50x32xf32, #tpu.memory_space<hbm>>) target_semaphore(%arg11 : memref<!tpu.dma_semaphore, #tpu.memory_space<semaphore_mem>>)
      %add3A_256 = arith.constant 14 : i32
      %add3A_257 = arith.addi %add3A_31, %add3A_256 : i32
      %dma_start3A_258 = arith.constant 700 : i32
      %dma_start3A_259 = arith.constant 0 : i32
      %dma_start3A_260 = tpu.memref_slice %arg7[%dma_start3A_258, %dma_start3A_259] : memref<1600x32xf32, #tpu.memory_space<vmem>> -> memref<50x32xf32, #tpu.memory_space<vmem>>
      %dma_start3A_261 = arith.constant 0 : i32
      %dma_start3A_262 = arith.constant 0 : i32
      %dma_start3A_263 = tpu.memref_slice %arg4[%add3A_257, %dma_start3A_261, %dma_start3A_262] : memref<16384x50x32xf32, #tpu.memory_space<hbm>> -> memref<1x50x32xf32, #tpu.memory_space<hbm>>
      %dma_start3A_264 = tpu.memref_squeeze %dma_start3A_263 : memref<1x50x32xf32, #tpu.memory_space<hbm>> -> memref<50x32xf32, #tpu.memory_space<hbm>>
      %dma_start3A_265 = arith.constant 0 : i32
      %dma_start3A_266 = arith.constant 0 : i32
      %dma_start3A_267 = tpu.memref_slice %arg4[%add3A_257, %dma_start3A_265, %dma_start3A_266] : memref<16384x50x32xf32, #tpu.memory_space<hbm>> -> memref<1x50x32xf32, #tpu.memory_space<hbm>>
      %dma_start3A_268 = tpu.memref_squeeze %dma_start3A_267 : memref<1x50x32xf32, #tpu.memory_space<hbm>> -> memref<50x32xf32, #tpu.memory_space<hbm>>
      %dma_start3A_269 = arith.constant 700 : i32
      %dma_start3A_270 = arith.constant 0 : i32
      %dma_start3A_271 = tpu.memref_slice %arg7[%dma_start3A_269, %dma_start3A_270] : memref<1600x32xf32, #tpu.memory_space<vmem>> -> memref<50x32xf32, #tpu.memory_space<vmem>>
      tpu.enqueue_dma source(%dma_start3A_271 : memref<50x32xf32, #tpu.memory_space<vmem>>) target(%dma_start3A_268 : memref<50x32xf32, #tpu.memory_space<hbm>>) target_semaphore(%arg11 : memref<!tpu.dma_semaphore, #tpu.memory_space<semaphore_mem>>)
      %add3A_272 = arith.constant 15 : i32
      %add3A_273 = arith.addi %add3A_31, %add3A_272 : i32
      %dma_start3A_274 = arith.constant 750 : i32
      %dma_start3A_275 = arith.constant 0 : i32
      %dma_start3A_276 = tpu.memref_slice %arg7[%dma_start3A_274, %dma_start3A_275] : memref<1600x32xf32, #tpu.memory_space<vmem>> -> memref<50x32xf32, #tpu.memory_space<vmem>>
      %dma_start3A_277 = arith.constant 0 : i32
      %dma_start3A_278 = arith.constant 0 : i32
      %dma_start3A_279 = tpu.memref_slice %arg4[%add3A_273, %dma_start3A_277, %dma_start3A_278] : memref<16384x50x32xf32, #tpu.memory_space<hbm>> -> memref<1x50x32xf32, #tpu.memory_space<hbm>>
      %dma_start3A_280 = tpu.memref_squeeze %dma_start3A_279 : memref<1x50x32xf32, #tpu.memory_space<hbm>> -> memref<50x32xf32, #tpu.memory_space<hbm>>
      %dma_start3A_281 = arith.constant 0 : i32
      %dma_start3A_282 = arith.constant 0 : i32
      %dma_start3A_283 = tpu.memref_slice %arg4[%add3A_273, %dma_start3A_281, %dma_start3A_282] : memref<16384x50x32xf32, #tpu.memory_space<hbm>> -> memref<1x50x32xf32, #tpu.memory_space<hbm>>
      %dma_start3A_284 = tpu.memref_squeeze %dma_start3A_283 : memref<1x50x32xf32, #tpu.memory_space<hbm>> -> memref<50x32xf32, #tpu.memory_space<hbm>>
      %dma_start3A_285 = arith.constant 750 : i32
      %dma_start3A_286 = arith.constant 0 : i32
      %dma_start3A_287 = tpu.memref_slice %arg7[%dma_start3A_285, %dma_start3A_286] : memref<1600x32xf32, #tpu.memory_space<vmem>> -> memref<50x32xf32, #tpu.memory_space<vmem>>
      tpu.enqueue_dma source(%dma_start3A_287 : memref<50x32xf32, #tpu.memory_space<vmem>>) target(%dma_start3A_284 : memref<50x32xf32, #tpu.memory_space<hbm>>) target_semaphore(%arg11 : memref<!tpu.dma_semaphore, #tpu.memory_space<semaphore_mem>>)
      %add3A_288 = arith.constant 16 : i32
      %add3A_289 = arith.addi %add3A_31, %add3A_288 : i32
      %dma_start3A_290 = arith.constant 800 : i32
      %dma_start3A_291 = arith.constant 0 : i32
      %dma_start3A_292 = tpu.memref_slice %arg7[%dma_start3A_290, %dma_start3A_291] : memref<1600x32xf32, #tpu.memory_space<vmem>> -> memref<50x32xf32, #tpu.memory_space<vmem>>
      %dma_start3A_293 = arith.constant 0 : i32
      %dma_start3A_294 = arith.constant 0 : i32
      %dma_start3A_295 = tpu.memref_slice %arg4[%add3A_289, %dma_start3A_293, %dma_start3A_294] : memref<16384x50x32xf32, #tpu.memory_space<hbm>> -> memref<1x50x32xf32, #tpu.memory_space<hbm>>
      %dma_start3A_296 = tpu.memref_squeeze %dma_start3A_295 : memref<1x50x32xf32, #tpu.memory_space<hbm>> -> memref<50x32xf32, #tpu.memory_space<hbm>>
      %dma_start3A_297 = arith.constant 0 : i32
      %dma_start3A_298 = arith.constant 0 : i32
      %dma_start3A_299 = tpu.memref_slice %arg4[%add3A_289, %dma_start3A_297, %dma_start3A_298] : memref<16384x50x32xf32, #tpu.memory_space<hbm>> -> memref<1x50x32xf32, #tpu.memory_space<hbm>>
      %dma_start3A_300 = tpu.memref_squeeze %dma_start3A_299 : memref<1x50x32xf32, #tpu.memory_space<hbm>> -> memref<50x32xf32, #tpu.memory_space<hbm>>
      %dma_start3A_301 = arith.constant 800 : i32
      %dma_start3A_302 = arith.constant 0 : i32
      %dma_start3A_303 = tpu.memref_slice %arg7[%dma_start3A_301, %dma_start3A_302] : memref<1600x32xf32, #tpu.memory_space<vmem>> -> memref<50x32xf32, #tpu.memory_space<vmem>>
      tpu.enqueue_dma source(%dma_start3A_303 : memref<50x32xf32, #tpu.memory_space<vmem>>) target(%dma_start3A_300 : memref<50x32xf32, #tpu.memory_space<hbm>>) target_semaphore(%arg11 : memref<!tpu.dma_semaphore, #tpu.memory_space<semaphore_mem>>)
      %add3A_304 = arith.constant 17 : i32
      %add3A_305 = arith.addi %add3A_31, %add3A_304 : i32
      %dma_start3A_306 = arith.constant 850 : i32
      %dma_start3A_307 = arith.constant 0 : i32
      %dma_start3A_308 = tpu.memref_slice %arg7[%dma_start3A_306, %dma_start3A_307] : memref<1600x32xf32, #tpu.memory_space<vmem>> -> memref<50x32xf32, #tpu.memory_space<vmem>>
      %dma_start3A_309 = arith.constant 0 : i32
      %dma_start3A_310 = arith.constant 0 : i32
      %dma_start3A_311 = tpu.memref_slice %arg4[%add3A_305, %dma_start3A_309, %dma_start3A_310] : memref<16384x50x32xf32, #tpu.memory_space<hbm>> -> memref<1x50x32xf32, #tpu.memory_space<hbm>>
      %dma_start3A_312 = tpu.memref_squeeze %dma_start3A_311 : memref<1x50x32xf32, #tpu.memory_space<hbm>> -> memref<50x32xf32, #tpu.memory_space<hbm>>
      %dma_start3A_313 = arith.constant 0 : i32
      %dma_start3A_314 = arith.constant 0 : i32
      %dma_start3A_315 = tpu.memref_slice %arg4[%add3A_305, %dma_start3A_313, %dma_start3A_314] : memref<16384x50x32xf32, #tpu.memory_space<hbm>> -> memref<1x50x32xf32, #tpu.memory_space<hbm>>
      %dma_start3A_316 = tpu.memref_squeeze %dma_start3A_315 : memref<1x50x32xf32, #tpu.memory_space<hbm>> -> memref<50x32xf32, #tpu.memory_space<hbm>>
      %dma_start3A_317 = arith.constant 850 : i32
      %dma_start3A_318 = arith.constant 0 : i32
      %dma_start3A_319 = tpu.memref_slice %arg7[%dma_start3A_317, %dma_start3A_318] : memref<1600x32xf32, #tpu.memory_space<vmem>> -> memref<50x32xf32, #tpu.memory_space<vmem>>
      tpu.enqueue_dma source(%dma_start3A_319 : memref<50x32xf32, #tpu.memory_space<vmem>>) target(%dma_start3A_316 : memref<50x32xf32, #tpu.memory_space<hbm>>) target_semaphore(%arg11 : memref<!tpu.dma_semaphore, #tpu.memory_space<semaphore_mem>>)
      %add3A_320 = arith.constant 18 : i32
      %add3A_321 = arith.addi %add3A_31, %add3A_320 : i32
      %dma_start3A_322 = arith.constant 900 : i32
      %dma_start3A_323 = arith.constant 0 : i32
      %dma_start3A_324 = tpu.memref_slice %arg7[%dma_start3A_322, %dma_start3A_323] : memref<1600x32xf32, #tpu.memory_space<vmem>> -> memref<50x32xf32, #tpu.memory_space<vmem>>
      %dma_start3A_325 = arith.constant 0 : i32
      %dma_start3A_326 = arith.constant 0 : i32
      %dma_start3A_327 = tpu.memref_slice %arg4[%add3A_321, %dma_start3A_325, %dma_start3A_326] : memref<16384x50x32xf32, #tpu.memory_space<hbm>> -> memref<1x50x32xf32, #tpu.memory_space<hbm>>
      %dma_start3A_328 = tpu.memref_squeeze %dma_start3A_327 : memref<1x50x32xf32, #tpu.memory_space<hbm>> -> memref<50x32xf32, #tpu.memory_space<hbm>>
      %dma_start3A_329 = arith.constant 0 : i32
      %dma_start3A_330 = arith.constant 0 : i32
      %dma_start3A_331 = tpu.memref_slice %arg4[%add3A_321, %dma_start3A_329, %dma_start3A_330] : memref<16384x50x32xf32, #tpu.memory_space<hbm>> -> memref<1x50x32xf32, #tpu.memory_space<hbm>>
      %dma_start3A_332 = tpu.memref_squeeze %dma_start3A_331 : memref<1x50x32xf32, #tpu.memory_space<hbm>> -> memref<50x32xf32, #tpu.memory_space<hbm>>
      %dma_start3A_333 = arith.constant 900 : i32
      %dma_start3A_334 = arith.constant 0 : i32
      %dma_start3A_335 = tpu.memref_slice %arg7[%dma_start3A_333, %dma_start3A_334] : memref<1600x32xf32, #tpu.memory_space<vmem>> -> memref<50x32xf32, #tpu.memory_space<vmem>>
      tpu.enqueue_dma source(%dma_start3A_335 : memref<50x32xf32, #tpu.memory_space<vmem>>) target(%dma_start3A_332 : memref<50x32xf32, #tpu.memory_space<hbm>>) target_semaphore(%arg11 : memref<!tpu.dma_semaphore, #tpu.memory_space<semaphore_mem>>)
      %add3A_336 = arith.constant 19 : i32
      %add3A_337 = arith.addi %add3A_31, %add3A_336 : i32
      %dma_start3A_338 = arith.constant 950 : i32
      %dma_start3A_339 = arith.constant 0 : i32
      %dma_start3A_340 = tpu.memref_slice %arg7[%dma_start3A_338, %dma_start3A_339] : memref<1600x32xf32, #tpu.memory_space<vmem>> -> memref<50x32xf32, #tpu.memory_space<vmem>>
      %dma_start3A_341 = arith.constant 0 : i32
      %dma_start3A_342 = arith.constant 0 : i32
      %dma_start3A_343 = tpu.memref_slice %arg4[%add3A_337, %dma_start3A_341, %dma_start3A_342] : memref<16384x50x32xf32, #tpu.memory_space<hbm>> -> memref<1x50x32xf32, #tpu.memory_space<hbm>>
      %dma_start3A_344 = tpu.memref_squeeze %dma_start3A_343 : memref<1x50x32xf32, #tpu.memory_space<hbm>> -> memref<50x32xf32, #tpu.memory_space<hbm>>
      %dma_start3A_345 = arith.constant 0 : i32
      %dma_start3A_346 = arith.constant 0 : i32
      %dma_start3A_347 = tpu.memref_slice %arg4[%add3A_337, %dma_start3A_345, %dma_start3A_346] : memref<16384x50x32xf32, #tpu.memory_space<hbm>> -> memref<1x50x32xf32, #tpu.memory_space<hbm>>
      %dma_start3A_348 = tpu.memref_squeeze %dma_start3A_347 : memref<1x50x32xf32, #tpu.memory_space<hbm>> -> memref<50x32xf32, #tpu.memory_space<hbm>>
      %dma_start3A_349 = arith.constant 950 : i32
      %dma_start3A_350 = arith.constant 0 : i32
      %dma_start3A_351 = tpu.memref_slice %arg7[%dma_start3A_349, %dma_start3A_350] : memref<1600x32xf32, #tpu.memory_space<vmem>> -> memref<50x32xf32, #tpu.memory_space<vmem>>
      tpu.enqueue_dma source(%dma_start3A_351 : memref<50x32xf32, #tpu.memory_space<vmem>>) target(%dma_start3A_348 : memref<50x32xf32, #tpu.memory_space<hbm>>) target_semaphore(%arg11 : memref<!tpu.dma_semaphore, #tpu.memory_space<semaphore_mem>>)
      %add3A_352 = arith.constant 20 : i32
      %add3A_353 = arith.addi %add3A_31, %add3A_352 : i32
      %dma_start3A_354 = arith.constant 1000 : i32
      %dma_start3A_355 = arith.constant 0 : i32
      %dma_start3A_356 = tpu.memref_slice %arg7[%dma_start3A_354, %dma_start3A_355] : memref<1600x32xf32, #tpu.memory_space<vmem>> -> memref<50x32xf32, #tpu.memory_space<vmem>>
      %dma_start3A_357 = arith.constant 0 : i32
      %dma_start3A_358 = arith.constant 0 : i32
      %dma_start3A_359 = tpu.memref_slice %arg4[%add3A_353, %dma_start3A_357, %dma_start3A_358] : memref<16384x50x32xf32, #tpu.memory_space<hbm>> -> memref<1x50x32xf32, #tpu.memory_space<hbm>>
      %dma_start3A_360 = tpu.memref_squeeze %dma_start3A_359 : memref<1x50x32xf32, #tpu.memory_space<hbm>> -> memref<50x32xf32, #tpu.memory_space<hbm>>
      %dma_start3A_361 = arith.constant 0 : i32
      %dma_start3A_362 = arith.constant 0 : i32
      %dma_start3A_363 = tpu.memref_slice %arg4[%add3A_353, %dma_start3A_361, %dma_start3A_362] : memref<16384x50x32xf32, #tpu.memory_space<hbm>> -> memref<1x50x32xf32, #tpu.memory_space<hbm>>
      %dma_start3A_364 = tpu.memref_squeeze %dma_start3A_363 : memref<1x50x32xf32, #tpu.memory_space<hbm>> -> memref<50x32xf32, #tpu.memory_space<hbm>>
      %dma_start3A_365 = arith.constant 1000 : i32
      %dma_start3A_366 = arith.constant 0 : i32
      %dma_start3A_367 = tpu.memref_slice %arg7[%dma_start3A_365, %dma_start3A_366] : memref<1600x32xf32, #tpu.memory_space<vmem>> -> memref<50x32xf32, #tpu.memory_space<vmem>>
      tpu.enqueue_dma source(%dma_start3A_367 : memref<50x32xf32, #tpu.memory_space<vmem>>) target(%dma_start3A_364 : memref<50x32xf32, #tpu.memory_space<hbm>>) target_semaphore(%arg11 : memref<!tpu.dma_semaphore, #tpu.memory_space<semaphore_mem>>)
      %add3A_368 = arith.constant 21 : i32
      %add3A_369 = arith.addi %add3A_31, %add3A_368 : i32
      %dma_start3A_370 = arith.constant 1050 : i32
      %dma_start3A_371 = arith.constant 0 : i32
      %dma_start3A_372 = tpu.memref_slice %arg7[%dma_start3A_370, %dma_start3A_371] : memref<1600x32xf32, #tpu.memory_space<vmem>> -> memref<50x32xf32, #tpu.memory_space<vmem>>
      %dma_start3A_373 = arith.constant 0 : i32
      %dma_start3A_374 = arith.constant 0 : i32
      %dma_start3A_375 = tpu.memref_slice %arg4[%add3A_369, %dma_start3A_373, %dma_start3A_374] : memref<16384x50x32xf32, #tpu.memory_space<hbm>> -> memref<1x50x32xf32, #tpu.memory_space<hbm>>
      %dma_start3A_376 = tpu.memref_squeeze %dma_start3A_375 : memref<1x50x32xf32, #tpu.memory_space<hbm>> -> memref<50x32xf32, #tpu.memory_space<hbm>>
      %dma_start3A_377 = arith.constant 0 : i32
      %dma_start3A_378 = arith.constant 0 : i32
      %dma_start3A_379 = tpu.memref_slice %arg4[%add3A_369, %dma_start3A_377, %dma_start3A_378] : memref<16384x50x32xf32, #tpu.memory_space<hbm>> -> memref<1x50x32xf32, #tpu.memory_space<hbm>>
      %dma_start3A_380 = tpu.memref_squeeze %dma_start3A_379 : memref<1x50x32xf32, #tpu.memory_space<hbm>> -> memref<50x32xf32, #tpu.memory_space<hbm>>
      %dma_start3A_381 = arith.constant 1050 : i32
      %dma_start3A_382 = arith.constant 0 : i32
      %dma_start3A_383 = tpu.memref_slice %arg7[%dma_start3A_381, %dma_start3A_382] : memref<1600x32xf32, #tpu.memory_space<vmem>> -> memref<50x32xf32, #tpu.memory_space<vmem>>
      tpu.enqueue_dma source(%dma_start3A_383 : memref<50x32xf32, #tpu.memory_space<vmem>>) target(%dma_start3A_380 : memref<50x32xf32, #tpu.memory_space<hbm>>) target_semaphore(%arg11 : memref<!tpu.dma_semaphore, #tpu.memory_space<semaphore_mem>>)
      %add3A_384 = arith.constant 22 : i32
      %add3A_385 = arith.addi %add3A_31, %add3A_384 : i32
      %dma_start3A_386 = arith.constant 1100 : i32
      %dma_start3A_387 = arith.constant 0 : i32
      %dma_start3A_388 = tpu.memref_slice %arg7[%dma_start3A_386, %dma_start3A_387] : memref<1600x32xf32, #tpu.memory_space<vmem>> -> memref<50x32xf32, #tpu.memory_space<vmem>>
      %dma_start3A_389 = arith.constant 0 : i32
      %dma_start3A_390 = arith.constant 0 : i32
      %dma_start3A_391 = tpu.memref_slice %arg4[%add3A_385, %dma_start3A_389, %dma_start3A_390] : memref<16384x50x32xf32, #tpu.memory_space<hbm>> -> memref<1x50x32xf32, #tpu.memory_space<hbm>>
      %dma_start3A_392 = tpu.memref_squeeze %dma_start3A_391 : memref<1x50x32xf32, #tpu.memory_space<hbm>> -> memref<50x32xf32, #tpu.memory_space<hbm>>
      %dma_start3A_393 = arith.constant 0 : i32
      %dma_start3A_394 = arith.constant 0 : i32
      %dma_start3A_395 = tpu.memref_slice %arg4[%add3A_385, %dma_start3A_393, %dma_start3A_394] : memref<16384x50x32xf32, #tpu.memory_space<hbm>> -> memref<1x50x32xf32, #tpu.memory_space<hbm>>
      %dma_start3A_396 = tpu.memref_squeeze %dma_start3A_395 : memref<1x50x32xf32, #tpu.memory_space<hbm>> -> memref<50x32xf32, #tpu.memory_space<hbm>>
      %dma_start3A_397 = arith.constant 1100 : i32
      %dma_start3A_398 = arith.constant 0 : i32
      %dma_start3A_399 = tpu.memref_slice %arg7[%dma_start3A_397, %dma_start3A_398] : memref<1600x32xf32, #tpu.memory_space<vmem>> -> memref<50x32xf32, #tpu.memory_space<vmem>>
      tpu.enqueue_dma source(%dma_start3A_399 : memref<50x32xf32, #tpu.memory_space<vmem>>) target(%dma_start3A_396 : memref<50x32xf32, #tpu.memory_space<hbm>>) target_semaphore(%arg11 : memref<!tpu.dma_semaphore, #tpu.memory_space<semaphore_mem>>)
      %add3A_400 = arith.constant 23 : i32
      %add3A_401 = arith.addi %add3A_31, %add3A_400 : i32
      %dma_start3A_402 = arith.constant 1150 : i32
      %dma_start3A_403 = arith.constant 0 : i32
      %dma_start3A_404 = tpu.memref_slice %arg7[%dma_start3A_402, %dma_start3A_403] : memref<1600x32xf32, #tpu.memory_space<vmem>> -> memref<50x32xf32, #tpu.memory_space<vmem>>
      %dma_start3A_405 = arith.constant 0 : i32
      %dma_start3A_406 = arith.constant 0 : i32
      %dma_start3A_407 = tpu.memref_slice %arg4[%add3A_401, %dma_start3A_405, %dma_start3A_406] : memref<16384x50x32xf32, #tpu.memory_space<hbm>> -> memref<1x50x32xf32, #tpu.memory_space<hbm>>
      %dma_start3A_408 = tpu.memref_squeeze %dma_start3A_407 : memref<1x50x32xf32, #tpu.memory_space<hbm>> -> memref<50x32xf32, #tpu.memory_space<hbm>>
      %dma_start3A_409 = arith.constant 0 : i32
      %dma_start3A_410 = arith.constant 0 : i32
      %dma_start3A_411 = tpu.memref_slice %arg4[%add3A_401, %dma_start3A_409, %dma_start3A_410] : memref<16384x50x32xf32, #tpu.memory_space<hbm>> -> memref<1x50x32xf32, #tpu.memory_space<hbm>>
      %dma_start3A_412 = tpu.memref_squeeze %dma_start3A_411 : memref<1x50x32xf32, #tpu.memory_space<hbm>> -> memref<50x32xf32, #tpu.memory_space<hbm>>
      %dma_start3A_413 = arith.constant 1150 : i32
      %dma_start3A_414 = arith.constant 0 : i32
      %dma_start3A_415 = tpu.memref_slice %arg7[%dma_start3A_413, %dma_start3A_414] : memref<1600x32xf32, #tpu.memory_space<vmem>> -> memref<50x32xf32, #tpu.memory_space<vmem>>
      tpu.enqueue_dma source(%dma_start3A_415 : memref<50x32xf32, #tpu.memory_space<vmem>>) target(%dma_start3A_412 : memref<50x32xf32, #tpu.memory_space<hbm>>) target_semaphore(%arg11 : memref<!tpu.dma_semaphore, #tpu.memory_space<semaphore_mem>>)
      %add3A_416 = arith.constant 24 : i32
      %add3A_417 = arith.addi %add3A_31, %add3A_416 : i32
      %dma_start3A_418 = arith.constant 1200 : i32
      %dma_start3A_419 = arith.constant 0 : i32
      %dma_start3A_420 = tpu.memref_slice %arg7[%dma_start3A_418, %dma_start3A_419] : memref<1600x32xf32, #tpu.memory_space<vmem>> -> memref<50x32xf32, #tpu.memory_space<vmem>>
      %dma_start3A_421 = arith.constant 0 : i32
      %dma_start3A_422 = arith.constant 0 : i32
      %dma_start3A_423 = tpu.memref_slice %arg4[%add3A_417, %dma_start3A_421, %dma_start3A_422] : memref<16384x50x32xf32, #tpu.memory_space<hbm>> -> memref<1x50x32xf32, #tpu.memory_space<hbm>>
      %dma_start3A_424 = tpu.memref_squeeze %dma_start3A_423 : memref<1x50x32xf32, #tpu.memory_space<hbm>> -> memref<50x32xf32, #tpu.memory_space<hbm>>
      %dma_start3A_425 = arith.constant 0 : i32
      %dma_start3A_426 = arith.constant 0 : i32
      %dma_start3A_427 = tpu.memref_slice %arg4[%add3A_417, %dma_start3A_425, %dma_start3A_426] : memref<16384x50x32xf32, #tpu.memory_space<hbm>> -> memref<1x50x32xf32, #tpu.memory_space<hbm>>
      %dma_start3A_428 = tpu.memref_squeeze %dma_start3A_427 : memref<1x50x32xf32, #tpu.memory_space<hbm>> -> memref<50x32xf32, #tpu.memory_space<hbm>>
      %dma_start3A_429 = arith.constant 1200 : i32
      %dma_start3A_430 = arith.constant 0 : i32
      %dma_start3A_431 = tpu.memref_slice %arg7[%dma_start3A_429, %dma_start3A_430] : memref<1600x32xf32, #tpu.memory_space<vmem>> -> memref<50x32xf32, #tpu.memory_space<vmem>>
      tpu.enqueue_dma source(%dma_start3A_431 : memref<50x32xf32, #tpu.memory_space<vmem>>) target(%dma_start3A_428 : memref<50x32xf32, #tpu.memory_space<hbm>>) target_semaphore(%arg11 : memref<!tpu.dma_semaphore, #tpu.memory_space<semaphore_mem>>)
      %add3A_432 = arith.constant 25 : i32
      %add3A_433 = arith.addi %add3A_31, %add3A_432 : i32
      %dma_start3A_434 = arith.constant 1250 : i32
      %dma_start3A_435 = arith.constant 0 : i32
      %dma_start3A_436 = tpu.memref_slice %arg7[%dma_start3A_434, %dma_start3A_435] : memref<1600x32xf32, #tpu.memory_space<vmem>> -> memref<50x32xf32, #tpu.memory_space<vmem>>
      %dma_start3A_437 = arith.constant 0 : i32
      %dma_start3A_438 = arith.constant 0 : i32
      %dma_start3A_439 = tpu.memref_slice %arg4[%add3A_433, %dma_start3A_437, %dma_start3A_438] : memref<16384x50x32xf32, #tpu.memory_space<hbm>> -> memref<1x50x32xf32, #tpu.memory_space<hbm>>
      %dma_start3A_440 = tpu.memref_squeeze %dma_start3A_439 : memref<1x50x32xf32, #tpu.memory_space<hbm>> -> memref<50x32xf32, #tpu.memory_space<hbm>>
      %dma_start3A_441 = arith.constant 0 : i32
      %dma_start3A_442 = arith.constant 0 : i32
      %dma_start3A_443 = tpu.memref_slice %arg4[%add3A_433, %dma_start3A_441, %dma_start3A_442] : memref<16384x50x32xf32, #tpu.memory_space<hbm>> -> memref<1x50x32xf32, #tpu.memory_space<hbm>>
      %dma_start3A_444 = tpu.memref_squeeze %dma_start3A_443 : memref<1x50x32xf32, #tpu.memory_space<hbm>> -> memref<50x32xf32, #tpu.memory_space<hbm>>
      %dma_start3A_445 = arith.constant 1250 : i32
      %dma_start3A_446 = arith.constant 0 : i32
      %dma_start3A_447 = tpu.memref_slice %arg7[%dma_start3A_445, %dma_start3A_446] : memref<1600x32xf32, #tpu.memory_space<vmem>> -> memref<50x32xf32, #tpu.memory_space<vmem>>
      tpu.enqueue_dma source(%dma_start3A_447 : memref<50x32xf32, #tpu.memory_space<vmem>>) target(%dma_start3A_444 : memref<50x32xf32, #tpu.memory_space<hbm>>) target_semaphore(%arg11 : memref<!tpu.dma_semaphore, #tpu.memory_space<semaphore_mem>>)
      %add3A_448 = arith.constant 26 : i32
      %add3A_449 = arith.addi %add3A_31, %add3A_448 : i32
      %dma_start3A_450 = arith.constant 1300 : i32
      %dma_start3A_451 = arith.constant 0 : i32
      %dma_start3A_452 = tpu.memref_slice %arg7[%dma_start3A_450, %dma_start3A_451] : memref<1600x32xf32, #tpu.memory_space<vmem>> -> memref<50x32xf32, #tpu.memory_space<vmem>>
      %dma_start3A_453 = arith.constant 0 : i32
      %dma_start3A_454 = arith.constant 0 : i32
      %dma_start3A_455 = tpu.memref_slice %arg4[%add3A_449, %dma_start3A_453, %dma_start3A_454] : memref<16384x50x32xf32, #tpu.memory_space<hbm>> -> memref<1x50x32xf32, #tpu.memory_space<hbm>>
      %dma_start3A_456 = tpu.memref_squeeze %dma_start3A_455 : memref<1x50x32xf32, #tpu.memory_space<hbm>> -> memref<50x32xf32, #tpu.memory_space<hbm>>
      %dma_start3A_457 = arith.constant 0 : i32
      %dma_start3A_458 = arith.constant 0 : i32
      %dma_start3A_459 = tpu.memref_slice %arg4[%add3A_449, %dma_start3A_457, %dma_start3A_458] : memref<16384x50x32xf32, #tpu.memory_space<hbm>> -> memref<1x50x32xf32, #tpu.memory_space<hbm>>
      %dma_start3A_460 = tpu.memref_squeeze %dma_start3A_459 : memref<1x50x32xf32, #tpu.memory_space<hbm>> -> memref<50x32xf32, #tpu.memory_space<hbm>>
      %dma_start3A_461 = arith.constant 1300 : i32
      %dma_start3A_462 = arith.constant 0 : i32
      %dma_start3A_463 = tpu.memref_slice %arg7[%dma_start3A_461, %dma_start3A_462] : memref<1600x32xf32, #tpu.memory_space<vmem>> -> memref<50x32xf32, #tpu.memory_space<vmem>>
      tpu.enqueue_dma source(%dma_start3A_463 : memref<50x32xf32, #tpu.memory_space<vmem>>) target(%dma_start3A_460 : memref<50x32xf32, #tpu.memory_space<hbm>>) target_semaphore(%arg11 : memref<!tpu.dma_semaphore, #tpu.memory_space<semaphore_mem>>)
      %add3A_464 = arith.constant 27 : i32
      %add3A_465 = arith.addi %add3A_31, %add3A_464 : i32
      %dma_start3A_466 = arith.constant 1350 : i32
      %dma_start3A_467 = arith.constant 0 : i32
      %dma_start3A_468 = tpu.memref_slice %arg7[%dma_start3A_466, %dma_start3A_467] : memref<1600x32xf32, #tpu.memory_space<vmem>> -> memref<50x32xf32, #tpu.memory_space<vmem>>
      %dma_start3A_469 = arith.constant 0 : i32
      %dma_start3A_470 = arith.constant 0 : i32
      %dma_start3A_471 = tpu.memref_slice %arg4[%add3A_465, %dma_start3A_469, %dma_start3A_470] : memref<16384x50x32xf32, #tpu.memory_space<hbm>> -> memref<1x50x32xf32, #tpu.memory_space<hbm>>
      %dma_start3A_472 = tpu.memref_squeeze %dma_start3A_471 : memref<1x50x32xf32, #tpu.memory_space<hbm>> -> memref<50x32xf32, #tpu.memory_space<hbm>>
      %dma_start3A_473 = arith.constant 0 : i32
      %dma_start3A_474 = arith.constant 0 : i32
      %dma_start3A_475 = tpu.memref_slice %arg4[%add3A_465, %dma_start3A_473, %dma_start3A_474] : memref<16384x50x32xf32, #tpu.memory_space<hbm>> -> memref<1x50x32xf32, #tpu.memory_space<hbm>>
      %dma_start3A_476 = tpu.memref_squeeze %dma_start3A_475 : memref<1x50x32xf32, #tpu.memory_space<hbm>> -> memref<50x32xf32, #tpu.memory_space<hbm>>
      %dma_start3A_477 = arith.constant 1350 : i32
      %dma_start3A_478 = arith.constant 0 : i32
      %dma_start3A_479 = tpu.memref_slice %arg7[%dma_start3A_477, %dma_start3A_478] : memref<1600x32xf32, #tpu.memory_space<vmem>> -> memref<50x32xf32, #tpu.memory_space<vmem>>
      tpu.enqueue_dma source(%dma_start3A_479 : memref<50x32xf32, #tpu.memory_space<vmem>>) target(%dma_start3A_476 : memref<50x32xf32, #tpu.memory_space<hbm>>) target_semaphore(%arg11 : memref<!tpu.dma_semaphore, #tpu.memory_space<semaphore_mem>>)
      %add3A_480 = arith.constant 28 : i32
      %add3A_481 = arith.addi %add3A_31, %add3A_480 : i32
      %dma_start3A_482 = arith.constant 1400 : i32
      %dma_start3A_483 = arith.constant 0 : i32
      %dma_start3A_484 = tpu.memref_slice %arg7[%dma_start3A_482, %dma_start3A_483] : memref<1600x32xf32, #tpu.memory_space<vmem>> -> memref<50x32xf32, #tpu.memory_space<vmem>>
      %dma_start3A_485 = arith.constant 0 : i32
      %dma_start3A_486 = arith.constant 0 : i32
      %dma_start3A_487 = tpu.memref_slice %arg4[%add3A_481, %dma_start3A_485, %dma_start3A_486] : memref<16384x50x32xf32, #tpu.memory_space<hbm>> -> memref<1x50x32xf32, #tpu.memory_space<hbm>>
      %dma_start3A_488 = tpu.memref_squeeze %dma_start3A_487 : memref<1x50x32xf32, #tpu.memory_space<hbm>> -> memref<50x32xf32, #tpu.memory_space<hbm>>
      %dma_start3A_489 = arith.constant 0 : i32
      %dma_start3A_490 = arith.constant 0 : i32
      %dma_start3A_491 = tpu.memref_slice %arg4[%add3A_481, %dma_start3A_489, %dma_start3A_490] : memref<16384x50x32xf32, #tpu.memory_space<hbm>> -> memref<1x50x32xf32, #tpu.memory_space<hbm>>
      %dma_start3A_492 = tpu.memref_squeeze %dma_start3A_491 : memref<1x50x32xf32, #tpu.memory_space<hbm>> -> memref<50x32xf32, #tpu.memory_space<hbm>>
      %dma_start3A_493 = arith.constant 1400 : i32
      %dma_start3A_494 = arith.constant 0 : i32
      %dma_start3A_495 = tpu.memref_slice %arg7[%dma_start3A_493, %dma_start3A_494] : memref<1600x32xf32, #tpu.memory_space<vmem>> -> memref<50x32xf32, #tpu.memory_space<vmem>>
      tpu.enqueue_dma source(%dma_start3A_495 : memref<50x32xf32, #tpu.memory_space<vmem>>) target(%dma_start3A_492 : memref<50x32xf32, #tpu.memory_space<hbm>>) target_semaphore(%arg11 : memref<!tpu.dma_semaphore, #tpu.memory_space<semaphore_mem>>)
      %add3A_496 = arith.constant 29 : i32
      %add3A_497 = arith.addi %add3A_31, %add3A_496 : i32
      %dma_start3A_498 = arith.constant 1450 : i32
      %dma_start3A_499 = arith.constant 0 : i32
      %dma_start3A_500 = tpu.memref_slice %arg7[%dma_start3A_498, %dma_start3A_499] : memref<1600x32xf32, #tpu.memory_space<vmem>> -> memref<50x32xf32, #tpu.memory_space<vmem>>
      %dma_start3A_501 = arith.constant 0 : i32
      %dma_start3A_502 = arith.constant 0 : i32
      %dma_start3A_503 = tpu.memref_slice %arg4[%add3A_497, %dma_start3A_501, %dma_start3A_502] : memref<16384x50x32xf32, #tpu.memory_space<hbm>> -> memref<1x50x32xf32, #tpu.memory_space<hbm>>
      %dma_start3A_504 = tpu.memref_squeeze %dma_start3A_503 : memref<1x50x32xf32, #tpu.memory_space<hbm>> -> memref<50x32xf32, #tpu.memory_space<hbm>>
      %dma_start3A_505 = arith.constant 0 : i32
      %dma_start3A_506 = arith.constant 0 : i32
      %dma_start3A_507 = tpu.memref_slice %arg4[%add3A_497, %dma_start3A_505, %dma_start3A_506] : memref<16384x50x32xf32, #tpu.memory_space<hbm>> -> memref<1x50x32xf32, #tpu.memory_space<hbm>>
      %dma_start3A_508 = tpu.memref_squeeze %dma_start3A_507 : memref<1x50x32xf32, #tpu.memory_space<hbm>> -> memref<50x32xf32, #tpu.memory_space<hbm>>
      %dma_start3A_509 = arith.constant 1450 : i32
      %dma_start3A_510 = arith.constant 0 : i32
      %dma_start3A_511 = tpu.memref_slice %arg7[%dma_start3A_509, %dma_start3A_510] : memref<1600x32xf32, #tpu.memory_space<vmem>> -> memref<50x32xf32, #tpu.memory_space<vmem>>
      tpu.enqueue_dma source(%dma_start3A_511 : memref<50x32xf32, #tpu.memory_space<vmem>>) target(%dma_start3A_508 : memref<50x32xf32, #tpu.memory_space<hbm>>) target_semaphore(%arg11 : memref<!tpu.dma_semaphore, #tpu.memory_space<semaphore_mem>>)
      %add3A_512 = arith.constant 30 : i32
      %add3A_513 = arith.addi %add3A_31, %add3A_512 : i32
      %dma_start3A_514 = arith.constant 1500 : i32
      %dma_start3A_515 = arith.constant 0 : i32
      %dma_start3A_516 = tpu.memref_slice %arg7[%dma_start3A_514, %dma_start3A_515] : memref<1600x32xf32, #tpu.memory_space<vmem>> -> memref<50x32xf32, #tpu.memory_space<vmem>>
      %dma_start3A_517 = arith.constant 0 : i32
      %dma_start3A_518 = arith.constant 0 : i32
      %dma_start3A_519 = tpu.memref_slice %arg4[%add3A_513, %dma_start3A_517, %dma_start3A_518] : memref<16384x50x32xf32, #tpu.memory_space<hbm>> -> memref<1x50x32xf32, #tpu.memory_space<hbm>>
      %dma_start3A_520 = tpu.memref_squeeze %dma_start3A_519 : memref<1x50x32xf32, #tpu.memory_space<hbm>> -> memref<50x32xf32, #tpu.memory_space<hbm>>
      %dma_start3A_521 = arith.constant 0 : i32
      %dma_start3A_522 = arith.constant 0 : i32
      %dma_start3A_523 = tpu.memref_slice %arg4[%add3A_513, %dma_start3A_521, %dma_start3A_522] : memref<16384x50x32xf32, #tpu.memory_space<hbm>> -> memref<1x50x32xf32, #tpu.memory_space<hbm>>
      %dma_start3A_524 = tpu.memref_squeeze %dma_start3A_523 : memref<1x50x32xf32, #tpu.memory_space<hbm>> -> memref<50x32xf32, #tpu.memory_space<hbm>>
      %dma_start3A_525 = arith.constant 1500 : i32
      %dma_start3A_526 = arith.constant 0 : i32
      %dma_start3A_527 = tpu.memref_slice %arg7[%dma_start3A_525, %dma_start3A_526] : memref<1600x32xf32, #tpu.memory_space<vmem>> -> memref<50x32xf32, #tpu.memory_space<vmem>>
      tpu.enqueue_dma source(%dma_start3A_527 : memref<50x32xf32, #tpu.memory_space<vmem>>) target(%dma_start3A_524 : memref<50x32xf32, #tpu.memory_space<hbm>>) target_semaphore(%arg11 : memref<!tpu.dma_semaphore, #tpu.memory_space<semaphore_mem>>)
      %add3A_528 = arith.constant 31 : i32
      %add3A_529 = arith.addi %add3A_31, %add3A_528 : i32
      %dma_start3A_530 = arith.constant 1550 : i32
      %dma_start3A_531 = arith.constant 0 : i32
      %dma_start3A_532 = tpu.memref_slice %arg7[%dma_start3A_530, %dma_start3A_531] : memref<1600x32xf32, #tpu.memory_space<vmem>> -> memref<50x32xf32, #tpu.memory_space<vmem>>
      %dma_start3A_533 = arith.constant 0 : i32
      %dma_start3A_534 = arith.constant 0 : i32
      %dma_start3A_535 = tpu.memref_slice %arg4[%add3A_529, %dma_start3A_533, %dma_start3A_534] : memref<16384x50x32xf32, #tpu.memory_space<hbm>> -> memref<1x50x32xf32, #tpu.memory_space<hbm>>
      %dma_start3A_536 = tpu.memref_squeeze %dma_start3A_535 : memref<1x50x32xf32, #tpu.memory_space<hbm>> -> memref<50x32xf32, #tpu.memory_space<hbm>>
      %dma_start3A_537 = arith.constant 0 : i32
      %dma_start3A_538 = arith.constant 0 : i32
      %dma_start3A_539 = tpu.memref_slice %arg4[%add3A_529, %dma_start3A_537, %dma_start3A_538] : memref<16384x50x32xf32, #tpu.memory_space<hbm>> -> memref<1x50x32xf32, #tpu.memory_space<hbm>>
      %dma_start3A_540 = tpu.memref_squeeze %dma_start3A_539 : memref<1x50x32xf32, #tpu.memory_space<hbm>> -> memref<50x32xf32, #tpu.memory_space<hbm>>
      %dma_start3A_541 = arith.constant 1550 : i32
      %dma_start3A_542 = arith.constant 0 : i32
      %dma_start3A_543 = tpu.memref_slice %arg7[%dma_start3A_541, %dma_start3A_542] : memref<1600x32xf32, #tpu.memory_space<vmem>> -> memref<50x32xf32, #tpu.memory_space<vmem>>
      tpu.enqueue_dma source(%dma_start3A_543 : memref<50x32xf32, #tpu.memory_space<vmem>>) target(%dma_start3A_540 : memref<50x32xf32, #tpu.memory_space<hbm>>) target_semaphore(%arg11 : memref<!tpu.dma_semaphore, #tpu.memory_space<semaphore_mem>>)
      %add3A_544 = arith.constant 0 : i32
      %add3A_545 = arith.addi %add3A_31, %add3A_544 : i32
      %dma_wait3A_546 = arith.constant 0 : i32
      %dma_wait3A_547 = arith.constant 0 : i32
      %dma_wait3A_548 = tpu.memref_slice %arg7[%dma_wait3A_546, %dma_wait3A_547] : memref<1600x32xf32, #tpu.memory_space<vmem>> -> memref<50x32xf32, #tpu.memory_space<vmem>>
      %dma_wait3A_549 = arith.constant 0 : i32
      %dma_wait3A_550 = arith.constant 0 : i32
      %dma_wait3A_551 = tpu.memref_slice %arg4[%add3A_545, %dma_wait3A_549, %dma_wait3A_550] : memref<16384x50x32xf32, #tpu.memory_space<hbm>> -> memref<1x50x32xf32, #tpu.memory_space<hbm>>
      %dma_wait3A_552 = tpu.memref_squeeze %dma_wait3A_551 : memref<1x50x32xf32, #tpu.memory_space<hbm>> -> memref<50x32xf32, #tpu.memory_space<hbm>>
      %dma_wait3A_553 = arith.constant 0 : i32
      %dma_wait3A_554 = arith.constant 0 : i32
      %dma_wait3A_555 = tpu.memref_slice %arg4[%add3A_545, %dma_wait3A_553, %dma_wait3A_554] : memref<16384x50x32xf32, #tpu.memory_space<hbm>> -> memref<1x50x32xf32, #tpu.memory_space<hbm>>
      %dma_wait3A_556 = tpu.memref_squeeze %dma_wait3A_555 : memref<1x50x32xf32, #tpu.memory_space<hbm>> -> memref<50x32xf32, #tpu.memory_space<hbm>>
      %dma_wait3A_557 = arith.constant 0 : i32
      %dma_wait3A_558 = arith.constant 0 : i32
      %dma_wait3A_559 = tpu.memref_slice %arg7[%dma_wait3A_557, %dma_wait3A_558] : memref<1600x32xf32, #tpu.memory_space<vmem>> -> memref<50x32xf32, #tpu.memory_space<vmem>>
      tpu.wait_dma2 semaphore(%arg11 : memref<!tpu.dma_semaphore, #tpu.memory_space<semaphore_mem>>) src(%dma_wait3A_559 : memref<50x32xf32, #tpu.memory_space<vmem>>) dst(%dma_wait3A_556 : memref<50x32xf32, #tpu.memory_space<hbm>>)
      %add3A_560 = arith.constant 1 : i32
      %add3A_561 = arith.addi %add3A_31, %add3A_560 : i32
      %dma_wait3A_562 = arith.constant 50 : i32
      %dma_wait3A_563 = arith.constant 0 : i32
      %dma_wait3A_564 = tpu.memref_slice %arg7[%dma_wait3A_562, %dma_wait3A_563] : memref<1600x32xf32, #tpu.memory_space<vmem>> -> memref<50x32xf32, #tpu.memory_space<vmem>>
      %dma_wait3A_565 = arith.constant 0 : i32
      %dma_wait3A_566 = arith.constant 0 : i32
      %dma_wait3A_567 = tpu.memref_slice %arg4[%add3A_561, %dma_wait3A_565, %dma_wait3A_566] : memref<16384x50x32xf32, #tpu.memory_space<hbm>> -> memref<1x50x32xf32, #tpu.memory_space<hbm>>
      %dma_wait3A_568 = tpu.memref_squeeze %dma_wait3A_567 : memref<1x50x32xf32, #tpu.memory_space<hbm>> -> memref<50x32xf32, #tpu.memory_space<hbm>>
      %dma_wait3A_569 = arith.constant 0 : i32
      %dma_wait3A_570 = arith.constant 0 : i32
      %dma_wait3A_571 = tpu.memref_slice %arg4[%add3A_561, %dma_wait3A_569, %dma_wait3A_570] : memref<16384x50x32xf32, #tpu.memory_space<hbm>> -> memref<1x50x32xf32, #tpu.memory_space<hbm>>
      %dma_wait3A_572 = tpu.memref_squeeze %dma_wait3A_571 : memref<1x50x32xf32, #tpu.memory_space<hbm>> -> memref<50x32xf32, #tpu.memory_space<hbm>>
      %dma_wait3A_573 = arith.constant 50 : i32
      %dma_wait3A_574 = arith.constant 0 : i32
      %dma_wait3A_575 = tpu.memref_slice %arg7[%dma_wait3A_573, %dma_wait3A_574] : memref<1600x32xf32, #tpu.memory_space<vmem>> -> memref<50x32xf32, #tpu.memory_space<vmem>>
      tpu.wait_dma2 semaphore(%arg11 : memref<!tpu.dma_semaphore, #tpu.memory_space<semaphore_mem>>) src(%dma_wait3A_575 : memref<50x32xf32, #tpu.memory_space<vmem>>) dst(%dma_wait3A_572 : memref<50x32xf32, #tpu.memory_space<hbm>>)
      %add3A_576 = arith.constant 2 : i32
      %add3A_577 = arith.addi %add3A_31, %add3A_576 : i32
      %dma_wait3A_578 = arith.constant 100 : i32
      %dma_wait3A_579 = arith.constant 0 : i32
      %dma_wait3A_580 = tpu.memref_slice %arg7[%dma_wait3A_578, %dma_wait3A_579] : memref<1600x32xf32, #tpu.memory_space<vmem>> -> memref<50x32xf32, #tpu.memory_space<vmem>>
      %dma_wait3A_581 = arith.constant 0 : i32
      %dma_wait3A_582 = arith.constant 0 : i32
      %dma_wait3A_583 = tpu.memref_slice %arg4[%add3A_577, %dma_wait3A_581, %dma_wait3A_582] : memref<16384x50x32xf32, #tpu.memory_space<hbm>> -> memref<1x50x32xf32, #tpu.memory_space<hbm>>
      %dma_wait3A_584 = tpu.memref_squeeze %dma_wait3A_583 : memref<1x50x32xf32, #tpu.memory_space<hbm>> -> memref<50x32xf32, #tpu.memory_space<hbm>>
      %dma_wait3A_585 = arith.constant 0 : i32
      %dma_wait3A_586 = arith.constant 0 : i32
      %dma_wait3A_587 = tpu.memref_slice %arg4[%add3A_577, %dma_wait3A_585, %dma_wait3A_586] : memref<16384x50x32xf32, #tpu.memory_space<hbm>> -> memref<1x50x32xf32, #tpu.memory_space<hbm>>
      %dma_wait3A_588 = tpu.memref_squeeze %dma_wait3A_587 : memref<1x50x32xf32, #tpu.memory_space<hbm>> -> memref<50x32xf32, #tpu.memory_space<hbm>>
      %dma_wait3A_589 = arith.constant 100 : i32
      %dma_wait3A_590 = arith.constant 0 : i32
      %dma_wait3A_591 = tpu.memref_slice %arg7[%dma_wait3A_589, %dma_wait3A_590] : memref<1600x32xf32, #tpu.memory_space<vmem>> -> memref<50x32xf32, #tpu.memory_space<vmem>>
      tpu.wait_dma2 semaphore(%arg11 : memref<!tpu.dma_semaphore, #tpu.memory_space<semaphore_mem>>) src(%dma_wait3A_591 : memref<50x32xf32, #tpu.memory_space<vmem>>) dst(%dma_wait3A_588 : memref<50x32xf32, #tpu.memory_space<hbm>>)
      %add3A_592 = arith.constant 3 : i32
      %add3A_593 = arith.addi %add3A_31, %add3A_592 : i32
      %dma_wait3A_594 = arith.constant 150 : i32
      %dma_wait3A_595 = arith.constant 0 : i32
      %dma_wait3A_596 = tpu.memref_slice %arg7[%dma_wait3A_594, %dma_wait3A_595] : memref<1600x32xf32, #tpu.memory_space<vmem>> -> memref<50x32xf32, #tpu.memory_space<vmem>>
      %dma_wait3A_597 = arith.constant 0 : i32
      %dma_wait3A_598 = arith.constant 0 : i32
      %dma_wait3A_599 = tpu.memref_slice %arg4[%add3A_593, %dma_wait3A_597, %dma_wait3A_598] : memref<16384x50x32xf32, #tpu.memory_space<hbm>> -> memref<1x50x32xf32, #tpu.memory_space<hbm>>
      %dma_wait3A_600 = tpu.memref_squeeze %dma_wait3A_599 : memref<1x50x32xf32, #tpu.memory_space<hbm>> -> memref<50x32xf32, #tpu.memory_space<hbm>>
      %dma_wait3A_601 = arith.constant 0 : i32
      %dma_wait3A_602 = arith.constant 0 : i32
      %dma_wait3A_603 = tpu.memref_slice %arg4[%add3A_593, %dma_wait3A_601, %dma_wait3A_602] : memref<16384x50x32xf32, #tpu.memory_space<hbm>> -> memref<1x50x32xf32, #tpu.memory_space<hbm>>
      %dma_wait3A_604 = tpu.memref_squeeze %dma_wait3A_603 : memref<1x50x32xf32, #tpu.memory_space<hbm>> -> memref<50x32xf32, #tpu.memory_space<hbm>>
      %dma_wait3A_605 = arith.constant 150 : i32
      %dma_wait3A_606 = arith.constant 0 : i32
      %dma_wait3A_607 = tpu.memref_slice %arg7[%dma_wait3A_605, %dma_wait3A_606] : memref<1600x32xf32, #tpu.memory_space<vmem>> -> memref<50x32xf32, #tpu.memory_space<vmem>>
      tpu.wait_dma2 semaphore(%arg11 : memref<!tpu.dma_semaphore, #tpu.memory_space<semaphore_mem>>) src(%dma_wait3A_607 : memref<50x32xf32, #tpu.memory_space<vmem>>) dst(%dma_wait3A_604 : memref<50x32xf32, #tpu.memory_space<hbm>>)
      %add3A_608 = arith.constant 4 : i32
      %add3A_609 = arith.addi %add3A_31, %add3A_608 : i32
      %dma_wait3A_610 = arith.constant 200 : i32
      %dma_wait3A_611 = arith.constant 0 : i32
      %dma_wait3A_612 = tpu.memref_slice %arg7[%dma_wait3A_610, %dma_wait3A_611] : memref<1600x32xf32, #tpu.memory_space<vmem>> -> memref<50x32xf32, #tpu.memory_space<vmem>>
      %dma_wait3A_613 = arith.constant 0 : i32
      %dma_wait3A_614 = arith.constant 0 : i32
      %dma_wait3A_615 = tpu.memref_slice %arg4[%add3A_609, %dma_wait3A_613, %dma_wait3A_614] : memref<16384x50x32xf32, #tpu.memory_space<hbm>> -> memref<1x50x32xf32, #tpu.memory_space<hbm>>
      %dma_wait3A_616 = tpu.memref_squeeze %dma_wait3A_615 : memref<1x50x32xf32, #tpu.memory_space<hbm>> -> memref<50x32xf32, #tpu.memory_space<hbm>>
      %dma_wait3A_617 = arith.constant 0 : i32
      %dma_wait3A_618 = arith.constant 0 : i32
      %dma_wait3A_619 = tpu.memref_slice %arg4[%add3A_609, %dma_wait3A_617, %dma_wait3A_618] : memref<16384x50x32xf32, #tpu.memory_space<hbm>> -> memref<1x50x32xf32, #tpu.memory_space<hbm>>
      %dma_wait3A_620 = tpu.memref_squeeze %dma_wait3A_619 : memref<1x50x32xf32, #tpu.memory_space<hbm>> -> memref<50x32xf32, #tpu.memory_space<hbm>>
      %dma_wait3A_621 = arith.constant 200 : i32
      %dma_wait3A_622 = arith.constant 0 : i32
      %dma_wait3A_623 = tpu.memref_slice %arg7[%dma_wait3A_621, %dma_wait3A_622] : memref<1600x32xf32, #tpu.memory_space<vmem>> -> memref<50x32xf32, #tpu.memory_space<vmem>>
      tpu.wait_dma2 semaphore(%arg11 : memref<!tpu.dma_semaphore, #tpu.memory_space<semaphore_mem>>) src(%dma_wait3A_623 : memref<50x32xf32, #tpu.memory_space<vmem>>) dst(%dma_wait3A_620 : memref<50x32xf32, #tpu.memory_space<hbm>>)
      %add3A_624 = arith.constant 5 : i32
      %add3A_625 = arith.addi %add3A_31, %add3A_624 : i32
      %dma_wait3A_626 = arith.constant 250 : i32
      %dma_wait3A_627 = arith.constant 0 : i32
      %dma_wait3A_628 = tpu.memref_slice %arg7[%dma_wait3A_626, %dma_wait3A_627] : memref<1600x32xf32, #tpu.memory_space<vmem>> -> memref<50x32xf32, #tpu.memory_space<vmem>>
      %dma_wait3A_629 = arith.constant 0 : i32
      %dma_wait3A_630 = arith.constant 0 : i32
      %dma_wait3A_631 = tpu.memref_slice %arg4[%add3A_625, %dma_wait3A_629, %dma_wait3A_630] : memref<16384x50x32xf32, #tpu.memory_space<hbm>> -> memref<1x50x32xf32, #tpu.memory_space<hbm>>
      %dma_wait3A_632 = tpu.memref_squeeze %dma_wait3A_631 : memref<1x50x32xf32, #tpu.memory_space<hbm>> -> memref<50x32xf32, #tpu.memory_space<hbm>>
      %dma_wait3A_633 = arith.constant 0 : i32
      %dma_wait3A_634 = arith.constant 0 : i32
      %dma_wait3A_635 = tpu.memref_slice %arg4[%add3A_625, %dma_wait3A_633, %dma_wait3A_634] : memref<16384x50x32xf32, #tpu.memory_space<hbm>> -> memref<1x50x32xf32, #tpu.memory_space<hbm>>
      %dma_wait3A_636 = tpu.memref_squeeze %dma_wait3A_635 : memref<1x50x32xf32, #tpu.memory_space<hbm>> -> memref<50x32xf32, #tpu.memory_space<hbm>>
      %dma_wait3A_637 = arith.constant 250 : i32
      %dma_wait3A_638 = arith.constant 0 : i32
      %dma_wait3A_639 = tpu.memref_slice %arg7[%dma_wait3A_637, %dma_wait3A_638] : memref<1600x32xf32, #tpu.memory_space<vmem>> -> memref<50x32xf32, #tpu.memory_space<vmem>>
      tpu.wait_dma2 semaphore(%arg11 : memref<!tpu.dma_semaphore, #tpu.memory_space<semaphore_mem>>) src(%dma_wait3A_639 : memref<50x32xf32, #tpu.memory_space<vmem>>) dst(%dma_wait3A_636 : memref<50x32xf32, #tpu.memory_space<hbm>>)
      %add3A_640 = arith.constant 6 : i32
      %add3A_641 = arith.addi %add3A_31, %add3A_640 : i32
      %dma_wait3A_642 = arith.constant 300 : i32
      %dma_wait3A_643 = arith.constant 0 : i32
      %dma_wait3A_644 = tpu.memref_slice %arg7[%dma_wait3A_642, %dma_wait3A_643] : memref<1600x32xf32, #tpu.memory_space<vmem>> -> memref<50x32xf32, #tpu.memory_space<vmem>>
      %dma_wait3A_645 = arith.constant 0 : i32
      %dma_wait3A_646 = arith.constant 0 : i32
      %dma_wait3A_647 = tpu.memref_slice %arg4[%add3A_641, %dma_wait3A_645, %dma_wait3A_646] : memref<16384x50x32xf32, #tpu.memory_space<hbm>> -> memref<1x50x32xf32, #tpu.memory_space<hbm>>
      %dma_wait3A_648 = tpu.memref_squeeze %dma_wait3A_647 : memref<1x50x32xf32, #tpu.memory_space<hbm>> -> memref<50x32xf32, #tpu.memory_space<hbm>>
      %dma_wait3A_649 = arith.constant 0 : i32
      %dma_wait3A_650 = arith.constant 0 : i32
      %dma_wait3A_651 = tpu.memref_slice %arg4[%add3A_641, %dma_wait3A_649, %dma_wait3A_650] : memref<16384x50x32xf32, #tpu.memory_space<hbm>> -> memref<1x50x32xf32, #tpu.memory_space<hbm>>
      %dma_wait3A_652 = tpu.memref_squeeze %dma_wait3A_651 : memref<1x50x32xf32, #tpu.memory_space<hbm>> -> memref<50x32xf32, #tpu.memory_space<hbm>>
      %dma_wait3A_653 = arith.constant 300 : i32
      %dma_wait3A_654 = arith.constant 0 : i32
      %dma_wait3A_655 = tpu.memref_slice %arg7[%dma_wait3A_653, %dma_wait3A_654] : memref<1600x32xf32, #tpu.memory_space<vmem>> -> memref<50x32xf32, #tpu.memory_space<vmem>>
      tpu.wait_dma2 semaphore(%arg11 : memref<!tpu.dma_semaphore, #tpu.memory_space<semaphore_mem>>) src(%dma_wait3A_655 : memref<50x32xf32, #tpu.memory_space<vmem>>) dst(%dma_wait3A_652 : memref<50x32xf32, #tpu.memory_space<hbm>>)
      %add3A_656 = arith.constant 7 : i32
      %add3A_657 = arith.addi %add3A_31, %add3A_656 : i32
      %dma_wait3A_658 = arith.constant 350 : i32
      %dma_wait3A_659 = arith.constant 0 : i32
      %dma_wait3A_660 = tpu.memref_slice %arg7[%dma_wait3A_658, %dma_wait3A_659] : memref<1600x32xf32, #tpu.memory_space<vmem>> -> memref<50x32xf32, #tpu.memory_space<vmem>>
      %dma_wait3A_661 = arith.constant 0 : i32
      %dma_wait3A_662 = arith.constant 0 : i32
      %dma_wait3A_663 = tpu.memref_slice %arg4[%add3A_657, %dma_wait3A_661, %dma_wait3A_662] : memref<16384x50x32xf32, #tpu.memory_space<hbm>> -> memref<1x50x32xf32, #tpu.memory_space<hbm>>
      %dma_wait3A_664 = tpu.memref_squeeze %dma_wait3A_663 : memref<1x50x32xf32, #tpu.memory_space<hbm>> -> memref<50x32xf32, #tpu.memory_space<hbm>>
      %dma_wait3A_665 = arith.constant 0 : i32
      %dma_wait3A_666 = arith.constant 0 : i32
      %dma_wait3A_667 = tpu.memref_slice %arg4[%add3A_657, %dma_wait3A_665, %dma_wait3A_666] : memref<16384x50x32xf32, #tpu.memory_space<hbm>> -> memref<1x50x32xf32, #tpu.memory_space<hbm>>
      %dma_wait3A_668 = tpu.memref_squeeze %dma_wait3A_667 : memref<1x50x32xf32, #tpu.memory_space<hbm>> -> memref<50x32xf32, #tpu.memory_space<hbm>>
      %dma_wait3A_669 = arith.constant 350 : i32
      %dma_wait3A_670 = arith.constant 0 : i32
      %dma_wait3A_671 = tpu.memref_slice %arg7[%dma_wait3A_669, %dma_wait3A_670] : memref<1600x32xf32, #tpu.memory_space<vmem>> -> memref<50x32xf32, #tpu.memory_space<vmem>>
      tpu.wait_dma2 semaphore(%arg11 : memref<!tpu.dma_semaphore, #tpu.memory_space<semaphore_mem>>) src(%dma_wait3A_671 : memref<50x32xf32, #tpu.memory_space<vmem>>) dst(%dma_wait3A_668 : memref<50x32xf32, #tpu.memory_space<hbm>>)
      %add3A_672 = arith.constant 8 : i32
      %add3A_673 = arith.addi %add3A_31, %add3A_672 : i32
      %dma_wait3A_674 = arith.constant 400 : i32
      %dma_wait3A_675 = arith.constant 0 : i32
      %dma_wait3A_676 = tpu.memref_slice %arg7[%dma_wait3A_674, %dma_wait3A_675] : memref<1600x32xf32, #tpu.memory_space<vmem>> -> memref<50x32xf32, #tpu.memory_space<vmem>>
      %dma_wait3A_677 = arith.constant 0 : i32
      %dma_wait3A_678 = arith.constant 0 : i32
      %dma_wait3A_679 = tpu.memref_slice %arg4[%add3A_673, %dma_wait3A_677, %dma_wait3A_678] : memref<16384x50x32xf32, #tpu.memory_space<hbm>> -> memref<1x50x32xf32, #tpu.memory_space<hbm>>
      %dma_wait3A_680 = tpu.memref_squeeze %dma_wait3A_679 : memref<1x50x32xf32, #tpu.memory_space<hbm>> -> memref<50x32xf32, #tpu.memory_space<hbm>>
      %dma_wait3A_681 = arith.constant 0 : i32
      %dma_wait3A_682 = arith.constant 0 : i32
      %dma_wait3A_683 = tpu.memref_slice %arg4[%add3A_673, %dma_wait3A_681, %dma_wait3A_682] : memref<16384x50x32xf32, #tpu.memory_space<hbm>> -> memref<1x50x32xf32, #tpu.memory_space<hbm>>
      %dma_wait3A_684 = tpu.memref_squeeze %dma_wait3A_683 : memref<1x50x32xf32, #tpu.memory_space<hbm>> -> memref<50x32xf32, #tpu.memory_space<hbm>>
      %dma_wait3A_685 = arith.constant 400 : i32
      %dma_wait3A_686 = arith.constant 0 : i32
      %dma_wait3A_687 = tpu.memref_slice %arg7[%dma_wait3A_685, %dma_wait3A_686] : memref<1600x32xf32, #tpu.memory_space<vmem>> -> memref<50x32xf32, #tpu.memory_space<vmem>>
      tpu.wait_dma2 semaphore(%arg11 : memref<!tpu.dma_semaphore, #tpu.memory_space<semaphore_mem>>) src(%dma_wait3A_687 : memref<50x32xf32, #tpu.memory_space<vmem>>) dst(%dma_wait3A_684 : memref<50x32xf32, #tpu.memory_space<hbm>>)
      %add3A_688 = arith.constant 9 : i32
      %add3A_689 = arith.addi %add3A_31, %add3A_688 : i32
      %dma_wait3A_690 = arith.constant 450 : i32
      %dma_wait3A_691 = arith.constant 0 : i32
      %dma_wait3A_692 = tpu.memref_slice %arg7[%dma_wait3A_690, %dma_wait3A_691] : memref<1600x32xf32, #tpu.memory_space<vmem>> -> memref<50x32xf32, #tpu.memory_space<vmem>>
      %dma_wait3A_693 = arith.constant 0 : i32
      %dma_wait3A_694 = arith.constant 0 : i32
      %dma_wait3A_695 = tpu.memref_slice %arg4[%add3A_689, %dma_wait3A_693, %dma_wait3A_694] : memref<16384x50x32xf32, #tpu.memory_space<hbm>> -> memref<1x50x32xf32, #tpu.memory_space<hbm>>
      %dma_wait3A_696 = tpu.memref_squeeze %dma_wait3A_695 : memref<1x50x32xf32, #tpu.memory_space<hbm>> -> memref<50x32xf32, #tpu.memory_space<hbm>>
      %dma_wait3A_697 = arith.constant 0 : i32
      %dma_wait3A_698 = arith.constant 0 : i32
      %dma_wait3A_699 = tpu.memref_slice %arg4[%add3A_689, %dma_wait3A_697, %dma_wait3A_698] : memref<16384x50x32xf32, #tpu.memory_space<hbm>> -> memref<1x50x32xf32, #tpu.memory_space<hbm>>
      %dma_wait3A_700 = tpu.memref_squeeze %dma_wait3A_699 : memref<1x50x32xf32, #tpu.memory_space<hbm>> -> memref<50x32xf32, #tpu.memory_space<hbm>>
      %dma_wait3A_701 = arith.constant 450 : i32
      %dma_wait3A_702 = arith.constant 0 : i32
      %dma_wait3A_703 = tpu.memref_slice %arg7[%dma_wait3A_701, %dma_wait3A_702] : memref<1600x32xf32, #tpu.memory_space<vmem>> -> memref<50x32xf32, #tpu.memory_space<vmem>>
      tpu.wait_dma2 semaphore(%arg11 : memref<!tpu.dma_semaphore, #tpu.memory_space<semaphore_mem>>) src(%dma_wait3A_703 : memref<50x32xf32, #tpu.memory_space<vmem>>) dst(%dma_wait3A_700 : memref<50x32xf32, #tpu.memory_space<hbm>>)
      %add3A_704 = arith.constant 10 : i32
      %add3A_705 = arith.addi %add3A_31, %add3A_704 : i32
      %dma_wait3A_706 = arith.constant 500 : i32
      %dma_wait3A_707 = arith.constant 0 : i32
      %dma_wait3A_708 = tpu.memref_slice %arg7[%dma_wait3A_706, %dma_wait3A_707] : memref<1600x32xf32, #tpu.memory_space<vmem>> -> memref<50x32xf32, #tpu.memory_space<vmem>>
      %dma_wait3A_709 = arith.constant 0 : i32
      %dma_wait3A_710 = arith.constant 0 : i32
      %dma_wait3A_711 = tpu.memref_slice %arg4[%add3A_705, %dma_wait3A_709, %dma_wait3A_710] : memref<16384x50x32xf32, #tpu.memory_space<hbm>> -> memref<1x50x32xf32, #tpu.memory_space<hbm>>
      %dma_wait3A_712 = tpu.memref_squeeze %dma_wait3A_711 : memref<1x50x32xf32, #tpu.memory_space<hbm>> -> memref<50x32xf32, #tpu.memory_space<hbm>>
      %dma_wait3A_713 = arith.constant 0 : i32
      %dma_wait3A_714 = arith.constant 0 : i32
      %dma_wait3A_715 = tpu.memref_slice %arg4[%add3A_705, %dma_wait3A_713, %dma_wait3A_714] : memref<16384x50x32xf32, #tpu.memory_space<hbm>> -> memref<1x50x32xf32, #tpu.memory_space<hbm>>
      %dma_wait3A_716 = tpu.memref_squeeze %dma_wait3A_715 : memref<1x50x32xf32, #tpu.memory_space<hbm>> -> memref<50x32xf32, #tpu.memory_space<hbm>>
      %dma_wait3A_717 = arith.constant 500 : i32
      %dma_wait3A_718 = arith.constant 0 : i32
      %dma_wait3A_719 = tpu.memref_slice %arg7[%dma_wait3A_717, %dma_wait3A_718] : memref<1600x32xf32, #tpu.memory_space<vmem>> -> memref<50x32xf32, #tpu.memory_space<vmem>>
      tpu.wait_dma2 semaphore(%arg11 : memref<!tpu.dma_semaphore, #tpu.memory_space<semaphore_mem>>) src(%dma_wait3A_719 : memref<50x32xf32, #tpu.memory_space<vmem>>) dst(%dma_wait3A_716 : memref<50x32xf32, #tpu.memory_space<hbm>>)
      %add3A_720 = arith.constant 11 : i32
      %add3A_721 = arith.addi %add3A_31, %add3A_720 : i32
      %dma_wait3A_722 = arith.constant 550 : i32
      %dma_wait3A_723 = arith.constant 0 : i32
      %dma_wait3A_724 = tpu.memref_slice %arg7[%dma_wait3A_722, %dma_wait3A_723] : memref<1600x32xf32, #tpu.memory_space<vmem>> -> memref<50x32xf32, #tpu.memory_space<vmem>>
      %dma_wait3A_725 = arith.constant 0 : i32
      %dma_wait3A_726 = arith.constant 0 : i32
      %dma_wait3A_727 = tpu.memref_slice %arg4[%add3A_721, %dma_wait3A_725, %dma_wait3A_726] : memref<16384x50x32xf32, #tpu.memory_space<hbm>> -> memref<1x50x32xf32, #tpu.memory_space<hbm>>
      %dma_wait3A_728 = tpu.memref_squeeze %dma_wait3A_727 : memref<1x50x32xf32, #tpu.memory_space<hbm>> -> memref<50x32xf32, #tpu.memory_space<hbm>>
      %dma_wait3A_729 = arith.constant 0 : i32
      %dma_wait3A_730 = arith.constant 0 : i32
      %dma_wait3A_731 = tpu.memref_slice %arg4[%add3A_721, %dma_wait3A_729, %dma_wait3A_730] : memref<16384x50x32xf32, #tpu.memory_space<hbm>> -> memref<1x50x32xf32, #tpu.memory_space<hbm>>
      %dma_wait3A_732 = tpu.memref_squeeze %dma_wait3A_731 : memref<1x50x32xf32, #tpu.memory_space<hbm>> -> memref<50x32xf32, #tpu.memory_space<hbm>>
      %dma_wait3A_733 = arith.constant 550 : i32
      %dma_wait3A_734 = arith.constant 0 : i32
      %dma_wait3A_735 = tpu.memref_slice %arg7[%dma_wait3A_733, %dma_wait3A_734] : memref<1600x32xf32, #tpu.memory_space<vmem>> -> memref<50x32xf32, #tpu.memory_space<vmem>>
      tpu.wait_dma2 semaphore(%arg11 : memref<!tpu.dma_semaphore, #tpu.memory_space<semaphore_mem>>) src(%dma_wait3A_735 : memref<50x32xf32, #tpu.memory_space<vmem>>) dst(%dma_wait3A_732 : memref<50x32xf32, #tpu.memory_space<hbm>>)
      %add3A_736 = arith.constant 12 : i32
      %add3A_737 = arith.addi %add3A_31, %add3A_736 : i32
      %dma_wait3A_738 = arith.constant 600 : i32
      %dma_wait3A_739 = arith.constant 0 : i32
      %dma_wait3A_740 = tpu.memref_slice %arg7[%dma_wait3A_738, %dma_wait3A_739] : memref<1600x32xf32, #tpu.memory_space<vmem>> -> memref<50x32xf32, #tpu.memory_space<vmem>>
      %dma_wait3A_741 = arith.constant 0 : i32
      %dma_wait3A_742 = arith.constant 0 : i32
      %dma_wait3A_743 = tpu.memref_slice %arg4[%add3A_737, %dma_wait3A_741, %dma_wait3A_742] : memref<16384x50x32xf32, #tpu.memory_space<hbm>> -> memref<1x50x32xf32, #tpu.memory_space<hbm>>
      %dma_wait3A_744 = tpu.memref_squeeze %dma_wait3A_743 : memref<1x50x32xf32, #tpu.memory_space<hbm>> -> memref<50x32xf32, #tpu.memory_space<hbm>>
      %dma_wait3A_745 = arith.constant 0 : i32
      %dma_wait3A_746 = arith.constant 0 : i32
      %dma_wait3A_747 = tpu.memref_slice %arg4[%add3A_737, %dma_wait3A_745, %dma_wait3A_746] : memref<16384x50x32xf32, #tpu.memory_space<hbm>> -> memref<1x50x32xf32, #tpu.memory_space<hbm>>
      %dma_wait3A_748 = tpu.memref_squeeze %dma_wait3A_747 : memref<1x50x32xf32, #tpu.memory_space<hbm>> -> memref<50x32xf32, #tpu.memory_space<hbm>>
      %dma_wait3A_749 = arith.constant 600 : i32
      %dma_wait3A_750 = arith.constant 0 : i32
      %dma_wait3A_751 = tpu.memref_slice %arg7[%dma_wait3A_749, %dma_wait3A_750] : memref<1600x32xf32, #tpu.memory_space<vmem>> -> memref<50x32xf32, #tpu.memory_space<vmem>>
      tpu.wait_dma2 semaphore(%arg11 : memref<!tpu.dma_semaphore, #tpu.memory_space<semaphore_mem>>) src(%dma_wait3A_751 : memref<50x32xf32, #tpu.memory_space<vmem>>) dst(%dma_wait3A_748 : memref<50x32xf32, #tpu.memory_space<hbm>>)
      %add3A_752 = arith.constant 13 : i32
      %add3A_753 = arith.addi %add3A_31, %add3A_752 : i32
      %dma_wait3A_754 = arith.constant 650 : i32
      %dma_wait3A_755 = arith.constant 0 : i32
      %dma_wait3A_756 = tpu.memref_slice %arg7[%dma_wait3A_754, %dma_wait3A_755] : memref<1600x32xf32, #tpu.memory_space<vmem>> -> memref<50x32xf32, #tpu.memory_space<vmem>>
      %dma_wait3A_757 = arith.constant 0 : i32
      %dma_wait3A_758 = arith.constant 0 : i32
      %dma_wait3A_759 = tpu.memref_slice %arg4[%add3A_753, %dma_wait3A_757, %dma_wait3A_758] : memref<16384x50x32xf32, #tpu.memory_space<hbm>> -> memref<1x50x32xf32, #tpu.memory_space<hbm>>
      %dma_wait3A_760 = tpu.memref_squeeze %dma_wait3A_759 : memref<1x50x32xf32, #tpu.memory_space<hbm>> -> memref<50x32xf32, #tpu.memory_space<hbm>>
      %dma_wait3A_761 = arith.constant 0 : i32
      %dma_wait3A_762 = arith.constant 0 : i32
      %dma_wait3A_763 = tpu.memref_slice %arg4[%add3A_753, %dma_wait3A_761, %dma_wait3A_762] : memref<16384x50x32xf32, #tpu.memory_space<hbm>> -> memref<1x50x32xf32, #tpu.memory_space<hbm>>
      %dma_wait3A_764 = tpu.memref_squeeze %dma_wait3A_763 : memref<1x50x32xf32, #tpu.memory_space<hbm>> -> memref<50x32xf32, #tpu.memory_space<hbm>>
      %dma_wait3A_765 = arith.constant 650 : i32
      %dma_wait3A_766 = arith.constant 0 : i32
      %dma_wait3A_767 = tpu.memref_slice %arg7[%dma_wait3A_765, %dma_wait3A_766] : memref<1600x32xf32, #tpu.memory_space<vmem>> -> memref<50x32xf32, #tpu.memory_space<vmem>>
      tpu.wait_dma2 semaphore(%arg11 : memref<!tpu.dma_semaphore, #tpu.memory_space<semaphore_mem>>) src(%dma_wait3A_767 : memref<50x32xf32, #tpu.memory_space<vmem>>) dst(%dma_wait3A_764 : memref<50x32xf32, #tpu.memory_space<hbm>>)
      %add3A_768 = arith.constant 14 : i32
      %add3A_769 = arith.addi %add3A_31, %add3A_768 : i32
      %dma_wait3A_770 = arith.constant 700 : i32
      %dma_wait3A_771 = arith.constant 0 : i32
      %dma_wait3A_772 = tpu.memref_slice %arg7[%dma_wait3A_770, %dma_wait3A_771] : memref<1600x32xf32, #tpu.memory_space<vmem>> -> memref<50x32xf32, #tpu.memory_space<vmem>>
      %dma_wait3A_773 = arith.constant 0 : i32
      %dma_wait3A_774 = arith.constant 0 : i32
      %dma_wait3A_775 = tpu.memref_slice %arg4[%add3A_769, %dma_wait3A_773, %dma_wait3A_774] : memref<16384x50x32xf32, #tpu.memory_space<hbm>> -> memref<1x50x32xf32, #tpu.memory_space<hbm>>
      %dma_wait3A_776 = tpu.memref_squeeze %dma_wait3A_775 : memref<1x50x32xf32, #tpu.memory_space<hbm>> -> memref<50x32xf32, #tpu.memory_space<hbm>>
      %dma_wait3A_777 = arith.constant 0 : i32
      %dma_wait3A_778 = arith.constant 0 : i32
      %dma_wait3A_779 = tpu.memref_slice %arg4[%add3A_769, %dma_wait3A_777, %dma_wait3A_778] : memref<16384x50x32xf32, #tpu.memory_space<hbm>> -> memref<1x50x32xf32, #tpu.memory_space<hbm>>
      %dma_wait3A_780 = tpu.memref_squeeze %dma_wait3A_779 : memref<1x50x32xf32, #tpu.memory_space<hbm>> -> memref<50x32xf32, #tpu.memory_space<hbm>>
      %dma_wait3A_781 = arith.constant 700 : i32
      %dma_wait3A_782 = arith.constant 0 : i32
      %dma_wait3A_783 = tpu.memref_slice %arg7[%dma_wait3A_781, %dma_wait3A_782] : memref<1600x32xf32, #tpu.memory_space<vmem>> -> memref<50x32xf32, #tpu.memory_space<vmem>>
      tpu.wait_dma2 semaphore(%arg11 : memref<!tpu.dma_semaphore, #tpu.memory_space<semaphore_mem>>) src(%dma_wait3A_783 : memref<50x32xf32, #tpu.memory_space<vmem>>) dst(%dma_wait3A_780 : memref<50x32xf32, #tpu.memory_space<hbm>>)
      %add3A_784 = arith.constant 15 : i32
      %add3A_785 = arith.addi %add3A_31, %add3A_784 : i32
      %dma_wait3A_786 = arith.constant 750 : i32
      %dma_wait3A_787 = arith.constant 0 : i32
      %dma_wait3A_788 = tpu.memref_slice %arg7[%dma_wait3A_786, %dma_wait3A_787] : memref<1600x32xf32, #tpu.memory_space<vmem>> -> memref<50x32xf32, #tpu.memory_space<vmem>>
      %dma_wait3A_789 = arith.constant 0 : i32
      %dma_wait3A_790 = arith.constant 0 : i32
      %dma_wait3A_791 = tpu.memref_slice %arg4[%add3A_785, %dma_wait3A_789, %dma_wait3A_790] : memref<16384x50x32xf32, #tpu.memory_space<hbm>> -> memref<1x50x32xf32, #tpu.memory_space<hbm>>
      %dma_wait3A_792 = tpu.memref_squeeze %dma_wait3A_791 : memref<1x50x32xf32, #tpu.memory_space<hbm>> -> memref<50x32xf32, #tpu.memory_space<hbm>>
      %dma_wait3A_793 = arith.constant 0 : i32
      %dma_wait3A_794 = arith.constant 0 : i32
      %dma_wait3A_795 = tpu.memref_slice %arg4[%add3A_785, %dma_wait3A_793, %dma_wait3A_794] : memref<16384x50x32xf32, #tpu.memory_space<hbm>> -> memref<1x50x32xf32, #tpu.memory_space<hbm>>
      %dma_wait3A_796 = tpu.memref_squeeze %dma_wait3A_795 : memref<1x50x32xf32, #tpu.memory_space<hbm>> -> memref<50x32xf32, #tpu.memory_space<hbm>>
      %dma_wait3A_797 = arith.constant 750 : i32
      %dma_wait3A_798 = arith.constant 0 : i32
      %dma_wait3A_799 = tpu.memref_slice %arg7[%dma_wait3A_797, %dma_wait3A_798] : memref<1600x32xf32, #tpu.memory_space<vmem>> -> memref<50x32xf32, #tpu.memory_space<vmem>>
      tpu.wait_dma2 semaphore(%arg11 : memref<!tpu.dma_semaphore, #tpu.memory_space<semaphore_mem>>) src(%dma_wait3A_799 : memref<50x32xf32, #tpu.memory_space<vmem>>) dst(%dma_wait3A_796 : memref<50x32xf32, #tpu.memory_space<hbm>>)
      %add3A_800 = arith.constant 16 : i32
      %add3A_801 = arith.addi %add3A_31, %add3A_800 : i32
      %dma_wait3A_802 = arith.constant 800 : i32
      %dma_wait3A_803 = arith.constant 0 : i32
      %dma_wait3A_804 = tpu.memref_slice %arg7[%dma_wait3A_802, %dma_wait3A_803] : memref<1600x32xf32, #tpu.memory_space<vmem>> -> memref<50x32xf32, #tpu.memory_space<vmem>>
      %dma_wait3A_805 = arith.constant 0 : i32
      %dma_wait3A_806 = arith.constant 0 : i32
      %dma_wait3A_807 = tpu.memref_slice %arg4[%add3A_801, %dma_wait3A_805, %dma_wait3A_806] : memref<16384x50x32xf32, #tpu.memory_space<hbm>> -> memref<1x50x32xf32, #tpu.memory_space<hbm>>
      %dma_wait3A_808 = tpu.memref_squeeze %dma_wait3A_807 : memref<1x50x32xf32, #tpu.memory_space<hbm>> -> memref<50x32xf32, #tpu.memory_space<hbm>>
      %dma_wait3A_809 = arith.constant 0 : i32
      %dma_wait3A_810 = arith.constant 0 : i32
      %dma_wait3A_811 = tpu.memref_slice %arg4[%add3A_801, %dma_wait3A_809, %dma_wait3A_810] : memref<16384x50x32xf32, #tpu.memory_space<hbm>> -> memref<1x50x32xf32, #tpu.memory_space<hbm>>
      %dma_wait3A_812 = tpu.memref_squeeze %dma_wait3A_811 : memref<1x50x32xf32, #tpu.memory_space<hbm>> -> memref<50x32xf32, #tpu.memory_space<hbm>>
      %dma_wait3A_813 = arith.constant 800 : i32
      %dma_wait3A_814 = arith.constant 0 : i32
      %dma_wait3A_815 = tpu.memref_slice %arg7[%dma_wait3A_813, %dma_wait3A_814] : memref<1600x32xf32, #tpu.memory_space<vmem>> -> memref<50x32xf32, #tpu.memory_space<vmem>>
      tpu.wait_dma2 semaphore(%arg11 : memref<!tpu.dma_semaphore, #tpu.memory_space<semaphore_mem>>) src(%dma_wait3A_815 : memref<50x32xf32, #tpu.memory_space<vmem>>) dst(%dma_wait3A_812 : memref<50x32xf32, #tpu.memory_space<hbm>>)
      %add3A_816 = arith.constant 17 : i32
      %add3A_817 = arith.addi %add3A_31, %add3A_816 : i32
      %dma_wait3A_818 = arith.constant 850 : i32
      %dma_wait3A_819 = arith.constant 0 : i32
      %dma_wait3A_820 = tpu.memref_slice %arg7[%dma_wait3A_818, %dma_wait3A_819] : memref<1600x32xf32, #tpu.memory_space<vmem>> -> memref<50x32xf32, #tpu.memory_space<vmem>>
      %dma_wait3A_821 = arith.constant 0 : i32
      %dma_wait3A_822 = arith.constant 0 : i32
      %dma_wait3A_823 = tpu.memref_slice %arg4[%add3A_817, %dma_wait3A_821, %dma_wait3A_822] : memref<16384x50x32xf32, #tpu.memory_space<hbm>> -> memref<1x50x32xf32, #tpu.memory_space<hbm>>
      %dma_wait3A_824 = tpu.memref_squeeze %dma_wait3A_823 : memref<1x50x32xf32, #tpu.memory_space<hbm>> -> memref<50x32xf32, #tpu.memory_space<hbm>>
      %dma_wait3A_825 = arith.constant 0 : i32
      %dma_wait3A_826 = arith.constant 0 : i32
      %dma_wait3A_827 = tpu.memref_slice %arg4[%add3A_817, %dma_wait3A_825, %dma_wait3A_826] : memref<16384x50x32xf32, #tpu.memory_space<hbm>> -> memref<1x50x32xf32, #tpu.memory_space<hbm>>
      %dma_wait3A_828 = tpu.memref_squeeze %dma_wait3A_827 : memref<1x50x32xf32, #tpu.memory_space<hbm>> -> memref<50x32xf32, #tpu.memory_space<hbm>>
      %dma_wait3A_829 = arith.constant 850 : i32
      %dma_wait3A_830 = arith.constant 0 : i32
      %dma_wait3A_831 = tpu.memref_slice %arg7[%dma_wait3A_829, %dma_wait3A_830] : memref<1600x32xf32, #tpu.memory_space<vmem>> -> memref<50x32xf32, #tpu.memory_space<vmem>>
      tpu.wait_dma2 semaphore(%arg11 : memref<!tpu.dma_semaphore, #tpu.memory_space<semaphore_mem>>) src(%dma_wait3A_831 : memref<50x32xf32, #tpu.memory_space<vmem>>) dst(%dma_wait3A_828 : memref<50x32xf32, #tpu.memory_space<hbm>>)
      %add3A_832 = arith.constant 18 : i32
      %add3A_833 = arith.addi %add3A_31, %add3A_832 : i32
      %dma_wait3A_834 = arith.constant 900 : i32
      %dma_wait3A_835 = arith.constant 0 : i32
      %dma_wait3A_836 = tpu.memref_slice %arg7[%dma_wait3A_834, %dma_wait3A_835] : memref<1600x32xf32, #tpu.memory_space<vmem>> -> memref<50x32xf32, #tpu.memory_space<vmem>>
      %dma_wait3A_837 = arith.constant 0 : i32
      %dma_wait3A_838 = arith.constant 0 : i32
      %dma_wait3A_839 = tpu.memref_slice %arg4[%add3A_833, %dma_wait3A_837, %dma_wait3A_838] : memref<16384x50x32xf32, #tpu.memory_space<hbm>> -> memref<1x50x32xf32, #tpu.memory_space<hbm>>
      %dma_wait3A_840 = tpu.memref_squeeze %dma_wait3A_839 : memref<1x50x32xf32, #tpu.memory_space<hbm>> -> memref<50x32xf32, #tpu.memory_space<hbm>>
      %dma_wait3A_841 = arith.constant 0 : i32
      %dma_wait3A_842 = arith.constant 0 : i32
      %dma_wait3A_843 = tpu.memref_slice %arg4[%add3A_833, %dma_wait3A_841, %dma_wait3A_842] : memref<16384x50x32xf32, #tpu.memory_space<hbm>> -> memref<1x50x32xf32, #tpu.memory_space<hbm>>
      %dma_wait3A_844 = tpu.memref_squeeze %dma_wait3A_843 : memref<1x50x32xf32, #tpu.memory_space<hbm>> -> memref<50x32xf32, #tpu.memory_space<hbm>>
      %dma_wait3A_845 = arith.constant 900 : i32
      %dma_wait3A_846 = arith.constant 0 : i32
      %dma_wait3A_847 = tpu.memref_slice %arg7[%dma_wait3A_845, %dma_wait3A_846] : memref<1600x32xf32, #tpu.memory_space<vmem>> -> memref<50x32xf32, #tpu.memory_space<vmem>>
      tpu.wait_dma2 semaphore(%arg11 : memref<!tpu.dma_semaphore, #tpu.memory_space<semaphore_mem>>) src(%dma_wait3A_847 : memref<50x32xf32, #tpu.memory_space<vmem>>) dst(%dma_wait3A_844 : memref<50x32xf32, #tpu.memory_space<hbm>>)
      %add3A_848 = arith.constant 19 : i32
      %add3A_849 = arith.addi %add3A_31, %add3A_848 : i32
      %dma_wait3A_850 = arith.constant 950 : i32
      %dma_wait3A_851 = arith.constant 0 : i32
      %dma_wait3A_852 = tpu.memref_slice %arg7[%dma_wait3A_850, %dma_wait3A_851] : memref<1600x32xf32, #tpu.memory_space<vmem>> -> memref<50x32xf32, #tpu.memory_space<vmem>>
      %dma_wait3A_853 = arith.constant 0 : i32
      %dma_wait3A_854 = arith.constant 0 : i32
      %dma_wait3A_855 = tpu.memref_slice %arg4[%add3A_849, %dma_wait3A_853, %dma_wait3A_854] : memref<16384x50x32xf32, #tpu.memory_space<hbm>> -> memref<1x50x32xf32, #tpu.memory_space<hbm>>
      %dma_wait3A_856 = tpu.memref_squeeze %dma_wait3A_855 : memref<1x50x32xf32, #tpu.memory_space<hbm>> -> memref<50x32xf32, #tpu.memory_space<hbm>>
      %dma_wait3A_857 = arith.constant 0 : i32
      %dma_wait3A_858 = arith.constant 0 : i32
      %dma_wait3A_859 = tpu.memref_slice %arg4[%add3A_849, %dma_wait3A_857, %dma_wait3A_858] : memref<16384x50x32xf32, #tpu.memory_space<hbm>> -> memref<1x50x32xf32, #tpu.memory_space<hbm>>
      %dma_wait3A_860 = tpu.memref_squeeze %dma_wait3A_859 : memref<1x50x32xf32, #tpu.memory_space<hbm>> -> memref<50x32xf32, #tpu.memory_space<hbm>>
      %dma_wait3A_861 = arith.constant 950 : i32
      %dma_wait3A_862 = arith.constant 0 : i32
      %dma_wait3A_863 = tpu.memref_slice %arg7[%dma_wait3A_861, %dma_wait3A_862] : memref<1600x32xf32, #tpu.memory_space<vmem>> -> memref<50x32xf32, #tpu.memory_space<vmem>>
      tpu.wait_dma2 semaphore(%arg11 : memref<!tpu.dma_semaphore, #tpu.memory_space<semaphore_mem>>) src(%dma_wait3A_863 : memref<50x32xf32, #tpu.memory_space<vmem>>) dst(%dma_wait3A_860 : memref<50x32xf32, #tpu.memory_space<hbm>>)
      %add3A_864 = arith.constant 20 : i32
      %add3A_865 = arith.addi %add3A_31, %add3A_864 : i32
      %dma_wait3A_866 = arith.constant 1000 : i32
      %dma_wait3A_867 = arith.constant 0 : i32
      %dma_wait3A_868 = tpu.memref_slice %arg7[%dma_wait3A_866, %dma_wait3A_867] : memref<1600x32xf32, #tpu.memory_space<vmem>> -> memref<50x32xf32, #tpu.memory_space<vmem>>
      %dma_wait3A_869 = arith.constant 0 : i32
      %dma_wait3A_870 = arith.constant 0 : i32
      %dma_wait3A_871 = tpu.memref_slice %arg4[%add3A_865, %dma_wait3A_869, %dma_wait3A_870] : memref<16384x50x32xf32, #tpu.memory_space<hbm>> -> memref<1x50x32xf32, #tpu.memory_space<hbm>>
      %dma_wait3A_872 = tpu.memref_squeeze %dma_wait3A_871 : memref<1x50x32xf32, #tpu.memory_space<hbm>> -> memref<50x32xf32, #tpu.memory_space<hbm>>
      %dma_wait3A_873 = arith.constant 0 : i32
      %dma_wait3A_874 = arith.constant 0 : i32
      %dma_wait3A_875 = tpu.memref_slice %arg4[%add3A_865, %dma_wait3A_873, %dma_wait3A_874] : memref<16384x50x32xf32, #tpu.memory_space<hbm>> -> memref<1x50x32xf32, #tpu.memory_space<hbm>>
      %dma_wait3A_876 = tpu.memref_squeeze %dma_wait3A_875 : memref<1x50x32xf32, #tpu.memory_space<hbm>> -> memref<50x32xf32, #tpu.memory_space<hbm>>
      %dma_wait3A_877 = arith.constant 1000 : i32
      %dma_wait3A_878 = arith.constant 0 : i32
      %dma_wait3A_879 = tpu.memref_slice %arg7[%dma_wait3A_877, %dma_wait3A_878] : memref<1600x32xf32, #tpu.memory_space<vmem>> -> memref<50x32xf32, #tpu.memory_space<vmem>>
      tpu.wait_dma2 semaphore(%arg11 : memref<!tpu.dma_semaphore, #tpu.memory_space<semaphore_mem>>) src(%dma_wait3A_879 : memref<50x32xf32, #tpu.memory_space<vmem>>) dst(%dma_wait3A_876 : memref<50x32xf32, #tpu.memory_space<hbm>>)
      %add3A_880 = arith.constant 21 : i32
      %add3A_881 = arith.addi %add3A_31, %add3A_880 : i32
      %dma_wait3A_882 = arith.constant 1050 : i32
      %dma_wait3A_883 = arith.constant 0 : i32
      %dma_wait3A_884 = tpu.memref_slice %arg7[%dma_wait3A_882, %dma_wait3A_883] : memref<1600x32xf32, #tpu.memory_space<vmem>> -> memref<50x32xf32, #tpu.memory_space<vmem>>
      %dma_wait3A_885 = arith.constant 0 : i32
      %dma_wait3A_886 = arith.constant 0 : i32
      %dma_wait3A_887 = tpu.memref_slice %arg4[%add3A_881, %dma_wait3A_885, %dma_wait3A_886] : memref<16384x50x32xf32, #tpu.memory_space<hbm>> -> memref<1x50x32xf32, #tpu.memory_space<hbm>>
      %dma_wait3A_888 = tpu.memref_squeeze %dma_wait3A_887 : memref<1x50x32xf32, #tpu.memory_space<hbm>> -> memref<50x32xf32, #tpu.memory_space<hbm>>
      %dma_wait3A_889 = arith.constant 0 : i32
      %dma_wait3A_890 = arith.constant 0 : i32
      %dma_wait3A_891 = tpu.memref_slice %arg4[%add3A_881, %dma_wait3A_889, %dma_wait3A_890] : memref<16384x50x32xf32, #tpu.memory_space<hbm>> -> memref<1x50x32xf32, #tpu.memory_space<hbm>>
      %dma_wait3A_892 = tpu.memref_squeeze %dma_wait3A_891 : memref<1x50x32xf32, #tpu.memory_space<hbm>> -> memref<50x32xf32, #tpu.memory_space<hbm>>
      %dma_wait3A_893 = arith.constant 1050 : i32
      %dma_wait3A_894 = arith.constant 0 : i32
      %dma_wait3A_895 = tpu.memref_slice %arg7[%dma_wait3A_893, %dma_wait3A_894] : memref<1600x32xf32, #tpu.memory_space<vmem>> -> memref<50x32xf32, #tpu.memory_space<vmem>>
      tpu.wait_dma2 semaphore(%arg11 : memref<!tpu.dma_semaphore, #tpu.memory_space<semaphore_mem>>) src(%dma_wait3A_895 : memref<50x32xf32, #tpu.memory_space<vmem>>) dst(%dma_wait3A_892 : memref<50x32xf32, #tpu.memory_space<hbm>>)
      %add3A_896 = arith.constant 22 : i32
      %add3A_897 = arith.addi %add3A_31, %add3A_896 : i32
      %dma_wait3A_898 = arith.constant 1100 : i32
      %dma_wait3A_899 = arith.constant 0 : i32
      %dma_wait3A_900 = tpu.memref_slice %arg7[%dma_wait3A_898, %dma_wait3A_899] : memref<1600x32xf32, #tpu.memory_space<vmem>> -> memref<50x32xf32, #tpu.memory_space<vmem>>
      %dma_wait3A_901 = arith.constant 0 : i32
      %dma_wait3A_902 = arith.constant 0 : i32
      %dma_wait3A_903 = tpu.memref_slice %arg4[%add3A_897, %dma_wait3A_901, %dma_wait3A_902] : memref<16384x50x32xf32, #tpu.memory_space<hbm>> -> memref<1x50x32xf32, #tpu.memory_space<hbm>>
      %dma_wait3A_904 = tpu.memref_squeeze %dma_wait3A_903 : memref<1x50x32xf32, #tpu.memory_space<hbm>> -> memref<50x32xf32, #tpu.memory_space<hbm>>
      %dma_wait3A_905 = arith.constant 0 : i32
      %dma_wait3A_906 = arith.constant 0 : i32
      %dma_wait3A_907 = tpu.memref_slice %arg4[%add3A_897, %dma_wait3A_905, %dma_wait3A_906] : memref<16384x50x32xf32, #tpu.memory_space<hbm>> -> memref<1x50x32xf32, #tpu.memory_space<hbm>>
      %dma_wait3A_908 = tpu.memref_squeeze %dma_wait3A_907 : memref<1x50x32xf32, #tpu.memory_space<hbm>> -> memref<50x32xf32, #tpu.memory_space<hbm>>
      %dma_wait3A_909 = arith.constant 1100 : i32
      %dma_wait3A_910 = arith.constant 0 : i32
      %dma_wait3A_911 = tpu.memref_slice %arg7[%dma_wait3A_909, %dma_wait3A_910] : memref<1600x32xf32, #tpu.memory_space<vmem>> -> memref<50x32xf32, #tpu.memory_space<vmem>>
      tpu.wait_dma2 semaphore(%arg11 : memref<!tpu.dma_semaphore, #tpu.memory_space<semaphore_mem>>) src(%dma_wait3A_911 : memref<50x32xf32, #tpu.memory_space<vmem>>) dst(%dma_wait3A_908 : memref<50x32xf32, #tpu.memory_space<hbm>>)
      %add3A_912 = arith.constant 23 : i32
      %add3A_913 = arith.addi %add3A_31, %add3A_912 : i32
      %dma_wait3A_914 = arith.constant 1150 : i32
      %dma_wait3A_915 = arith.constant 0 : i32
      %dma_wait3A_916 = tpu.memref_slice %arg7[%dma_wait3A_914, %dma_wait3A_915] : memref<1600x32xf32, #tpu.memory_space<vmem>> -> memref<50x32xf32, #tpu.memory_space<vmem>>
      %dma_wait3A_917 = arith.constant 0 : i32
      %dma_wait3A_918 = arith.constant 0 : i32
      %dma_wait3A_919 = tpu.memref_slice %arg4[%add3A_913, %dma_wait3A_917, %dma_wait3A_918] : memref<16384x50x32xf32, #tpu.memory_space<hbm>> -> memref<1x50x32xf32, #tpu.memory_space<hbm>>
      %dma_wait3A_920 = tpu.memref_squeeze %dma_wait3A_919 : memref<1x50x32xf32, #tpu.memory_space<hbm>> -> memref<50x32xf32, #tpu.memory_space<hbm>>
      %dma_wait3A_921 = arith.constant 0 : i32
      %dma_wait3A_922 = arith.constant 0 : i32
      %dma_wait3A_923 = tpu.memref_slice %arg4[%add3A_913, %dma_wait3A_921, %dma_wait3A_922] : memref<16384x50x32xf32, #tpu.memory_space<hbm>> -> memref<1x50x32xf32, #tpu.memory_space<hbm>>
      %dma_wait3A_924 = tpu.memref_squeeze %dma_wait3A_923 : memref<1x50x32xf32, #tpu.memory_space<hbm>> -> memref<50x32xf32, #tpu.memory_space<hbm>>
      %dma_wait3A_925 = arith.constant 1150 : i32
      %dma_wait3A_926 = arith.constant 0 : i32
      %dma_wait3A_927 = tpu.memref_slice %arg7[%dma_wait3A_925, %dma_wait3A_926] : memref<1600x32xf32, #tpu.memory_space<vmem>> -> memref<50x32xf32, #tpu.memory_space<vmem>>
      tpu.wait_dma2 semaphore(%arg11 : memref<!tpu.dma_semaphore, #tpu.memory_space<semaphore_mem>>) src(%dma_wait3A_927 : memref<50x32xf32, #tpu.memory_space<vmem>>) dst(%dma_wait3A_924 : memref<50x32xf32, #tpu.memory_space<hbm>>)
      %add3A_928 = arith.constant 24 : i32
      %add3A_929 = arith.addi %add3A_31, %add3A_928 : i32
      %dma_wait3A_930 = arith.constant 1200 : i32
      %dma_wait3A_931 = arith.constant 0 : i32
      %dma_wait3A_932 = tpu.memref_slice %arg7[%dma_wait3A_930, %dma_wait3A_931] : memref<1600x32xf32, #tpu.memory_space<vmem>> -> memref<50x32xf32, #tpu.memory_space<vmem>>
      %dma_wait3A_933 = arith.constant 0 : i32
      %dma_wait3A_934 = arith.constant 0 : i32
      %dma_wait3A_935 = tpu.memref_slice %arg4[%add3A_929, %dma_wait3A_933, %dma_wait3A_934] : memref<16384x50x32xf32, #tpu.memory_space<hbm>> -> memref<1x50x32xf32, #tpu.memory_space<hbm>>
      %dma_wait3A_936 = tpu.memref_squeeze %dma_wait3A_935 : memref<1x50x32xf32, #tpu.memory_space<hbm>> -> memref<50x32xf32, #tpu.memory_space<hbm>>
      %dma_wait3A_937 = arith.constant 0 : i32
      %dma_wait3A_938 = arith.constant 0 : i32
      %dma_wait3A_939 = tpu.memref_slice %arg4[%add3A_929, %dma_wait3A_937, %dma_wait3A_938] : memref<16384x50x32xf32, #tpu.memory_space<hbm>> -> memref<1x50x32xf32, #tpu.memory_space<hbm>>
      %dma_wait3A_940 = tpu.memref_squeeze %dma_wait3A_939 : memref<1x50x32xf32, #tpu.memory_space<hbm>> -> memref<50x32xf32, #tpu.memory_space<hbm>>
      %dma_wait3A_941 = arith.constant 1200 : i32
      %dma_wait3A_942 = arith.constant 0 : i32
      %dma_wait3A_943 = tpu.memref_slice %arg7[%dma_wait3A_941, %dma_wait3A_942] : memref<1600x32xf32, #tpu.memory_space<vmem>> -> memref<50x32xf32, #tpu.memory_space<vmem>>
      tpu.wait_dma2 semaphore(%arg11 : memref<!tpu.dma_semaphore, #tpu.memory_space<semaphore_mem>>) src(%dma_wait3A_943 : memref<50x32xf32, #tpu.memory_space<vmem>>) dst(%dma_wait3A_940 : memref<50x32xf32, #tpu.memory_space<hbm>>)
      %add3A_944 = arith.constant 25 : i32
      %add3A_945 = arith.addi %add3A_31, %add3A_944 : i32
      %dma_wait3A_946 = arith.constant 1250 : i32
      %dma_wait3A_947 = arith.constant 0 : i32
      %dma_wait3A_948 = tpu.memref_slice %arg7[%dma_wait3A_946, %dma_wait3A_947] : memref<1600x32xf32, #tpu.memory_space<vmem>> -> memref<50x32xf32, #tpu.memory_space<vmem>>
      %dma_wait3A_949 = arith.constant 0 : i32
      %dma_wait3A_950 = arith.constant 0 : i32
      %dma_wait3A_951 = tpu.memref_slice %arg4[%add3A_945, %dma_wait3A_949, %dma_wait3A_950] : memref<16384x50x32xf32, #tpu.memory_space<hbm>> -> memref<1x50x32xf32, #tpu.memory_space<hbm>>
      %dma_wait3A_952 = tpu.memref_squeeze %dma_wait3A_951 : memref<1x50x32xf32, #tpu.memory_space<hbm>> -> memref<50x32xf32, #tpu.memory_space<hbm>>
      %dma_wait3A_953 = arith.constant 0 : i32
      %dma_wait3A_954 = arith.constant 0 : i32
      %dma_wait3A_955 = tpu.memref_slice %arg4[%add3A_945, %dma_wait3A_953, %dma_wait3A_954] : memref<16384x50x32xf32, #tpu.memory_space<hbm>> -> memref<1x50x32xf32, #tpu.memory_space<hbm>>
      %dma_wait3A_956 = tpu.memref_squeeze %dma_wait3A_955 : memref<1x50x32xf32, #tpu.memory_space<hbm>> -> memref<50x32xf32, #tpu.memory_space<hbm>>
      %dma_wait3A_957 = arith.constant 1250 : i32
      %dma_wait3A_958 = arith.constant 0 : i32
      %dma_wait3A_959 = tpu.memref_slice %arg7[%dma_wait3A_957, %dma_wait3A_958] : memref<1600x32xf32, #tpu.memory_space<vmem>> -> memref<50x32xf32, #tpu.memory_space<vmem>>
      tpu.wait_dma2 semaphore(%arg11 : memref<!tpu.dma_semaphore, #tpu.memory_space<semaphore_mem>>) src(%dma_wait3A_959 : memref<50x32xf32, #tpu.memory_space<vmem>>) dst(%dma_wait3A_956 : memref<50x32xf32, #tpu.memory_space<hbm>>)
      %add3A_960 = arith.constant 26 : i32
      %add3A_961 = arith.addi %add3A_31, %add3A_960 : i32
      %dma_wait3A_962 = arith.constant 1300 : i32
      %dma_wait3A_963 = arith.constant 0 : i32
      %dma_wait3A_964 = tpu.memref_slice %arg7[%dma_wait3A_962, %dma_wait3A_963] : memref<1600x32xf32, #tpu.memory_space<vmem>> -> memref<50x32xf32, #tpu.memory_space<vmem>>
      %dma_wait3A_965 = arith.constant 0 : i32
      %dma_wait3A_966 = arith.constant 0 : i32
      %dma_wait3A_967 = tpu.memref_slice %arg4[%add3A_961, %dma_wait3A_965, %dma_wait3A_966] : memref<16384x50x32xf32, #tpu.memory_space<hbm>> -> memref<1x50x32xf32, #tpu.memory_space<hbm>>
      %dma_wait3A_968 = tpu.memref_squeeze %dma_wait3A_967 : memref<1x50x32xf32, #tpu.memory_space<hbm>> -> memref<50x32xf32, #tpu.memory_space<hbm>>
      %dma_wait3A_969 = arith.constant 0 : i32
      %dma_wait3A_970 = arith.constant 0 : i32
      %dma_wait3A_971 = tpu.memref_slice %arg4[%add3A_961, %dma_wait3A_969, %dma_wait3A_970] : memref<16384x50x32xf32, #tpu.memory_space<hbm>> -> memref<1x50x32xf32, #tpu.memory_space<hbm>>
      %dma_wait3A_972 = tpu.memref_squeeze %dma_wait3A_971 : memref<1x50x32xf32, #tpu.memory_space<hbm>> -> memref<50x32xf32, #tpu.memory_space<hbm>>
      %dma_wait3A_973 = arith.constant 1300 : i32
      %dma_wait3A_974 = arith.constant 0 : i32
      %dma_wait3A_975 = tpu.memref_slice %arg7[%dma_wait3A_973, %dma_wait3A_974] : memref<1600x32xf32, #tpu.memory_space<vmem>> -> memref<50x32xf32, #tpu.memory_space<vmem>>
      tpu.wait_dma2 semaphore(%arg11 : memref<!tpu.dma_semaphore, #tpu.memory_space<semaphore_mem>>) src(%dma_wait3A_975 : memref<50x32xf32, #tpu.memory_space<vmem>>) dst(%dma_wait3A_972 : memref<50x32xf32, #tpu.memory_space<hbm>>)
      %add3A_976 = arith.constant 27 : i32
      %add3A_977 = arith.addi %add3A_31, %add3A_976 : i32
      %dma_wait3A_978 = arith.constant 1350 : i32
      %dma_wait3A_979 = arith.constant 0 : i32
      %dma_wait3A_980 = tpu.memref_slice %arg7[%dma_wait3A_978, %dma_wait3A_979] : memref<1600x32xf32, #tpu.memory_space<vmem>> -> memref<50x32xf32, #tpu.memory_space<vmem>>
      %dma_wait3A_981 = arith.constant 0 : i32
      %dma_wait3A_982 = arith.constant 0 : i32
      %dma_wait3A_983 = tpu.memref_slice %arg4[%add3A_977, %dma_wait3A_981, %dma_wait3A_982] : memref<16384x50x32xf32, #tpu.memory_space<hbm>> -> memref<1x50x32xf32, #tpu.memory_space<hbm>>
      %dma_wait3A_984 = tpu.memref_squeeze %dma_wait3A_983 : memref<1x50x32xf32, #tpu.memory_space<hbm>> -> memref<50x32xf32, #tpu.memory_space<hbm>>
      %dma_wait3A_985 = arith.constant 0 : i32
      %dma_wait3A_986 = arith.constant 0 : i32
      %dma_wait3A_987 = tpu.memref_slice %arg4[%add3A_977, %dma_wait3A_985, %dma_wait3A_986] : memref<16384x50x32xf32, #tpu.memory_space<hbm>> -> memref<1x50x32xf32, #tpu.memory_space<hbm>>
      %dma_wait3A_988 = tpu.memref_squeeze %dma_wait3A_987 : memref<1x50x32xf32, #tpu.memory_space<hbm>> -> memref<50x32xf32, #tpu.memory_space<hbm>>
      %dma_wait3A_989 = arith.constant 1350 : i32
      %dma_wait3A_990 = arith.constant 0 : i32
      %dma_wait3A_991 = tpu.memref_slice %arg7[%dma_wait3A_989, %dma_wait3A_990] : memref<1600x32xf32, #tpu.memory_space<vmem>> -> memref<50x32xf32, #tpu.memory_space<vmem>>
      tpu.wait_dma2 semaphore(%arg11 : memref<!tpu.dma_semaphore, #tpu.memory_space<semaphore_mem>>) src(%dma_wait3A_991 : memref<50x32xf32, #tpu.memory_space<vmem>>) dst(%dma_wait3A_988 : memref<50x32xf32, #tpu.memory_space<hbm>>)
      %add3A_992 = arith.constant 28 : i32
      %add3A_993 = arith.addi %add3A_31, %add3A_992 : i32
      %dma_wait3A_994 = arith.constant 1400 : i32
      %dma_wait3A_995 = arith.constant 0 : i32
      %dma_wait3A_996 = tpu.memref_slice %arg7[%dma_wait3A_994, %dma_wait3A_995] : memref<1600x32xf32, #tpu.memory_space<vmem>> -> memref<50x32xf32, #tpu.memory_space<vmem>>
      %dma_wait3A_997 = arith.constant 0 : i32
      %dma_wait3A_998 = arith.constant 0 : i32
      %dma_wait3A_999 = tpu.memref_slice %arg4[%add3A_993, %dma_wait3A_997, %dma_wait3A_998] : memref<16384x50x32xf32, #tpu.memory_space<hbm>> -> memref<1x50x32xf32, #tpu.memory_space<hbm>>
      %dma_wait3A_1000 = tpu.memref_squeeze %dma_wait3A_999 : memref<1x50x32xf32, #tpu.memory_space<hbm>> -> memref<50x32xf32, #tpu.memory_space<hbm>>
      %dma_wait3A_1001 = arith.constant 0 : i32
      %dma_wait3A_1002 = arith.constant 0 : i32
      %dma_wait3A_1003 = tpu.memref_slice %arg4[%add3A_993, %dma_wait3A_1001, %dma_wait3A_1002] : memref<16384x50x32xf32, #tpu.memory_space<hbm>> -> memref<1x50x32xf32, #tpu.memory_space<hbm>>
      %dma_wait3A_1004 = tpu.memref_squeeze %dma_wait3A_1003 : memref<1x50x32xf32, #tpu.memory_space<hbm>> -> memref<50x32xf32, #tpu.memory_space<hbm>>
      %dma_wait3A_1005 = arith.constant 1400 : i32
      %dma_wait3A_1006 = arith.constant 0 : i32
      %dma_wait3A_1007 = tpu.memref_slice %arg7[%dma_wait3A_1005, %dma_wait3A_1006] : memref<1600x32xf32, #tpu.memory_space<vmem>> -> memref<50x32xf32, #tpu.memory_space<vmem>>
      tpu.wait_dma2 semaphore(%arg11 : memref<!tpu.dma_semaphore, #tpu.memory_space<semaphore_mem>>) src(%dma_wait3A_1007 : memref<50x32xf32, #tpu.memory_space<vmem>>) dst(%dma_wait3A_1004 : memref<50x32xf32, #tpu.memory_space<hbm>>)
      %add3A_1008 = arith.constant 29 : i32
      %add3A_1009 = arith.addi %add3A_31, %add3A_1008 : i32
      %dma_wait3A_1010 = arith.constant 1450 : i32
      %dma_wait3A_1011 = arith.constant 0 : i32
      %dma_wait3A_1012 = tpu.memref_slice %arg7[%dma_wait3A_1010, %dma_wait3A_1011] : memref<1600x32xf32, #tpu.memory_space<vmem>> -> memref<50x32xf32, #tpu.memory_space<vmem>>
      %dma_wait3A_1013 = arith.constant 0 : i32
      %dma_wait3A_1014 = arith.constant 0 : i32
      %dma_wait3A_1015 = tpu.memref_slice %arg4[%add3A_1009, %dma_wait3A_1013, %dma_wait3A_1014] : memref<16384x50x32xf32, #tpu.memory_space<hbm>> -> memref<1x50x32xf32, #tpu.memory_space<hbm>>
      %dma_wait3A_1016 = tpu.memref_squeeze %dma_wait3A_1015 : memref<1x50x32xf32, #tpu.memory_space<hbm>> -> memref<50x32xf32, #tpu.memory_space<hbm>>
      %dma_wait3A_1017 = arith.constant 0 : i32
      %dma_wait3A_1018 = arith.constant 0 : i32
      %dma_wait3A_1019 = tpu.memref_slice %arg4[%add3A_1009, %dma_wait3A_1017, %dma_wait3A_1018] : memref<16384x50x32xf32, #tpu.memory_space<hbm>> -> memref<1x50x32xf32, #tpu.memory_space<hbm>>
      %dma_wait3A_1020 = tpu.memref_squeeze %dma_wait3A_1019 : memref<1x50x32xf32, #tpu.memory_space<hbm>> -> memref<50x32xf32, #tpu.memory_space<hbm>>
      %dma_wait3A_1021 = arith.constant 1450 : i32
      %dma_wait3A_1022 = arith.constant 0 : i32
      %dma_wait3A_1023 = tpu.memref_slice %arg7[%dma_wait3A_1021, %dma_wait3A_1022] : memref<1600x32xf32, #tpu.memory_space<vmem>> -> memref<50x32xf32, #tpu.memory_space<vmem>>
      tpu.wait_dma2 semaphore(%arg11 : memref<!tpu.dma_semaphore, #tpu.memory_space<semaphore_mem>>) src(%dma_wait3A_1023 : memref<50x32xf32, #tpu.memory_space<vmem>>) dst(%dma_wait3A_1020 : memref<50x32xf32, #tpu.memory_space<hbm>>)
      %add3A_1024 = arith.constant 30 : i32
      %add3A_1025 = arith.addi %add3A_31, %add3A_1024 : i32
      %dma_wait3A_1026 = arith.constant 1500 : i32
      %dma_wait3A_1027 = arith.constant 0 : i32
      %dma_wait3A_1028 = tpu.memref_slice %arg7[%dma_wait3A_1026, %dma_wait3A_1027] : memref<1600x32xf32, #tpu.memory_space<vmem>> -> memref<50x32xf32, #tpu.memory_space<vmem>>
      %dma_wait3A_1029 = arith.constant 0 : i32
      %dma_wait3A_1030 = arith.constant 0 : i32
      %dma_wait3A_1031 = tpu.memref_slice %arg4[%add3A_1025, %dma_wait3A_1029, %dma_wait3A_1030] : memref<16384x50x32xf32, #tpu.memory_space<hbm>> -> memref<1x50x32xf32, #tpu.memory_space<hbm>>
      %dma_wait3A_1032 = tpu.memref_squeeze %dma_wait3A_1031 : memref<1x50x32xf32, #tpu.memory_space<hbm>> -> memref<50x32xf32, #tpu.memory_space<hbm>>
      %dma_wait3A_1033 = arith.constant 0 : i32
      %dma_wait3A_1034 = arith.constant 0 : i32
      %dma_wait3A_1035 = tpu.memref_slice %arg4[%add3A_1025, %dma_wait3A_1033, %dma_wait3A_1034] : memref<16384x50x32xf32, #tpu.memory_space<hbm>> -> memref<1x50x32xf32, #tpu.memory_space<hbm>>
      %dma_wait3A_1036 = tpu.memref_squeeze %dma_wait3A_1035 : memref<1x50x32xf32, #tpu.memory_space<hbm>> -> memref<50x32xf32, #tpu.memory_space<hbm>>
      %dma_wait3A_1037 = arith.constant 1500 : i32
      %dma_wait3A_1038 = arith.constant 0 : i32
      %dma_wait3A_1039 = tpu.memref_slice %arg7[%dma_wait3A_1037, %dma_wait3A_1038] : memref<1600x32xf32, #tpu.memory_space<vmem>> -> memref<50x32xf32, #tpu.memory_space<vmem>>
      tpu.wait_dma2 semaphore(%arg11 : memref<!tpu.dma_semaphore, #tpu.memory_space<semaphore_mem>>) src(%dma_wait3A_1039 : memref<50x32xf32, #tpu.memory_space<vmem>>) dst(%dma_wait3A_1036 : memref<50x32xf32, #tpu.memory_space<hbm>>)
      %add3A_1040 = arith.constant 31 : i32
      %add3A_1041 = arith.addi %add3A_31, %add3A_1040 : i32
      %dma_wait3A_1042 = arith.constant 1550 : i32
      %dma_wait3A_1043 = arith.constant 0 : i32
      %dma_wait3A_1044 = tpu.memref_slice %arg7[%dma_wait3A_1042, %dma_wait3A_1043] : memref<1600x32xf32, #tpu.memory_space<vmem>> -> memref<50x32xf32, #tpu.memory_space<vmem>>
      %dma_wait3A_1045 = arith.constant 0 : i32
      %dma_wait3A_1046 = arith.constant 0 : i32
      %dma_wait3A_1047 = tpu.memref_slice %arg4[%add3A_1041, %dma_wait3A_1045, %dma_wait3A_1046] : memref<16384x50x32xf32, #tpu.memory_space<hbm>> -> memref<1x50x32xf32, #tpu.memory_space<hbm>>
      %dma_wait3A_1048 = tpu.memref_squeeze %dma_wait3A_1047 : memref<1x50x32xf32, #tpu.memory_space<hbm>> -> memref<50x32xf32, #tpu.memory_space<hbm>>
      %dma_wait3A_1049 = arith.constant 0 : i32
      %dma_wait3A_1050 = arith.constant 0 : i32
      %dma_wait3A_1051 = tpu.memref_slice %arg4[%add3A_1041, %dma_wait3A_1049, %dma_wait3A_1050] : memref<16384x50x32xf32, #tpu.memory_space<hbm>> -> memref<1x50x32xf32, #tpu.memory_space<hbm>>
      %dma_wait3A_1052 = tpu.memref_squeeze %dma_wait3A_1051 : memref<1x50x32xf32, #tpu.memory_space<hbm>> -> memref<50x32xf32, #tpu.memory_space<hbm>>
      %dma_wait3A_1053 = arith.constant 1550 : i32
      %dma_wait3A_1054 = arith.constant 0 : i32
      %dma_wait3A_1055 = tpu.memref_slice %arg7[%dma_wait3A_1053, %dma_wait3A_1054] : memref<1600x32xf32, #tpu.memory_space<vmem>> -> memref<50x32xf32, #tpu.memory_space<vmem>>
      tpu.wait_dma2 semaphore(%arg11 : memref<!tpu.dma_semaphore, #tpu.memory_space<semaphore_mem>>) src(%dma_wait3A_1055 : memref<50x32xf32, #tpu.memory_space<vmem>>) dst(%dma_wait3A_1052 : memref<50x32xf32, #tpu.memory_space<hbm>>)
      %add3A_1056 = arith.constant 2 : i32
      %add3A_1057 = arith.addi %add3A_26, %add3A_1056 : i32
      %lt3A = arith.constant 16 : i32
      %lt3A_1058 = arith.cmpi slt, %add3A_1057, %lt3A : i32
      %convert_element_type3A = arith.extui %lt3A_1058 : i1 to i32
      %cond3A = arith.constant 0 : i32
      %cond3A_1059 = arith.cmpi ne, %convert_element_type3A, %cond3A : i32
      scf.if %cond3A_1059 {
        %add3A_2102 = arith.constant 2 : i32
        %add3A_2103 = arith.addi %add3A_26, %add3A_2102 : i32
        %mul3A_2104 = arith.constant 1600 : i32
        %mul3A_2105 = arith.muli %add3A_2103, %mul3A_2104 : i32
        %add3A_2106 = arith.addi %mul3A_4, %mul3A_2105 : i32
        %multiple_of3A_2107 = tpu.assume_multiple %add3A_2106, 8 : i32
        "tpu.region"() ({
          %run_scoped3A = tpu.sem_alloc : memref<!tpu.dma_semaphore, #tpu.memory_space<semaphore_mem>>
          %dma_start3A_2111 = tpu.memref_slice %arg2[%multiple_of3A_2107] : memref<819200xi32, #tpu.memory_space<hbm>> -> memref<1600xi32, #tpu.memory_space<hbm>>
          %dma_start3A_2112 = tpu.memref_slice %arg2[%multiple_of3A_2107] : memref<819200xi32, #tpu.memory_space<hbm>> -> memref<1600xi32, #tpu.memory_space<hbm>>
          tpu.enqueue_dma source(%dma_start3A_2112 : memref<1600xi32, #tpu.memory_space<hbm>>) target(%arg5 : memref<1600xi32, #tpu.memory_space<vmem>>) target_semaphore(%run_scoped3A : memref<!tpu.dma_semaphore, #tpu.memory_space<semaphore_mem>>)
          %dma_wait3A_2113 = tpu.memref_slice %arg2[%multiple_of3A_2107] : memref<819200xi32, #tpu.memory_space<hbm>> -> memref<1600xi32, #tpu.memory_space<hbm>>
          %dma_wait3A_2114 = tpu.memref_slice %arg2[%multiple_of3A_2107] : memref<819200xi32, #tpu.memory_space<hbm>> -> memref<1600xi32, #tpu.memory_space<hbm>>
          tpu.wait_dma2 semaphore(%run_scoped3A : memref<!tpu.dma_semaphore, #tpu.memory_space<semaphore_mem>>) src(%dma_wait3A_2114 : memref<1600xi32, #tpu.memory_space<hbm>>) dst(%arg5 : memref<1600xi32, #tpu.memory_space<vmem>>)
          tpu.yield
        }) : () -> ()
        %dma_start3A_2108 = arith.constant 0 : i32
        %dma_start3A_2109 = arith.constant 0 : i32
        %dma_start3A_2110 = tpu.memref_slice %arg3[%dma_start3A_2108, %dma_start3A_2109] : memref<1000000x32xf32, #tpu.memory_space<hbm>> -> memref<1000000x32xf32, #tpu.memory_space<hbm>>
        tpu.enqueue_indirect_dma source(%dma_start3A_2110 : memref<1000000x32xf32, #tpu.memory_space<hbm>>) target(%arg7 : memref<1600x32xf32, #tpu.memory_space<vmem>>) offsets(%arg5 : memref<1600xi32, #tpu.memory_space<vmem>>) semaphore(%arg9 : memref<!tpu.dma_semaphore, #tpu.memory_space<semaphore_mem>>)
      } else {
      }
      %mul3A_1060 = arith.constant 2 : i32
      %mul3A_1061 = arith.muli %scan3A_21, %mul3A_1060 : i32
      %add3A_1062 = arith.constant 1 : i32
      %add3A_1063 = arith.addi %mul3A_1061, %add3A_1062 : i32
      %dma_wait3A_1064 = arith.constant 0 : i32
      %dma_wait3A_1065 = arith.constant 0 : i32
      %dma_wait3A_1066 = tpu.memref_slice %arg3[%dma_wait3A_1064, %dma_wait3A_1065] : memref<1000000x32xf32, #tpu.memory_space<hbm>> -> memref<1000000x32xf32, #tpu.memory_space<hbm>>
      tpu.wait_indirect_dma semaphore(%arg10 : memref<!tpu.dma_semaphore, #tpu.memory_space<semaphore_mem>>) src(%dma_wait3A_1066 : memref<1000000x32xf32, #tpu.memory_space<hbm>>) dst(%arg8 : memref<1600x32xf32, #tpu.memory_space<vmem>>)
      %mul3A_1067 = arith.constant 32 : i32
      %mul3A_1068 = arith.muli %add3A_1063, %mul3A_1067 : i32
      %add3A_1069 = arith.addi %mul3A_2, %mul3A_1068 : i32
      %add3A_1070 = arith.constant 0 : i32
      %add3A_1071 = arith.addi %add3A_1069, %add3A_1070 : i32
      %dma_start3A_1072 = arith.constant 0 : i32
      %dma_start3A_1073 = arith.constant 0 : i32
      %dma_start3A_1074 = tpu.memref_slice %arg8[%dma_start3A_1072, %dma_start3A_1073] : memref<1600x32xf32, #tpu.memory_space<vmem>> -> memref<50x32xf32, #tpu.memory_space<vmem>>
      %dma_start3A_1075 = arith.constant 0 : i32
      %dma_start3A_1076 = arith.constant 0 : i32
      %dma_start3A_1077 = tpu.memref_slice %arg4[%add3A_1071, %dma_start3A_1075, %dma_start3A_1076] : memref<16384x50x32xf32, #tpu.memory_space<hbm>> -> memref<1x50x32xf32, #tpu.memory_space<hbm>>
      %dma_start3A_1078 = tpu.memref_squeeze %dma_start3A_1077 : memref<1x50x32xf32, #tpu.memory_space<hbm>> -> memref<50x32xf32, #tpu.memory_space<hbm>>
      %dma_start3A_1079 = arith.constant 0 : i32
      %dma_start3A_1080 = arith.constant 0 : i32
      %dma_start3A_1081 = tpu.memref_slice %arg4[%add3A_1071, %dma_start3A_1079, %dma_start3A_1080] : memref<16384x50x32xf32, #tpu.memory_space<hbm>> -> memref<1x50x32xf32, #tpu.memory_space<hbm>>
      %dma_start3A_1082 = tpu.memref_squeeze %dma_start3A_1081 : memref<1x50x32xf32, #tpu.memory_space<hbm>> -> memref<50x32xf32, #tpu.memory_space<hbm>>
      %dma_start3A_1083 = arith.constant 0 : i32
      %dma_start3A_1084 = arith.constant 0 : i32
      %dma_start3A_1085 = tpu.memref_slice %arg8[%dma_start3A_1083, %dma_start3A_1084] : memref<1600x32xf32, #tpu.memory_space<vmem>> -> memref<50x32xf32, #tpu.memory_space<vmem>>
      tpu.enqueue_dma source(%dma_start3A_1085 : memref<50x32xf32, #tpu.memory_space<vmem>>) target(%dma_start3A_1082 : memref<50x32xf32, #tpu.memory_space<hbm>>) target_semaphore(%arg12 : memref<!tpu.dma_semaphore, #tpu.memory_space<semaphore_mem>>)
      %add3A_1086 = arith.constant 1 : i32
      %add3A_1087 = arith.addi %add3A_1069, %add3A_1086 : i32
      %dma_start3A_1088 = arith.constant 50 : i32
      %dma_start3A_1089 = arith.constant 0 : i32
      %dma_start3A_1090 = tpu.memref_slice %arg8[%dma_start3A_1088, %dma_start3A_1089] : memref<1600x32xf32, #tpu.memory_space<vmem>> -> memref<50x32xf32, #tpu.memory_space<vmem>>
      %dma_start3A_1091 = arith.constant 0 : i32
      %dma_start3A_1092 = arith.constant 0 : i32
      %dma_start3A_1093 = tpu.memref_slice %arg4[%add3A_1087, %dma_start3A_1091, %dma_start3A_1092] : memref<16384x50x32xf32, #tpu.memory_space<hbm>> -> memref<1x50x32xf32, #tpu.memory_space<hbm>>
      %dma_start3A_1094 = tpu.memref_squeeze %dma_start3A_1093 : memref<1x50x32xf32, #tpu.memory_space<hbm>> -> memref<50x32xf32, #tpu.memory_space<hbm>>
      %dma_start3A_1095 = arith.constant 0 : i32
      %dma_start3A_1096 = arith.constant 0 : i32
      %dma_start3A_1097 = tpu.memref_slice %arg4[%add3A_1087, %dma_start3A_1095, %dma_start3A_1096] : memref<16384x50x32xf32, #tpu.memory_space<hbm>> -> memref<1x50x32xf32, #tpu.memory_space<hbm>>
      %dma_start3A_1098 = tpu.memref_squeeze %dma_start3A_1097 : memref<1x50x32xf32, #tpu.memory_space<hbm>> -> memref<50x32xf32, #tpu.memory_space<hbm>>
      %dma_start3A_1099 = arith.constant 50 : i32
      %dma_start3A_1100 = arith.constant 0 : i32
      %dma_start3A_1101 = tpu.memref_slice %arg8[%dma_start3A_1099, %dma_start3A_1100] : memref<1600x32xf32, #tpu.memory_space<vmem>> -> memref<50x32xf32, #tpu.memory_space<vmem>>
      tpu.enqueue_dma source(%dma_start3A_1101 : memref<50x32xf32, #tpu.memory_space<vmem>>) target(%dma_start3A_1098 : memref<50x32xf32, #tpu.memory_space<hbm>>) target_semaphore(%arg12 : memref<!tpu.dma_semaphore, #tpu.memory_space<semaphore_mem>>)
      %add3A_1102 = arith.constant 2 : i32
      %add3A_1103 = arith.addi %add3A_1069, %add3A_1102 : i32
      %dma_start3A_1104 = arith.constant 100 : i32
      %dma_start3A_1105 = arith.constant 0 : i32
      %dma_start3A_1106 = tpu.memref_slice %arg8[%dma_start3A_1104, %dma_start3A_1105] : memref<1600x32xf32, #tpu.memory_space<vmem>> -> memref<50x32xf32, #tpu.memory_space<vmem>>
      %dma_start3A_1107 = arith.constant 0 : i32
      %dma_start3A_1108 = arith.constant 0 : i32
      %dma_start3A_1109 = tpu.memref_slice %arg4[%add3A_1103, %dma_start3A_1107, %dma_start3A_1108] : memref<16384x50x32xf32, #tpu.memory_space<hbm>> -> memref<1x50x32xf32, #tpu.memory_space<hbm>>
      %dma_start3A_1110 = tpu.memref_squeeze %dma_start3A_1109 : memref<1x50x32xf32, #tpu.memory_space<hbm>> -> memref<50x32xf32, #tpu.memory_space<hbm>>
      %dma_start3A_1111 = arith.constant 0 : i32
      %dma_start3A_1112 = arith.constant 0 : i32
      %dma_start3A_1113 = tpu.memref_slice %arg4[%add3A_1103, %dma_start3A_1111, %dma_start3A_1112] : memref<16384x50x32xf32, #tpu.memory_space<hbm>> -> memref<1x50x32xf32, #tpu.memory_space<hbm>>
      %dma_start3A_1114 = tpu.memref_squeeze %dma_start3A_1113 : memref<1x50x32xf32, #tpu.memory_space<hbm>> -> memref<50x32xf32, #tpu.memory_space<hbm>>
      %dma_start3A_1115 = arith.constant 100 : i32
      %dma_start3A_1116 = arith.constant 0 : i32
      %dma_start3A_1117 = tpu.memref_slice %arg8[%dma_start3A_1115, %dma_start3A_1116] : memref<1600x32xf32, #tpu.memory_space<vmem>> -> memref<50x32xf32, #tpu.memory_space<vmem>>
      tpu.enqueue_dma source(%dma_start3A_1117 : memref<50x32xf32, #tpu.memory_space<vmem>>) target(%dma_start3A_1114 : memref<50x32xf32, #tpu.memory_space<hbm>>) target_semaphore(%arg12 : memref<!tpu.dma_semaphore, #tpu.memory_space<semaphore_mem>>)
      %add3A_1118 = arith.constant 3 : i32
      %add3A_1119 = arith.addi %add3A_1069, %add3A_1118 : i32
      %dma_start3A_1120 = arith.constant 150 : i32
      %dma_start3A_1121 = arith.constant 0 : i32
      %dma_start3A_1122 = tpu.memref_slice %arg8[%dma_start3A_1120, %dma_start3A_1121] : memref<1600x32xf32, #tpu.memory_space<vmem>> -> memref<50x32xf32, #tpu.memory_space<vmem>>
      %dma_start3A_1123 = arith.constant 0 : i32
      %dma_start3A_1124 = arith.constant 0 : i32
      %dma_start3A_1125 = tpu.memref_slice %arg4[%add3A_1119, %dma_start3A_1123, %dma_start3A_1124] : memref<16384x50x32xf32, #tpu.memory_space<hbm>> -> memref<1x50x32xf32, #tpu.memory_space<hbm>>
      %dma_start3A_1126 = tpu.memref_squeeze %dma_start3A_1125 : memref<1x50x32xf32, #tpu.memory_space<hbm>> -> memref<50x32xf32, #tpu.memory_space<hbm>>
      %dma_start3A_1127 = arith.constant 0 : i32
      %dma_start3A_1128 = arith.constant 0 : i32
      %dma_start3A_1129 = tpu.memref_slice %arg4[%add3A_1119, %dma_start3A_1127, %dma_start3A_1128] : memref<16384x50x32xf32, #tpu.memory_space<hbm>> -> memref<1x50x32xf32, #tpu.memory_space<hbm>>
      %dma_start3A_1130 = tpu.memref_squeeze %dma_start3A_1129 : memref<1x50x32xf32, #tpu.memory_space<hbm>> -> memref<50x32xf32, #tpu.memory_space<hbm>>
      %dma_start3A_1131 = arith.constant 150 : i32
      %dma_start3A_1132 = arith.constant 0 : i32
      %dma_start3A_1133 = tpu.memref_slice %arg8[%dma_start3A_1131, %dma_start3A_1132] : memref<1600x32xf32, #tpu.memory_space<vmem>> -> memref<50x32xf32, #tpu.memory_space<vmem>>
      tpu.enqueue_dma source(%dma_start3A_1133 : memref<50x32xf32, #tpu.memory_space<vmem>>) target(%dma_start3A_1130 : memref<50x32xf32, #tpu.memory_space<hbm>>) target_semaphore(%arg12 : memref<!tpu.dma_semaphore, #tpu.memory_space<semaphore_mem>>)
      %add3A_1134 = arith.constant 4 : i32
      %add3A_1135 = arith.addi %add3A_1069, %add3A_1134 : i32
      %dma_start3A_1136 = arith.constant 200 : i32
      %dma_start3A_1137 = arith.constant 0 : i32
      %dma_start3A_1138 = tpu.memref_slice %arg8[%dma_start3A_1136, %dma_start3A_1137] : memref<1600x32xf32, #tpu.memory_space<vmem>> -> memref<50x32xf32, #tpu.memory_space<vmem>>
      %dma_start3A_1139 = arith.constant 0 : i32
      %dma_start3A_1140 = arith.constant 0 : i32
      %dma_start3A_1141 = tpu.memref_slice %arg4[%add3A_1135, %dma_start3A_1139, %dma_start3A_1140] : memref<16384x50x32xf32, #tpu.memory_space<hbm>> -> memref<1x50x32xf32, #tpu.memory_space<hbm>>
      %dma_start3A_1142 = tpu.memref_squeeze %dma_start3A_1141 : memref<1x50x32xf32, #tpu.memory_space<hbm>> -> memref<50x32xf32, #tpu.memory_space<hbm>>
      %dma_start3A_1143 = arith.constant 0 : i32
      %dma_start3A_1144 = arith.constant 0 : i32
      %dma_start3A_1145 = tpu.memref_slice %arg4[%add3A_1135, %dma_start3A_1143, %dma_start3A_1144] : memref<16384x50x32xf32, #tpu.memory_space<hbm>> -> memref<1x50x32xf32, #tpu.memory_space<hbm>>
      %dma_start3A_1146 = tpu.memref_squeeze %dma_start3A_1145 : memref<1x50x32xf32, #tpu.memory_space<hbm>> -> memref<50x32xf32, #tpu.memory_space<hbm>>
      %dma_start3A_1147 = arith.constant 200 : i32
      %dma_start3A_1148 = arith.constant 0 : i32
      %dma_start3A_1149 = tpu.memref_slice %arg8[%dma_start3A_1147, %dma_start3A_1148] : memref<1600x32xf32, #tpu.memory_space<vmem>> -> memref<50x32xf32, #tpu.memory_space<vmem>>
      tpu.enqueue_dma source(%dma_start3A_1149 : memref<50x32xf32, #tpu.memory_space<vmem>>) target(%dma_start3A_1146 : memref<50x32xf32, #tpu.memory_space<hbm>>) target_semaphore(%arg12 : memref<!tpu.dma_semaphore, #tpu.memory_space<semaphore_mem>>)
      %add3A_1150 = arith.constant 5 : i32
      %add3A_1151 = arith.addi %add3A_1069, %add3A_1150 : i32
      %dma_start3A_1152 = arith.constant 250 : i32
      %dma_start3A_1153 = arith.constant 0 : i32
      %dma_start3A_1154 = tpu.memref_slice %arg8[%dma_start3A_1152, %dma_start3A_1153] : memref<1600x32xf32, #tpu.memory_space<vmem>> -> memref<50x32xf32, #tpu.memory_space<vmem>>
      %dma_start3A_1155 = arith.constant 0 : i32
      %dma_start3A_1156 = arith.constant 0 : i32
      %dma_start3A_1157 = tpu.memref_slice %arg4[%add3A_1151, %dma_start3A_1155, %dma_start3A_1156] : memref<16384x50x32xf32, #tpu.memory_space<hbm>> -> memref<1x50x32xf32, #tpu.memory_space<hbm>>
      %dma_start3A_1158 = tpu.memref_squeeze %dma_start3A_1157 : memref<1x50x32xf32, #tpu.memory_space<hbm>> -> memref<50x32xf32, #tpu.memory_space<hbm>>
      %dma_start3A_1159 = arith.constant 0 : i32
      %dma_start3A_1160 = arith.constant 0 : i32
      %dma_start3A_1161 = tpu.memref_slice %arg4[%add3A_1151, %dma_start3A_1159, %dma_start3A_1160] : memref<16384x50x32xf32, #tpu.memory_space<hbm>> -> memref<1x50x32xf32, #tpu.memory_space<hbm>>
      %dma_start3A_1162 = tpu.memref_squeeze %dma_start3A_1161 : memref<1x50x32xf32, #tpu.memory_space<hbm>> -> memref<50x32xf32, #tpu.memory_space<hbm>>
      %dma_start3A_1163 = arith.constant 250 : i32
      %dma_start3A_1164 = arith.constant 0 : i32
      %dma_start3A_1165 = tpu.memref_slice %arg8[%dma_start3A_1163, %dma_start3A_1164] : memref<1600x32xf32, #tpu.memory_space<vmem>> -> memref<50x32xf32, #tpu.memory_space<vmem>>
      tpu.enqueue_dma source(%dma_start3A_1165 : memref<50x32xf32, #tpu.memory_space<vmem>>) target(%dma_start3A_1162 : memref<50x32xf32, #tpu.memory_space<hbm>>) target_semaphore(%arg12 : memref<!tpu.dma_semaphore, #tpu.memory_space<semaphore_mem>>)
      %add3A_1166 = arith.constant 6 : i32
      %add3A_1167 = arith.addi %add3A_1069, %add3A_1166 : i32
      %dma_start3A_1168 = arith.constant 300 : i32
      %dma_start3A_1169 = arith.constant 0 : i32
      %dma_start3A_1170 = tpu.memref_slice %arg8[%dma_start3A_1168, %dma_start3A_1169] : memref<1600x32xf32, #tpu.memory_space<vmem>> -> memref<50x32xf32, #tpu.memory_space<vmem>>
      %dma_start3A_1171 = arith.constant 0 : i32
      %dma_start3A_1172 = arith.constant 0 : i32
      %dma_start3A_1173 = tpu.memref_slice %arg4[%add3A_1167, %dma_start3A_1171, %dma_start3A_1172] : memref<16384x50x32xf32, #tpu.memory_space<hbm>> -> memref<1x50x32xf32, #tpu.memory_space<hbm>>
      %dma_start3A_1174 = tpu.memref_squeeze %dma_start3A_1173 : memref<1x50x32xf32, #tpu.memory_space<hbm>> -> memref<50x32xf32, #tpu.memory_space<hbm>>
      %dma_start3A_1175 = arith.constant 0 : i32
      %dma_start3A_1176 = arith.constant 0 : i32
      %dma_start3A_1177 = tpu.memref_slice %arg4[%add3A_1167, %dma_start3A_1175, %dma_start3A_1176] : memref<16384x50x32xf32, #tpu.memory_space<hbm>> -> memref<1x50x32xf32, #tpu.memory_space<hbm>>
      %dma_start3A_1178 = tpu.memref_squeeze %dma_start3A_1177 : memref<1x50x32xf32, #tpu.memory_space<hbm>> -> memref<50x32xf32, #tpu.memory_space<hbm>>
      %dma_start3A_1179 = arith.constant 300 : i32
      %dma_start3A_1180 = arith.constant 0 : i32
      %dma_start3A_1181 = tpu.memref_slice %arg8[%dma_start3A_1179, %dma_start3A_1180] : memref<1600x32xf32, #tpu.memory_space<vmem>> -> memref<50x32xf32, #tpu.memory_space<vmem>>
      tpu.enqueue_dma source(%dma_start3A_1181 : memref<50x32xf32, #tpu.memory_space<vmem>>) target(%dma_start3A_1178 : memref<50x32xf32, #tpu.memory_space<hbm>>) target_semaphore(%arg12 : memref<!tpu.dma_semaphore, #tpu.memory_space<semaphore_mem>>)
      %add3A_1182 = arith.constant 7 : i32
      %add3A_1183 = arith.addi %add3A_1069, %add3A_1182 : i32
      %dma_start3A_1184 = arith.constant 350 : i32
      %dma_start3A_1185 = arith.constant 0 : i32
      %dma_start3A_1186 = tpu.memref_slice %arg8[%dma_start3A_1184, %dma_start3A_1185] : memref<1600x32xf32, #tpu.memory_space<vmem>> -> memref<50x32xf32, #tpu.memory_space<vmem>>
      %dma_start3A_1187 = arith.constant 0 : i32
      %dma_start3A_1188 = arith.constant 0 : i32
      %dma_start3A_1189 = tpu.memref_slice %arg4[%add3A_1183, %dma_start3A_1187, %dma_start3A_1188] : memref<16384x50x32xf32, #tpu.memory_space<hbm>> -> memref<1x50x32xf32, #tpu.memory_space<hbm>>
      %dma_start3A_1190 = tpu.memref_squeeze %dma_start3A_1189 : memref<1x50x32xf32, #tpu.memory_space<hbm>> -> memref<50x32xf32, #tpu.memory_space<hbm>>
      %dma_start3A_1191 = arith.constant 0 : i32
      %dma_start3A_1192 = arith.constant 0 : i32
      %dma_start3A_1193 = tpu.memref_slice %arg4[%add3A_1183, %dma_start3A_1191, %dma_start3A_1192] : memref<16384x50x32xf32, #tpu.memory_space<hbm>> -> memref<1x50x32xf32, #tpu.memory_space<hbm>>
      %dma_start3A_1194 = tpu.memref_squeeze %dma_start3A_1193 : memref<1x50x32xf32, #tpu.memory_space<hbm>> -> memref<50x32xf32, #tpu.memory_space<hbm>>
      %dma_start3A_1195 = arith.constant 350 : i32
      %dma_start3A_1196 = arith.constant 0 : i32
      %dma_start3A_1197 = tpu.memref_slice %arg8[%dma_start3A_1195, %dma_start3A_1196] : memref<1600x32xf32, #tpu.memory_space<vmem>> -> memref<50x32xf32, #tpu.memory_space<vmem>>
      tpu.enqueue_dma source(%dma_start3A_1197 : memref<50x32xf32, #tpu.memory_space<vmem>>) target(%dma_start3A_1194 : memref<50x32xf32, #tpu.memory_space<hbm>>) target_semaphore(%arg12 : memref<!tpu.dma_semaphore, #tpu.memory_space<semaphore_mem>>)
      %add3A_1198 = arith.constant 8 : i32
      %add3A_1199 = arith.addi %add3A_1069, %add3A_1198 : i32
      %dma_start3A_1200 = arith.constant 400 : i32
      %dma_start3A_1201 = arith.constant 0 : i32
      %dma_start3A_1202 = tpu.memref_slice %arg8[%dma_start3A_1200, %dma_start3A_1201] : memref<1600x32xf32, #tpu.memory_space<vmem>> -> memref<50x32xf32, #tpu.memory_space<vmem>>
      %dma_start3A_1203 = arith.constant 0 : i32
      %dma_start3A_1204 = arith.constant 0 : i32
      %dma_start3A_1205 = tpu.memref_slice %arg4[%add3A_1199, %dma_start3A_1203, %dma_start3A_1204] : memref<16384x50x32xf32, #tpu.memory_space<hbm>> -> memref<1x50x32xf32, #tpu.memory_space<hbm>>
      %dma_start3A_1206 = tpu.memref_squeeze %dma_start3A_1205 : memref<1x50x32xf32, #tpu.memory_space<hbm>> -> memref<50x32xf32, #tpu.memory_space<hbm>>
      %dma_start3A_1207 = arith.constant 0 : i32
      %dma_start3A_1208 = arith.constant 0 : i32
      %dma_start3A_1209 = tpu.memref_slice %arg4[%add3A_1199, %dma_start3A_1207, %dma_start3A_1208] : memref<16384x50x32xf32, #tpu.memory_space<hbm>> -> memref<1x50x32xf32, #tpu.memory_space<hbm>>
      %dma_start3A_1210 = tpu.memref_squeeze %dma_start3A_1209 : memref<1x50x32xf32, #tpu.memory_space<hbm>> -> memref<50x32xf32, #tpu.memory_space<hbm>>
      %dma_start3A_1211 = arith.constant 400 : i32
      %dma_start3A_1212 = arith.constant 0 : i32
      %dma_start3A_1213 = tpu.memref_slice %arg8[%dma_start3A_1211, %dma_start3A_1212] : memref<1600x32xf32, #tpu.memory_space<vmem>> -> memref<50x32xf32, #tpu.memory_space<vmem>>
      tpu.enqueue_dma source(%dma_start3A_1213 : memref<50x32xf32, #tpu.memory_space<vmem>>) target(%dma_start3A_1210 : memref<50x32xf32, #tpu.memory_space<hbm>>) target_semaphore(%arg12 : memref<!tpu.dma_semaphore, #tpu.memory_space<semaphore_mem>>)
      %add3A_1214 = arith.constant 9 : i32
      %add3A_1215 = arith.addi %add3A_1069, %add3A_1214 : i32
      %dma_start3A_1216 = arith.constant 450 : i32
      %dma_start3A_1217 = arith.constant 0 : i32
      %dma_start3A_1218 = tpu.memref_slice %arg8[%dma_start3A_1216, %dma_start3A_1217] : memref<1600x32xf32, #tpu.memory_space<vmem>> -> memref<50x32xf32, #tpu.memory_space<vmem>>
      %dma_start3A_1219 = arith.constant 0 : i32
      %dma_start3A_1220 = arith.constant 0 : i32
      %dma_start3A_1221 = tpu.memref_slice %arg4[%add3A_1215, %dma_start3A_1219, %dma_start3A_1220] : memref<16384x50x32xf32, #tpu.memory_space<hbm>> -> memref<1x50x32xf32, #tpu.memory_space<hbm>>
      %dma_start3A_1222 = tpu.memref_squeeze %dma_start3A_1221 : memref<1x50x32xf32, #tpu.memory_space<hbm>> -> memref<50x32xf32, #tpu.memory_space<hbm>>
      %dma_start3A_1223 = arith.constant 0 : i32
      %dma_start3A_1224 = arith.constant 0 : i32
      %dma_start3A_1225 = tpu.memref_slice %arg4[%add3A_1215, %dma_start3A_1223, %dma_start3A_1224] : memref<16384x50x32xf32, #tpu.memory_space<hbm>> -> memref<1x50x32xf32, #tpu.memory_space<hbm>>
      %dma_start3A_1226 = tpu.memref_squeeze %dma_start3A_1225 : memref<1x50x32xf32, #tpu.memory_space<hbm>> -> memref<50x32xf32, #tpu.memory_space<hbm>>
      %dma_start3A_1227 = arith.constant 450 : i32
      %dma_start3A_1228 = arith.constant 0 : i32
      %dma_start3A_1229 = tpu.memref_slice %arg8[%dma_start3A_1227, %dma_start3A_1228] : memref<1600x32xf32, #tpu.memory_space<vmem>> -> memref<50x32xf32, #tpu.memory_space<vmem>>
      tpu.enqueue_dma source(%dma_start3A_1229 : memref<50x32xf32, #tpu.memory_space<vmem>>) target(%dma_start3A_1226 : memref<50x32xf32, #tpu.memory_space<hbm>>) target_semaphore(%arg12 : memref<!tpu.dma_semaphore, #tpu.memory_space<semaphore_mem>>)
      %add3A_1230 = arith.constant 10 : i32
      %add3A_1231 = arith.addi %add3A_1069, %add3A_1230 : i32
      %dma_start3A_1232 = arith.constant 500 : i32
      %dma_start3A_1233 = arith.constant 0 : i32
      %dma_start3A_1234 = tpu.memref_slice %arg8[%dma_start3A_1232, %dma_start3A_1233] : memref<1600x32xf32, #tpu.memory_space<vmem>> -> memref<50x32xf32, #tpu.memory_space<vmem>>
      %dma_start3A_1235 = arith.constant 0 : i32
      %dma_start3A_1236 = arith.constant 0 : i32
      %dma_start3A_1237 = tpu.memref_slice %arg4[%add3A_1231, %dma_start3A_1235, %dma_start3A_1236] : memref<16384x50x32xf32, #tpu.memory_space<hbm>> -> memref<1x50x32xf32, #tpu.memory_space<hbm>>
      %dma_start3A_1238 = tpu.memref_squeeze %dma_start3A_1237 : memref<1x50x32xf32, #tpu.memory_space<hbm>> -> memref<50x32xf32, #tpu.memory_space<hbm>>
      %dma_start3A_1239 = arith.constant 0 : i32
      %dma_start3A_1240 = arith.constant 0 : i32
      %dma_start3A_1241 = tpu.memref_slice %arg4[%add3A_1231, %dma_start3A_1239, %dma_start3A_1240] : memref<16384x50x32xf32, #tpu.memory_space<hbm>> -> memref<1x50x32xf32, #tpu.memory_space<hbm>>
      %dma_start3A_1242 = tpu.memref_squeeze %dma_start3A_1241 : memref<1x50x32xf32, #tpu.memory_space<hbm>> -> memref<50x32xf32, #tpu.memory_space<hbm>>
      %dma_start3A_1243 = arith.constant 500 : i32
      %dma_start3A_1244 = arith.constant 0 : i32
      %dma_start3A_1245 = tpu.memref_slice %arg8[%dma_start3A_1243, %dma_start3A_1244] : memref<1600x32xf32, #tpu.memory_space<vmem>> -> memref<50x32xf32, #tpu.memory_space<vmem>>
      tpu.enqueue_dma source(%dma_start3A_1245 : memref<50x32xf32, #tpu.memory_space<vmem>>) target(%dma_start3A_1242 : memref<50x32xf32, #tpu.memory_space<hbm>>) target_semaphore(%arg12 : memref<!tpu.dma_semaphore, #tpu.memory_space<semaphore_mem>>)
      %add3A_1246 = arith.constant 11 : i32
      %add3A_1247 = arith.addi %add3A_1069, %add3A_1246 : i32
      %dma_start3A_1248 = arith.constant 550 : i32
      %dma_start3A_1249 = arith.constant 0 : i32
      %dma_start3A_1250 = tpu.memref_slice %arg8[%dma_start3A_1248, %dma_start3A_1249] : memref<1600x32xf32, #tpu.memory_space<vmem>> -> memref<50x32xf32, #tpu.memory_space<vmem>>
      %dma_start3A_1251 = arith.constant 0 : i32
      %dma_start3A_1252 = arith.constant 0 : i32
      %dma_start3A_1253 = tpu.memref_slice %arg4[%add3A_1247, %dma_start3A_1251, %dma_start3A_1252] : memref<16384x50x32xf32, #tpu.memory_space<hbm>> -> memref<1x50x32xf32, #tpu.memory_space<hbm>>
      %dma_start3A_1254 = tpu.memref_squeeze %dma_start3A_1253 : memref<1x50x32xf32, #tpu.memory_space<hbm>> -> memref<50x32xf32, #tpu.memory_space<hbm>>
      %dma_start3A_1255 = arith.constant 0 : i32
      %dma_start3A_1256 = arith.constant 0 : i32
      %dma_start3A_1257 = tpu.memref_slice %arg4[%add3A_1247, %dma_start3A_1255, %dma_start3A_1256] : memref<16384x50x32xf32, #tpu.memory_space<hbm>> -> memref<1x50x32xf32, #tpu.memory_space<hbm>>
      %dma_start3A_1258 = tpu.memref_squeeze %dma_start3A_1257 : memref<1x50x32xf32, #tpu.memory_space<hbm>> -> memref<50x32xf32, #tpu.memory_space<hbm>>
      %dma_start3A_1259 = arith.constant 550 : i32
      %dma_start3A_1260 = arith.constant 0 : i32
      %dma_start3A_1261 = tpu.memref_slice %arg8[%dma_start3A_1259, %dma_start3A_1260] : memref<1600x32xf32, #tpu.memory_space<vmem>> -> memref<50x32xf32, #tpu.memory_space<vmem>>
      tpu.enqueue_dma source(%dma_start3A_1261 : memref<50x32xf32, #tpu.memory_space<vmem>>) target(%dma_start3A_1258 : memref<50x32xf32, #tpu.memory_space<hbm>>) target_semaphore(%arg12 : memref<!tpu.dma_semaphore, #tpu.memory_space<semaphore_mem>>)
      %add3A_1262 = arith.constant 12 : i32
      %add3A_1263 = arith.addi %add3A_1069, %add3A_1262 : i32
      %dma_start3A_1264 = arith.constant 600 : i32
      %dma_start3A_1265 = arith.constant 0 : i32
      %dma_start3A_1266 = tpu.memref_slice %arg8[%dma_start3A_1264, %dma_start3A_1265] : memref<1600x32xf32, #tpu.memory_space<vmem>> -> memref<50x32xf32, #tpu.memory_space<vmem>>
      %dma_start3A_1267 = arith.constant 0 : i32
      %dma_start3A_1268 = arith.constant 0 : i32
      %dma_start3A_1269 = tpu.memref_slice %arg4[%add3A_1263, %dma_start3A_1267, %dma_start3A_1268] : memref<16384x50x32xf32, #tpu.memory_space<hbm>> -> memref<1x50x32xf32, #tpu.memory_space<hbm>>
      %dma_start3A_1270 = tpu.memref_squeeze %dma_start3A_1269 : memref<1x50x32xf32, #tpu.memory_space<hbm>> -> memref<50x32xf32, #tpu.memory_space<hbm>>
      %dma_start3A_1271 = arith.constant 0 : i32
      %dma_start3A_1272 = arith.constant 0 : i32
      %dma_start3A_1273 = tpu.memref_slice %arg4[%add3A_1263, %dma_start3A_1271, %dma_start3A_1272] : memref<16384x50x32xf32, #tpu.memory_space<hbm>> -> memref<1x50x32xf32, #tpu.memory_space<hbm>>
      %dma_start3A_1274 = tpu.memref_squeeze %dma_start3A_1273 : memref<1x50x32xf32, #tpu.memory_space<hbm>> -> memref<50x32xf32, #tpu.memory_space<hbm>>
      %dma_start3A_1275 = arith.constant 600 : i32
      %dma_start3A_1276 = arith.constant 0 : i32
      %dma_start3A_1277 = tpu.memref_slice %arg8[%dma_start3A_1275, %dma_start3A_1276] : memref<1600x32xf32, #tpu.memory_space<vmem>> -> memref<50x32xf32, #tpu.memory_space<vmem>>
      tpu.enqueue_dma source(%dma_start3A_1277 : memref<50x32xf32, #tpu.memory_space<vmem>>) target(%dma_start3A_1274 : memref<50x32xf32, #tpu.memory_space<hbm>>) target_semaphore(%arg12 : memref<!tpu.dma_semaphore, #tpu.memory_space<semaphore_mem>>)
      %add3A_1278 = arith.constant 13 : i32
      %add3A_1279 = arith.addi %add3A_1069, %add3A_1278 : i32
      %dma_start3A_1280 = arith.constant 650 : i32
      %dma_start3A_1281 = arith.constant 0 : i32
      %dma_start3A_1282 = tpu.memref_slice %arg8[%dma_start3A_1280, %dma_start3A_1281] : memref<1600x32xf32, #tpu.memory_space<vmem>> -> memref<50x32xf32, #tpu.memory_space<vmem>>
      %dma_start3A_1283 = arith.constant 0 : i32
      %dma_start3A_1284 = arith.constant 0 : i32
      %dma_start3A_1285 = tpu.memref_slice %arg4[%add3A_1279, %dma_start3A_1283, %dma_start3A_1284] : memref<16384x50x32xf32, #tpu.memory_space<hbm>> -> memref<1x50x32xf32, #tpu.memory_space<hbm>>
      %dma_start3A_1286 = tpu.memref_squeeze %dma_start3A_1285 : memref<1x50x32xf32, #tpu.memory_space<hbm>> -> memref<50x32xf32, #tpu.memory_space<hbm>>
      %dma_start3A_1287 = arith.constant 0 : i32
      %dma_start3A_1288 = arith.constant 0 : i32
      %dma_start3A_1289 = tpu.memref_slice %arg4[%add3A_1279, %dma_start3A_1287, %dma_start3A_1288] : memref<16384x50x32xf32, #tpu.memory_space<hbm>> -> memref<1x50x32xf32, #tpu.memory_space<hbm>>
      %dma_start3A_1290 = tpu.memref_squeeze %dma_start3A_1289 : memref<1x50x32xf32, #tpu.memory_space<hbm>> -> memref<50x32xf32, #tpu.memory_space<hbm>>
      %dma_start3A_1291 = arith.constant 650 : i32
      %dma_start3A_1292 = arith.constant 0 : i32
      %dma_start3A_1293 = tpu.memref_slice %arg8[%dma_start3A_1291, %dma_start3A_1292] : memref<1600x32xf32, #tpu.memory_space<vmem>> -> memref<50x32xf32, #tpu.memory_space<vmem>>
      tpu.enqueue_dma source(%dma_start3A_1293 : memref<50x32xf32, #tpu.memory_space<vmem>>) target(%dma_start3A_1290 : memref<50x32xf32, #tpu.memory_space<hbm>>) target_semaphore(%arg12 : memref<!tpu.dma_semaphore, #tpu.memory_space<semaphore_mem>>)
      %add3A_1294 = arith.constant 14 : i32
      %add3A_1295 = arith.addi %add3A_1069, %add3A_1294 : i32
      %dma_start3A_1296 = arith.constant 700 : i32
      %dma_start3A_1297 = arith.constant 0 : i32
      %dma_start3A_1298 = tpu.memref_slice %arg8[%dma_start3A_1296, %dma_start3A_1297] : memref<1600x32xf32, #tpu.memory_space<vmem>> -> memref<50x32xf32, #tpu.memory_space<vmem>>
      %dma_start3A_1299 = arith.constant 0 : i32
      %dma_start3A_1300 = arith.constant 0 : i32
      %dma_start3A_1301 = tpu.memref_slice %arg4[%add3A_1295, %dma_start3A_1299, %dma_start3A_1300] : memref<16384x50x32xf32, #tpu.memory_space<hbm>> -> memref<1x50x32xf32, #tpu.memory_space<hbm>>
      %dma_start3A_1302 = tpu.memref_squeeze %dma_start3A_1301 : memref<1x50x32xf32, #tpu.memory_space<hbm>> -> memref<50x32xf32, #tpu.memory_space<hbm>>
      %dma_start3A_1303 = arith.constant 0 : i32
      %dma_start3A_1304 = arith.constant 0 : i32
      %dma_start3A_1305 = tpu.memref_slice %arg4[%add3A_1295, %dma_start3A_1303, %dma_start3A_1304] : memref<16384x50x32xf32, #tpu.memory_space<hbm>> -> memref<1x50x32xf32, #tpu.memory_space<hbm>>
      %dma_start3A_1306 = tpu.memref_squeeze %dma_start3A_1305 : memref<1x50x32xf32, #tpu.memory_space<hbm>> -> memref<50x32xf32, #tpu.memory_space<hbm>>
      %dma_start3A_1307 = arith.constant 700 : i32
      %dma_start3A_1308 = arith.constant 0 : i32
      %dma_start3A_1309 = tpu.memref_slice %arg8[%dma_start3A_1307, %dma_start3A_1308] : memref<1600x32xf32, #tpu.memory_space<vmem>> -> memref<50x32xf32, #tpu.memory_space<vmem>>
      tpu.enqueue_dma source(%dma_start3A_1309 : memref<50x32xf32, #tpu.memory_space<vmem>>) target(%dma_start3A_1306 : memref<50x32xf32, #tpu.memory_space<hbm>>) target_semaphore(%arg12 : memref<!tpu.dma_semaphore, #tpu.memory_space<semaphore_mem>>)
      %add3A_1310 = arith.constant 15 : i32
      %add3A_1311 = arith.addi %add3A_1069, %add3A_1310 : i32
      %dma_start3A_1312 = arith.constant 750 : i32
      %dma_start3A_1313 = arith.constant 0 : i32
      %dma_start3A_1314 = tpu.memref_slice %arg8[%dma_start3A_1312, %dma_start3A_1313] : memref<1600x32xf32, #tpu.memory_space<vmem>> -> memref<50x32xf32, #tpu.memory_space<vmem>>
      %dma_start3A_1315 = arith.constant 0 : i32
      %dma_start3A_1316 = arith.constant 0 : i32
      %dma_start3A_1317 = tpu.memref_slice %arg4[%add3A_1311, %dma_start3A_1315, %dma_start3A_1316] : memref<16384x50x32xf32, #tpu.memory_space<hbm>> -> memref<1x50x32xf32, #tpu.memory_space<hbm>>
      %dma_start3A_1318 = tpu.memref_squeeze %dma_start3A_1317 : memref<1x50x32xf32, #tpu.memory_space<hbm>> -> memref<50x32xf32, #tpu.memory_space<hbm>>
      %dma_start3A_1319 = arith.constant 0 : i32
      %dma_start3A_1320 = arith.constant 0 : i32
      %dma_start3A_1321 = tpu.memref_slice %arg4[%add3A_1311, %dma_start3A_1319, %dma_start3A_1320] : memref<16384x50x32xf32, #tpu.memory_space<hbm>> -> memref<1x50x32xf32, #tpu.memory_space<hbm>>
      %dma_start3A_1322 = tpu.memref_squeeze %dma_start3A_1321 : memref<1x50x32xf32, #tpu.memory_space<hbm>> -> memref<50x32xf32, #tpu.memory_space<hbm>>
      %dma_start3A_1323 = arith.constant 750 : i32
      %dma_start3A_1324 = arith.constant 0 : i32
      %dma_start3A_1325 = tpu.memref_slice %arg8[%dma_start3A_1323, %dma_start3A_1324] : memref<1600x32xf32, #tpu.memory_space<vmem>> -> memref<50x32xf32, #tpu.memory_space<vmem>>
      tpu.enqueue_dma source(%dma_start3A_1325 : memref<50x32xf32, #tpu.memory_space<vmem>>) target(%dma_start3A_1322 : memref<50x32xf32, #tpu.memory_space<hbm>>) target_semaphore(%arg12 : memref<!tpu.dma_semaphore, #tpu.memory_space<semaphore_mem>>)
      %add3A_1326 = arith.constant 16 : i32
      %add3A_1327 = arith.addi %add3A_1069, %add3A_1326 : i32
      %dma_start3A_1328 = arith.constant 800 : i32
      %dma_start3A_1329 = arith.constant 0 : i32
      %dma_start3A_1330 = tpu.memref_slice %arg8[%dma_start3A_1328, %dma_start3A_1329] : memref<1600x32xf32, #tpu.memory_space<vmem>> -> memref<50x32xf32, #tpu.memory_space<vmem>>
      %dma_start3A_1331 = arith.constant 0 : i32
      %dma_start3A_1332 = arith.constant 0 : i32
      %dma_start3A_1333 = tpu.memref_slice %arg4[%add3A_1327, %dma_start3A_1331, %dma_start3A_1332] : memref<16384x50x32xf32, #tpu.memory_space<hbm>> -> memref<1x50x32xf32, #tpu.memory_space<hbm>>
      %dma_start3A_1334 = tpu.memref_squeeze %dma_start3A_1333 : memref<1x50x32xf32, #tpu.memory_space<hbm>> -> memref<50x32xf32, #tpu.memory_space<hbm>>
      %dma_start3A_1335 = arith.constant 0 : i32
      %dma_start3A_1336 = arith.constant 0 : i32
      %dma_start3A_1337 = tpu.memref_slice %arg4[%add3A_1327, %dma_start3A_1335, %dma_start3A_1336] : memref<16384x50x32xf32, #tpu.memory_space<hbm>> -> memref<1x50x32xf32, #tpu.memory_space<hbm>>
      %dma_start3A_1338 = tpu.memref_squeeze %dma_start3A_1337 : memref<1x50x32xf32, #tpu.memory_space<hbm>> -> memref<50x32xf32, #tpu.memory_space<hbm>>
      %dma_start3A_1339 = arith.constant 800 : i32
      %dma_start3A_1340 = arith.constant 0 : i32
      %dma_start3A_1341 = tpu.memref_slice %arg8[%dma_start3A_1339, %dma_start3A_1340] : memref<1600x32xf32, #tpu.memory_space<vmem>> -> memref<50x32xf32, #tpu.memory_space<vmem>>
      tpu.enqueue_dma source(%dma_start3A_1341 : memref<50x32xf32, #tpu.memory_space<vmem>>) target(%dma_start3A_1338 : memref<50x32xf32, #tpu.memory_space<hbm>>) target_semaphore(%arg12 : memref<!tpu.dma_semaphore, #tpu.memory_space<semaphore_mem>>)
      %add3A_1342 = arith.constant 17 : i32
      %add3A_1343 = arith.addi %add3A_1069, %add3A_1342 : i32
      %dma_start3A_1344 = arith.constant 850 : i32
      %dma_start3A_1345 = arith.constant 0 : i32
      %dma_start3A_1346 = tpu.memref_slice %arg8[%dma_start3A_1344, %dma_start3A_1345] : memref<1600x32xf32, #tpu.memory_space<vmem>> -> memref<50x32xf32, #tpu.memory_space<vmem>>
      %dma_start3A_1347 = arith.constant 0 : i32
      %dma_start3A_1348 = arith.constant 0 : i32
      %dma_start3A_1349 = tpu.memref_slice %arg4[%add3A_1343, %dma_start3A_1347, %dma_start3A_1348] : memref<16384x50x32xf32, #tpu.memory_space<hbm>> -> memref<1x50x32xf32, #tpu.memory_space<hbm>>
      %dma_start3A_1350 = tpu.memref_squeeze %dma_start3A_1349 : memref<1x50x32xf32, #tpu.memory_space<hbm>> -> memref<50x32xf32, #tpu.memory_space<hbm>>
      %dma_start3A_1351 = arith.constant 0 : i32
      %dma_start3A_1352 = arith.constant 0 : i32
      %dma_start3A_1353 = tpu.memref_slice %arg4[%add3A_1343, %dma_start3A_1351, %dma_start3A_1352] : memref<16384x50x32xf32, #tpu.memory_space<hbm>> -> memref<1x50x32xf32, #tpu.memory_space<hbm>>
      %dma_start3A_1354 = tpu.memref_squeeze %dma_start3A_1353 : memref<1x50x32xf32, #tpu.memory_space<hbm>> -> memref<50x32xf32, #tpu.memory_space<hbm>>
      %dma_start3A_1355 = arith.constant 850 : i32
      %dma_start3A_1356 = arith.constant 0 : i32
      %dma_start3A_1357 = tpu.memref_slice %arg8[%dma_start3A_1355, %dma_start3A_1356] : memref<1600x32xf32, #tpu.memory_space<vmem>> -> memref<50x32xf32, #tpu.memory_space<vmem>>
      tpu.enqueue_dma source(%dma_start3A_1357 : memref<50x32xf32, #tpu.memory_space<vmem>>) target(%dma_start3A_1354 : memref<50x32xf32, #tpu.memory_space<hbm>>) target_semaphore(%arg12 : memref<!tpu.dma_semaphore, #tpu.memory_space<semaphore_mem>>)
      %add3A_1358 = arith.constant 18 : i32
      %add3A_1359 = arith.addi %add3A_1069, %add3A_1358 : i32
      %dma_start3A_1360 = arith.constant 900 : i32
      %dma_start3A_1361 = arith.constant 0 : i32
      %dma_start3A_1362 = tpu.memref_slice %arg8[%dma_start3A_1360, %dma_start3A_1361] : memref<1600x32xf32, #tpu.memory_space<vmem>> -> memref<50x32xf32, #tpu.memory_space<vmem>>
      %dma_start3A_1363 = arith.constant 0 : i32
      %dma_start3A_1364 = arith.constant 0 : i32
      %dma_start3A_1365 = tpu.memref_slice %arg4[%add3A_1359, %dma_start3A_1363, %dma_start3A_1364] : memref<16384x50x32xf32, #tpu.memory_space<hbm>> -> memref<1x50x32xf32, #tpu.memory_space<hbm>>
      %dma_start3A_1366 = tpu.memref_squeeze %dma_start3A_1365 : memref<1x50x32xf32, #tpu.memory_space<hbm>> -> memref<50x32xf32, #tpu.memory_space<hbm>>
      %dma_start3A_1367 = arith.constant 0 : i32
      %dma_start3A_1368 = arith.constant 0 : i32
      %dma_start3A_1369 = tpu.memref_slice %arg4[%add3A_1359, %dma_start3A_1367, %dma_start3A_1368] : memref<16384x50x32xf32, #tpu.memory_space<hbm>> -> memref<1x50x32xf32, #tpu.memory_space<hbm>>
      %dma_start3A_1370 = tpu.memref_squeeze %dma_start3A_1369 : memref<1x50x32xf32, #tpu.memory_space<hbm>> -> memref<50x32xf32, #tpu.memory_space<hbm>>
      %dma_start3A_1371 = arith.constant 900 : i32
      %dma_start3A_1372 = arith.constant 0 : i32
      %dma_start3A_1373 = tpu.memref_slice %arg8[%dma_start3A_1371, %dma_start3A_1372] : memref<1600x32xf32, #tpu.memory_space<vmem>> -> memref<50x32xf32, #tpu.memory_space<vmem>>
      tpu.enqueue_dma source(%dma_start3A_1373 : memref<50x32xf32, #tpu.memory_space<vmem>>) target(%dma_start3A_1370 : memref<50x32xf32, #tpu.memory_space<hbm>>) target_semaphore(%arg12 : memref<!tpu.dma_semaphore, #tpu.memory_space<semaphore_mem>>)
      %add3A_1374 = arith.constant 19 : i32
      %add3A_1375 = arith.addi %add3A_1069, %add3A_1374 : i32
      %dma_start3A_1376 = arith.constant 950 : i32
      %dma_start3A_1377 = arith.constant 0 : i32
      %dma_start3A_1378 = tpu.memref_slice %arg8[%dma_start3A_1376, %dma_start3A_1377] : memref<1600x32xf32, #tpu.memory_space<vmem>> -> memref<50x32xf32, #tpu.memory_space<vmem>>
      %dma_start3A_1379 = arith.constant 0 : i32
      %dma_start3A_1380 = arith.constant 0 : i32
      %dma_start3A_1381 = tpu.memref_slice %arg4[%add3A_1375, %dma_start3A_1379, %dma_start3A_1380] : memref<16384x50x32xf32, #tpu.memory_space<hbm>> -> memref<1x50x32xf32, #tpu.memory_space<hbm>>
      %dma_start3A_1382 = tpu.memref_squeeze %dma_start3A_1381 : memref<1x50x32xf32, #tpu.memory_space<hbm>> -> memref<50x32xf32, #tpu.memory_space<hbm>>
      %dma_start3A_1383 = arith.constant 0 : i32
      %dma_start3A_1384 = arith.constant 0 : i32
      %dma_start3A_1385 = tpu.memref_slice %arg4[%add3A_1375, %dma_start3A_1383, %dma_start3A_1384] : memref<16384x50x32xf32, #tpu.memory_space<hbm>> -> memref<1x50x32xf32, #tpu.memory_space<hbm>>
      %dma_start3A_1386 = tpu.memref_squeeze %dma_start3A_1385 : memref<1x50x32xf32, #tpu.memory_space<hbm>> -> memref<50x32xf32, #tpu.memory_space<hbm>>
      %dma_start3A_1387 = arith.constant 950 : i32
      %dma_start3A_1388 = arith.constant 0 : i32
      %dma_start3A_1389 = tpu.memref_slice %arg8[%dma_start3A_1387, %dma_start3A_1388] : memref<1600x32xf32, #tpu.memory_space<vmem>> -> memref<50x32xf32, #tpu.memory_space<vmem>>
      tpu.enqueue_dma source(%dma_start3A_1389 : memref<50x32xf32, #tpu.memory_space<vmem>>) target(%dma_start3A_1386 : memref<50x32xf32, #tpu.memory_space<hbm>>) target_semaphore(%arg12 : memref<!tpu.dma_semaphore, #tpu.memory_space<semaphore_mem>>)
      %add3A_1390 = arith.constant 20 : i32
      %add3A_1391 = arith.addi %add3A_1069, %add3A_1390 : i32
      %dma_start3A_1392 = arith.constant 1000 : i32
      %dma_start3A_1393 = arith.constant 0 : i32
      %dma_start3A_1394 = tpu.memref_slice %arg8[%dma_start3A_1392, %dma_start3A_1393] : memref<1600x32xf32, #tpu.memory_space<vmem>> -> memref<50x32xf32, #tpu.memory_space<vmem>>
      %dma_start3A_1395 = arith.constant 0 : i32
      %dma_start3A_1396 = arith.constant 0 : i32
      %dma_start3A_1397 = tpu.memref_slice %arg4[%add3A_1391, %dma_start3A_1395, %dma_start3A_1396] : memref<16384x50x32xf32, #tpu.memory_space<hbm>> -> memref<1x50x32xf32, #tpu.memory_space<hbm>>
      %dma_start3A_1398 = tpu.memref_squeeze %dma_start3A_1397 : memref<1x50x32xf32, #tpu.memory_space<hbm>> -> memref<50x32xf32, #tpu.memory_space<hbm>>
      %dma_start3A_1399 = arith.constant 0 : i32
      %dma_start3A_1400 = arith.constant 0 : i32
      %dma_start3A_1401 = tpu.memref_slice %arg4[%add3A_1391, %dma_start3A_1399, %dma_start3A_1400] : memref<16384x50x32xf32, #tpu.memory_space<hbm>> -> memref<1x50x32xf32, #tpu.memory_space<hbm>>
      %dma_start3A_1402 = tpu.memref_squeeze %dma_start3A_1401 : memref<1x50x32xf32, #tpu.memory_space<hbm>> -> memref<50x32xf32, #tpu.memory_space<hbm>>
      %dma_start3A_1403 = arith.constant 1000 : i32
      %dma_start3A_1404 = arith.constant 0 : i32
      %dma_start3A_1405 = tpu.memref_slice %arg8[%dma_start3A_1403, %dma_start3A_1404] : memref<1600x32xf32, #tpu.memory_space<vmem>> -> memref<50x32xf32, #tpu.memory_space<vmem>>
      tpu.enqueue_dma source(%dma_start3A_1405 : memref<50x32xf32, #tpu.memory_space<vmem>>) target(%dma_start3A_1402 : memref<50x32xf32, #tpu.memory_space<hbm>>) target_semaphore(%arg12 : memref<!tpu.dma_semaphore, #tpu.memory_space<semaphore_mem>>)
      %add3A_1406 = arith.constant 21 : i32
      %add3A_1407 = arith.addi %add3A_1069, %add3A_1406 : i32
      %dma_start3A_1408 = arith.constant 1050 : i32
      %dma_start3A_1409 = arith.constant 0 : i32
      %dma_start3A_1410 = tpu.memref_slice %arg8[%dma_start3A_1408, %dma_start3A_1409] : memref<1600x32xf32, #tpu.memory_space<vmem>> -> memref<50x32xf32, #tpu.memory_space<vmem>>
      %dma_start3A_1411 = arith.constant 0 : i32
      %dma_start3A_1412 = arith.constant 0 : i32
      %dma_start3A_1413 = tpu.memref_slice %arg4[%add3A_1407, %dma_start3A_1411, %dma_start3A_1412] : memref<16384x50x32xf32, #tpu.memory_space<hbm>> -> memref<1x50x32xf32, #tpu.memory_space<hbm>>
      %dma_start3A_1414 = tpu.memref_squeeze %dma_start3A_1413 : memref<1x50x32xf32, #tpu.memory_space<hbm>> -> memref<50x32xf32, #tpu.memory_space<hbm>>
      %dma_start3A_1415 = arith.constant 0 : i32
      %dma_start3A_1416 = arith.constant 0 : i32
      %dma_start3A_1417 = tpu.memref_slice %arg4[%add3A_1407, %dma_start3A_1415, %dma_start3A_1416] : memref<16384x50x32xf32, #tpu.memory_space<hbm>> -> memref<1x50x32xf32, #tpu.memory_space<hbm>>
      %dma_start3A_1418 = tpu.memref_squeeze %dma_start3A_1417 : memref<1x50x32xf32, #tpu.memory_space<hbm>> -> memref<50x32xf32, #tpu.memory_space<hbm>>
      %dma_start3A_1419 = arith.constant 1050 : i32
      %dma_start3A_1420 = arith.constant 0 : i32
      %dma_start3A_1421 = tpu.memref_slice %arg8[%dma_start3A_1419, %dma_start3A_1420] : memref<1600x32xf32, #tpu.memory_space<vmem>> -> memref<50x32xf32, #tpu.memory_space<vmem>>
      tpu.enqueue_dma source(%dma_start3A_1421 : memref<50x32xf32, #tpu.memory_space<vmem>>) target(%dma_start3A_1418 : memref<50x32xf32, #tpu.memory_space<hbm>>) target_semaphore(%arg12 : memref<!tpu.dma_semaphore, #tpu.memory_space<semaphore_mem>>)
      %add3A_1422 = arith.constant 22 : i32
      %add3A_1423 = arith.addi %add3A_1069, %add3A_1422 : i32
      %dma_start3A_1424 = arith.constant 1100 : i32
      %dma_start3A_1425 = arith.constant 0 : i32
      %dma_start3A_1426 = tpu.memref_slice %arg8[%dma_start3A_1424, %dma_start3A_1425] : memref<1600x32xf32, #tpu.memory_space<vmem>> -> memref<50x32xf32, #tpu.memory_space<vmem>>
      %dma_start3A_1427 = arith.constant 0 : i32
      %dma_start3A_1428 = arith.constant 0 : i32
      %dma_start3A_1429 = tpu.memref_slice %arg4[%add3A_1423, %dma_start3A_1427, %dma_start3A_1428] : memref<16384x50x32xf32, #tpu.memory_space<hbm>> -> memref<1x50x32xf32, #tpu.memory_space<hbm>>
      %dma_start3A_1430 = tpu.memref_squeeze %dma_start3A_1429 : memref<1x50x32xf32, #tpu.memory_space<hbm>> -> memref<50x32xf32, #tpu.memory_space<hbm>>
      %dma_start3A_1431 = arith.constant 0 : i32
      %dma_start3A_1432 = arith.constant 0 : i32
      %dma_start3A_1433 = tpu.memref_slice %arg4[%add3A_1423, %dma_start3A_1431, %dma_start3A_1432] : memref<16384x50x32xf32, #tpu.memory_space<hbm>> -> memref<1x50x32xf32, #tpu.memory_space<hbm>>
      %dma_start3A_1434 = tpu.memref_squeeze %dma_start3A_1433 : memref<1x50x32xf32, #tpu.memory_space<hbm>> -> memref<50x32xf32, #tpu.memory_space<hbm>>
      %dma_start3A_1435 = arith.constant 1100 : i32
      %dma_start3A_1436 = arith.constant 0 : i32
      %dma_start3A_1437 = tpu.memref_slice %arg8[%dma_start3A_1435, %dma_start3A_1436] : memref<1600x32xf32, #tpu.memory_space<vmem>> -> memref<50x32xf32, #tpu.memory_space<vmem>>
      tpu.enqueue_dma source(%dma_start3A_1437 : memref<50x32xf32, #tpu.memory_space<vmem>>) target(%dma_start3A_1434 : memref<50x32xf32, #tpu.memory_space<hbm>>) target_semaphore(%arg12 : memref<!tpu.dma_semaphore, #tpu.memory_space<semaphore_mem>>)
      %add3A_1438 = arith.constant 23 : i32
      %add3A_1439 = arith.addi %add3A_1069, %add3A_1438 : i32
      %dma_start3A_1440 = arith.constant 1150 : i32
      %dma_start3A_1441 = arith.constant 0 : i32
      %dma_start3A_1442 = tpu.memref_slice %arg8[%dma_start3A_1440, %dma_start3A_1441] : memref<1600x32xf32, #tpu.memory_space<vmem>> -> memref<50x32xf32, #tpu.memory_space<vmem>>
      %dma_start3A_1443 = arith.constant 0 : i32
      %dma_start3A_1444 = arith.constant 0 : i32
      %dma_start3A_1445 = tpu.memref_slice %arg4[%add3A_1439, %dma_start3A_1443, %dma_start3A_1444] : memref<16384x50x32xf32, #tpu.memory_space<hbm>> -> memref<1x50x32xf32, #tpu.memory_space<hbm>>
      %dma_start3A_1446 = tpu.memref_squeeze %dma_start3A_1445 : memref<1x50x32xf32, #tpu.memory_space<hbm>> -> memref<50x32xf32, #tpu.memory_space<hbm>>
      %dma_start3A_1447 = arith.constant 0 : i32
      %dma_start3A_1448 = arith.constant 0 : i32
      %dma_start3A_1449 = tpu.memref_slice %arg4[%add3A_1439, %dma_start3A_1447, %dma_start3A_1448] : memref<16384x50x32xf32, #tpu.memory_space<hbm>> -> memref<1x50x32xf32, #tpu.memory_space<hbm>>
      %dma_start3A_1450 = tpu.memref_squeeze %dma_start3A_1449 : memref<1x50x32xf32, #tpu.memory_space<hbm>> -> memref<50x32xf32, #tpu.memory_space<hbm>>
      %dma_start3A_1451 = arith.constant 1150 : i32
      %dma_start3A_1452 = arith.constant 0 : i32
      %dma_start3A_1453 = tpu.memref_slice %arg8[%dma_start3A_1451, %dma_start3A_1452] : memref<1600x32xf32, #tpu.memory_space<vmem>> -> memref<50x32xf32, #tpu.memory_space<vmem>>
      tpu.enqueue_dma source(%dma_start3A_1453 : memref<50x32xf32, #tpu.memory_space<vmem>>) target(%dma_start3A_1450 : memref<50x32xf32, #tpu.memory_space<hbm>>) target_semaphore(%arg12 : memref<!tpu.dma_semaphore, #tpu.memory_space<semaphore_mem>>)
      %add3A_1454 = arith.constant 24 : i32
      %add3A_1455 = arith.addi %add3A_1069, %add3A_1454 : i32
      %dma_start3A_1456 = arith.constant 1200 : i32
      %dma_start3A_1457 = arith.constant 0 : i32
      %dma_start3A_1458 = tpu.memref_slice %arg8[%dma_start3A_1456, %dma_start3A_1457] : memref<1600x32xf32, #tpu.memory_space<vmem>> -> memref<50x32xf32, #tpu.memory_space<vmem>>
      %dma_start3A_1459 = arith.constant 0 : i32
      %dma_start3A_1460 = arith.constant 0 : i32
      %dma_start3A_1461 = tpu.memref_slice %arg4[%add3A_1455, %dma_start3A_1459, %dma_start3A_1460] : memref<16384x50x32xf32, #tpu.memory_space<hbm>> -> memref<1x50x32xf32, #tpu.memory_space<hbm>>
      %dma_start3A_1462 = tpu.memref_squeeze %dma_start3A_1461 : memref<1x50x32xf32, #tpu.memory_space<hbm>> -> memref<50x32xf32, #tpu.memory_space<hbm>>
      %dma_start3A_1463 = arith.constant 0 : i32
      %dma_start3A_1464 = arith.constant 0 : i32
      %dma_start3A_1465 = tpu.memref_slice %arg4[%add3A_1455, %dma_start3A_1463, %dma_start3A_1464] : memref<16384x50x32xf32, #tpu.memory_space<hbm>> -> memref<1x50x32xf32, #tpu.memory_space<hbm>>
      %dma_start3A_1466 = tpu.memref_squeeze %dma_start3A_1465 : memref<1x50x32xf32, #tpu.memory_space<hbm>> -> memref<50x32xf32, #tpu.memory_space<hbm>>
      %dma_start3A_1467 = arith.constant 1200 : i32
      %dma_start3A_1468 = arith.constant 0 : i32
      %dma_start3A_1469 = tpu.memref_slice %arg8[%dma_start3A_1467, %dma_start3A_1468] : memref<1600x32xf32, #tpu.memory_space<vmem>> -> memref<50x32xf32, #tpu.memory_space<vmem>>
      tpu.enqueue_dma source(%dma_start3A_1469 : memref<50x32xf32, #tpu.memory_space<vmem>>) target(%dma_start3A_1466 : memref<50x32xf32, #tpu.memory_space<hbm>>) target_semaphore(%arg12 : memref<!tpu.dma_semaphore, #tpu.memory_space<semaphore_mem>>)
      %add3A_1470 = arith.constant 25 : i32
      %add3A_1471 = arith.addi %add3A_1069, %add3A_1470 : i32
      %dma_start3A_1472 = arith.constant 1250 : i32
      %dma_start3A_1473 = arith.constant 0 : i32
      %dma_start3A_1474 = tpu.memref_slice %arg8[%dma_start3A_1472, %dma_start3A_1473] : memref<1600x32xf32, #tpu.memory_space<vmem>> -> memref<50x32xf32, #tpu.memory_space<vmem>>
      %dma_start3A_1475 = arith.constant 0 : i32
      %dma_start3A_1476 = arith.constant 0 : i32
      %dma_start3A_1477 = tpu.memref_slice %arg4[%add3A_1471, %dma_start3A_1475, %dma_start3A_1476] : memref<16384x50x32xf32, #tpu.memory_space<hbm>> -> memref<1x50x32xf32, #tpu.memory_space<hbm>>
      %dma_start3A_1478 = tpu.memref_squeeze %dma_start3A_1477 : memref<1x50x32xf32, #tpu.memory_space<hbm>> -> memref<50x32xf32, #tpu.memory_space<hbm>>
      %dma_start3A_1479 = arith.constant 0 : i32
      %dma_start3A_1480 = arith.constant 0 : i32
      %dma_start3A_1481 = tpu.memref_slice %arg4[%add3A_1471, %dma_start3A_1479, %dma_start3A_1480] : memref<16384x50x32xf32, #tpu.memory_space<hbm>> -> memref<1x50x32xf32, #tpu.memory_space<hbm>>
      %dma_start3A_1482 = tpu.memref_squeeze %dma_start3A_1481 : memref<1x50x32xf32, #tpu.memory_space<hbm>> -> memref<50x32xf32, #tpu.memory_space<hbm>>
      %dma_start3A_1483 = arith.constant 1250 : i32
      %dma_start3A_1484 = arith.constant 0 : i32
      %dma_start3A_1485 = tpu.memref_slice %arg8[%dma_start3A_1483, %dma_start3A_1484] : memref<1600x32xf32, #tpu.memory_space<vmem>> -> memref<50x32xf32, #tpu.memory_space<vmem>>
      tpu.enqueue_dma source(%dma_start3A_1485 : memref<50x32xf32, #tpu.memory_space<vmem>>) target(%dma_start3A_1482 : memref<50x32xf32, #tpu.memory_space<hbm>>) target_semaphore(%arg12 : memref<!tpu.dma_semaphore, #tpu.memory_space<semaphore_mem>>)
      %add3A_1486 = arith.constant 26 : i32
      %add3A_1487 = arith.addi %add3A_1069, %add3A_1486 : i32
      %dma_start3A_1488 = arith.constant 1300 : i32
      %dma_start3A_1489 = arith.constant 0 : i32
      %dma_start3A_1490 = tpu.memref_slice %arg8[%dma_start3A_1488, %dma_start3A_1489] : memref<1600x32xf32, #tpu.memory_space<vmem>> -> memref<50x32xf32, #tpu.memory_space<vmem>>
      %dma_start3A_1491 = arith.constant 0 : i32
      %dma_start3A_1492 = arith.constant 0 : i32
      %dma_start3A_1493 = tpu.memref_slice %arg4[%add3A_1487, %dma_start3A_1491, %dma_start3A_1492] : memref<16384x50x32xf32, #tpu.memory_space<hbm>> -> memref<1x50x32xf32, #tpu.memory_space<hbm>>
      %dma_start3A_1494 = tpu.memref_squeeze %dma_start3A_1493 : memref<1x50x32xf32, #tpu.memory_space<hbm>> -> memref<50x32xf32, #tpu.memory_space<hbm>>
      %dma_start3A_1495 = arith.constant 0 : i32
      %dma_start3A_1496 = arith.constant 0 : i32
      %dma_start3A_1497 = tpu.memref_slice %arg4[%add3A_1487, %dma_start3A_1495, %dma_start3A_1496] : memref<16384x50x32xf32, #tpu.memory_space<hbm>> -> memref<1x50x32xf32, #tpu.memory_space<hbm>>
      %dma_start3A_1498 = tpu.memref_squeeze %dma_start3A_1497 : memref<1x50x32xf32, #tpu.memory_space<hbm>> -> memref<50x32xf32, #tpu.memory_space<hbm>>
      %dma_start3A_1499 = arith.constant 1300 : i32
      %dma_start3A_1500 = arith.constant 0 : i32
      %dma_start3A_1501 = tpu.memref_slice %arg8[%dma_start3A_1499, %dma_start3A_1500] : memref<1600x32xf32, #tpu.memory_space<vmem>> -> memref<50x32xf32, #tpu.memory_space<vmem>>
      tpu.enqueue_dma source(%dma_start3A_1501 : memref<50x32xf32, #tpu.memory_space<vmem>>) target(%dma_start3A_1498 : memref<50x32xf32, #tpu.memory_space<hbm>>) target_semaphore(%arg12 : memref<!tpu.dma_semaphore, #tpu.memory_space<semaphore_mem>>)
      %add3A_1502 = arith.constant 27 : i32
      %add3A_1503 = arith.addi %add3A_1069, %add3A_1502 : i32
      %dma_start3A_1504 = arith.constant 1350 : i32
      %dma_start3A_1505 = arith.constant 0 : i32
      %dma_start3A_1506 = tpu.memref_slice %arg8[%dma_start3A_1504, %dma_start3A_1505] : memref<1600x32xf32, #tpu.memory_space<vmem>> -> memref<50x32xf32, #tpu.memory_space<vmem>>
      %dma_start3A_1507 = arith.constant 0 : i32
      %dma_start3A_1508 = arith.constant 0 : i32
      %dma_start3A_1509 = tpu.memref_slice %arg4[%add3A_1503, %dma_start3A_1507, %dma_start3A_1508] : memref<16384x50x32xf32, #tpu.memory_space<hbm>> -> memref<1x50x32xf32, #tpu.memory_space<hbm>>
      %dma_start3A_1510 = tpu.memref_squeeze %dma_start3A_1509 : memref<1x50x32xf32, #tpu.memory_space<hbm>> -> memref<50x32xf32, #tpu.memory_space<hbm>>
      %dma_start3A_1511 = arith.constant 0 : i32
      %dma_start3A_1512 = arith.constant 0 : i32
      %dma_start3A_1513 = tpu.memref_slice %arg4[%add3A_1503, %dma_start3A_1511, %dma_start3A_1512] : memref<16384x50x32xf32, #tpu.memory_space<hbm>> -> memref<1x50x32xf32, #tpu.memory_space<hbm>>
      %dma_start3A_1514 = tpu.memref_squeeze %dma_start3A_1513 : memref<1x50x32xf32, #tpu.memory_space<hbm>> -> memref<50x32xf32, #tpu.memory_space<hbm>>
      %dma_start3A_1515 = arith.constant 1350 : i32
      %dma_start3A_1516 = arith.constant 0 : i32
      %dma_start3A_1517 = tpu.memref_slice %arg8[%dma_start3A_1515, %dma_start3A_1516] : memref<1600x32xf32, #tpu.memory_space<vmem>> -> memref<50x32xf32, #tpu.memory_space<vmem>>
      tpu.enqueue_dma source(%dma_start3A_1517 : memref<50x32xf32, #tpu.memory_space<vmem>>) target(%dma_start3A_1514 : memref<50x32xf32, #tpu.memory_space<hbm>>) target_semaphore(%arg12 : memref<!tpu.dma_semaphore, #tpu.memory_space<semaphore_mem>>)
      %add3A_1518 = arith.constant 28 : i32
      %add3A_1519 = arith.addi %add3A_1069, %add3A_1518 : i32
      %dma_start3A_1520 = arith.constant 1400 : i32
      %dma_start3A_1521 = arith.constant 0 : i32
      %dma_start3A_1522 = tpu.memref_slice %arg8[%dma_start3A_1520, %dma_start3A_1521] : memref<1600x32xf32, #tpu.memory_space<vmem>> -> memref<50x32xf32, #tpu.memory_space<vmem>>
      %dma_start3A_1523 = arith.constant 0 : i32
      %dma_start3A_1524 = arith.constant 0 : i32
      %dma_start3A_1525 = tpu.memref_slice %arg4[%add3A_1519, %dma_start3A_1523, %dma_start3A_1524] : memref<16384x50x32xf32, #tpu.memory_space<hbm>> -> memref<1x50x32xf32, #tpu.memory_space<hbm>>
      %dma_start3A_1526 = tpu.memref_squeeze %dma_start3A_1525 : memref<1x50x32xf32, #tpu.memory_space<hbm>> -> memref<50x32xf32, #tpu.memory_space<hbm>>
      %dma_start3A_1527 = arith.constant 0 : i32
      %dma_start3A_1528 = arith.constant 0 : i32
      %dma_start3A_1529 = tpu.memref_slice %arg4[%add3A_1519, %dma_start3A_1527, %dma_start3A_1528] : memref<16384x50x32xf32, #tpu.memory_space<hbm>> -> memref<1x50x32xf32, #tpu.memory_space<hbm>>
      %dma_start3A_1530 = tpu.memref_squeeze %dma_start3A_1529 : memref<1x50x32xf32, #tpu.memory_space<hbm>> -> memref<50x32xf32, #tpu.memory_space<hbm>>
      %dma_start3A_1531 = arith.constant 1400 : i32
      %dma_start3A_1532 = arith.constant 0 : i32
      %dma_start3A_1533 = tpu.memref_slice %arg8[%dma_start3A_1531, %dma_start3A_1532] : memref<1600x32xf32, #tpu.memory_space<vmem>> -> memref<50x32xf32, #tpu.memory_space<vmem>>
      tpu.enqueue_dma source(%dma_start3A_1533 : memref<50x32xf32, #tpu.memory_space<vmem>>) target(%dma_start3A_1530 : memref<50x32xf32, #tpu.memory_space<hbm>>) target_semaphore(%arg12 : memref<!tpu.dma_semaphore, #tpu.memory_space<semaphore_mem>>)
      %add3A_1534 = arith.constant 29 : i32
      %add3A_1535 = arith.addi %add3A_1069, %add3A_1534 : i32
      %dma_start3A_1536 = arith.constant 1450 : i32
      %dma_start3A_1537 = arith.constant 0 : i32
      %dma_start3A_1538 = tpu.memref_slice %arg8[%dma_start3A_1536, %dma_start3A_1537] : memref<1600x32xf32, #tpu.memory_space<vmem>> -> memref<50x32xf32, #tpu.memory_space<vmem>>
      %dma_start3A_1539 = arith.constant 0 : i32
      %dma_start3A_1540 = arith.constant 0 : i32
      %dma_start3A_1541 = tpu.memref_slice %arg4[%add3A_1535, %dma_start3A_1539, %dma_start3A_1540] : memref<16384x50x32xf32, #tpu.memory_space<hbm>> -> memref<1x50x32xf32, #tpu.memory_space<hbm>>
      %dma_start3A_1542 = tpu.memref_squeeze %dma_start3A_1541 : memref<1x50x32xf32, #tpu.memory_space<hbm>> -> memref<50x32xf32, #tpu.memory_space<hbm>>
      %dma_start3A_1543 = arith.constant 0 : i32
      %dma_start3A_1544 = arith.constant 0 : i32
      %dma_start3A_1545 = tpu.memref_slice %arg4[%add3A_1535, %dma_start3A_1543, %dma_start3A_1544] : memref<16384x50x32xf32, #tpu.memory_space<hbm>> -> memref<1x50x32xf32, #tpu.memory_space<hbm>>
      %dma_start3A_1546 = tpu.memref_squeeze %dma_start3A_1545 : memref<1x50x32xf32, #tpu.memory_space<hbm>> -> memref<50x32xf32, #tpu.memory_space<hbm>>
      %dma_start3A_1547 = arith.constant 1450 : i32
      %dma_start3A_1548 = arith.constant 0 : i32
      %dma_start3A_1549 = tpu.memref_slice %arg8[%dma_start3A_1547, %dma_start3A_1548] : memref<1600x32xf32, #tpu.memory_space<vmem>> -> memref<50x32xf32, #tpu.memory_space<vmem>>
      tpu.enqueue_dma source(%dma_start3A_1549 : memref<50x32xf32, #tpu.memory_space<vmem>>) target(%dma_start3A_1546 : memref<50x32xf32, #tpu.memory_space<hbm>>) target_semaphore(%arg12 : memref<!tpu.dma_semaphore, #tpu.memory_space<semaphore_mem>>)
      %add3A_1550 = arith.constant 30 : i32
      %add3A_1551 = arith.addi %add3A_1069, %add3A_1550 : i32
      %dma_start3A_1552 = arith.constant 1500 : i32
      %dma_start3A_1553 = arith.constant 0 : i32
      %dma_start3A_1554 = tpu.memref_slice %arg8[%dma_start3A_1552, %dma_start3A_1553] : memref<1600x32xf32, #tpu.memory_space<vmem>> -> memref<50x32xf32, #tpu.memory_space<vmem>>
      %dma_start3A_1555 = arith.constant 0 : i32
      %dma_start3A_1556 = arith.constant 0 : i32
      %dma_start3A_1557 = tpu.memref_slice %arg4[%add3A_1551, %dma_start3A_1555, %dma_start3A_1556] : memref<16384x50x32xf32, #tpu.memory_space<hbm>> -> memref<1x50x32xf32, #tpu.memory_space<hbm>>
      %dma_start3A_1558 = tpu.memref_squeeze %dma_start3A_1557 : memref<1x50x32xf32, #tpu.memory_space<hbm>> -> memref<50x32xf32, #tpu.memory_space<hbm>>
      %dma_start3A_1559 = arith.constant 0 : i32
      %dma_start3A_1560 = arith.constant 0 : i32
      %dma_start3A_1561 = tpu.memref_slice %arg4[%add3A_1551, %dma_start3A_1559, %dma_start3A_1560] : memref<16384x50x32xf32, #tpu.memory_space<hbm>> -> memref<1x50x32xf32, #tpu.memory_space<hbm>>
      %dma_start3A_1562 = tpu.memref_squeeze %dma_start3A_1561 : memref<1x50x32xf32, #tpu.memory_space<hbm>> -> memref<50x32xf32, #tpu.memory_space<hbm>>
      %dma_start3A_1563 = arith.constant 1500 : i32
      %dma_start3A_1564 = arith.constant 0 : i32
      %dma_start3A_1565 = tpu.memref_slice %arg8[%dma_start3A_1563, %dma_start3A_1564] : memref<1600x32xf32, #tpu.memory_space<vmem>> -> memref<50x32xf32, #tpu.memory_space<vmem>>
      tpu.enqueue_dma source(%dma_start3A_1565 : memref<50x32xf32, #tpu.memory_space<vmem>>) target(%dma_start3A_1562 : memref<50x32xf32, #tpu.memory_space<hbm>>) target_semaphore(%arg12 : memref<!tpu.dma_semaphore, #tpu.memory_space<semaphore_mem>>)
      %add3A_1566 = arith.constant 31 : i32
      %add3A_1567 = arith.addi %add3A_1069, %add3A_1566 : i32
      %dma_start3A_1568 = arith.constant 1550 : i32
      %dma_start3A_1569 = arith.constant 0 : i32
      %dma_start3A_1570 = tpu.memref_slice %arg8[%dma_start3A_1568, %dma_start3A_1569] : memref<1600x32xf32, #tpu.memory_space<vmem>> -> memref<50x32xf32, #tpu.memory_space<vmem>>
      %dma_start3A_1571 = arith.constant 0 : i32
      %dma_start3A_1572 = arith.constant 0 : i32
      %dma_start3A_1573 = tpu.memref_slice %arg4[%add3A_1567, %dma_start3A_1571, %dma_start3A_1572] : memref<16384x50x32xf32, #tpu.memory_space<hbm>> -> memref<1x50x32xf32, #tpu.memory_space<hbm>>
      %dma_start3A_1574 = tpu.memref_squeeze %dma_start3A_1573 : memref<1x50x32xf32, #tpu.memory_space<hbm>> -> memref<50x32xf32, #tpu.memory_space<hbm>>
      %dma_start3A_1575 = arith.constant 0 : i32
      %dma_start3A_1576 = arith.constant 0 : i32
      %dma_start3A_1577 = tpu.memref_slice %arg4[%add3A_1567, %dma_start3A_1575, %dma_start3A_1576] : memref<16384x50x32xf32, #tpu.memory_space<hbm>> -> memref<1x50x32xf32, #tpu.memory_space<hbm>>
      %dma_start3A_1578 = tpu.memref_squeeze %dma_start3A_1577 : memref<1x50x32xf32, #tpu.memory_space<hbm>> -> memref<50x32xf32, #tpu.memory_space<hbm>>
      %dma_start3A_1579 = arith.constant 1550 : i32
      %dma_start3A_1580 = arith.constant 0 : i32
      %dma_start3A_1581 = tpu.memref_slice %arg8[%dma_start3A_1579, %dma_start3A_1580] : memref<1600x32xf32, #tpu.memory_space<vmem>> -> memref<50x32xf32, #tpu.memory_space<vmem>>
      tpu.enqueue_dma source(%dma_start3A_1581 : memref<50x32xf32, #tpu.memory_space<vmem>>) target(%dma_start3A_1578 : memref<50x32xf32, #tpu.memory_space<hbm>>) target_semaphore(%arg12 : memref<!tpu.dma_semaphore, #tpu.memory_space<semaphore_mem>>)
      %add3A_1582 = arith.constant 0 : i32
      %add3A_1583 = arith.addi %add3A_1069, %add3A_1582 : i32
      %dma_wait3A_1584 = arith.constant 0 : i32
      %dma_wait3A_1585 = arith.constant 0 : i32
      %dma_wait3A_1586 = tpu.memref_slice %arg8[%dma_wait3A_1584, %dma_wait3A_1585] : memref<1600x32xf32, #tpu.memory_space<vmem>> -> memref<50x32xf32, #tpu.memory_space<vmem>>
      %dma_wait3A_1587 = arith.constant 0 : i32
      %dma_wait3A_1588 = arith.constant 0 : i32
      %dma_wait3A_1589 = tpu.memref_slice %arg4[%add3A_1583, %dma_wait3A_1587, %dma_wait3A_1588] : memref<16384x50x32xf32, #tpu.memory_space<hbm>> -> memref<1x50x32xf32, #tpu.memory_space<hbm>>
      %dma_wait3A_1590 = tpu.memref_squeeze %dma_wait3A_1589 : memref<1x50x32xf32, #tpu.memory_space<hbm>> -> memref<50x32xf32, #tpu.memory_space<hbm>>
      %dma_wait3A_1591 = arith.constant 0 : i32
      %dma_wait3A_1592 = arith.constant 0 : i32
      %dma_wait3A_1593 = tpu.memref_slice %arg4[%add3A_1583, %dma_wait3A_1591, %dma_wait3A_1592] : memref<16384x50x32xf32, #tpu.memory_space<hbm>> -> memref<1x50x32xf32, #tpu.memory_space<hbm>>
      %dma_wait3A_1594 = tpu.memref_squeeze %dma_wait3A_1593 : memref<1x50x32xf32, #tpu.memory_space<hbm>> -> memref<50x32xf32, #tpu.memory_space<hbm>>
      %dma_wait3A_1595 = arith.constant 0 : i32
      %dma_wait3A_1596 = arith.constant 0 : i32
      %dma_wait3A_1597 = tpu.memref_slice %arg8[%dma_wait3A_1595, %dma_wait3A_1596] : memref<1600x32xf32, #tpu.memory_space<vmem>> -> memref<50x32xf32, #tpu.memory_space<vmem>>
      tpu.wait_dma2 semaphore(%arg12 : memref<!tpu.dma_semaphore, #tpu.memory_space<semaphore_mem>>) src(%dma_wait3A_1597 : memref<50x32xf32, #tpu.memory_space<vmem>>) dst(%dma_wait3A_1594 : memref<50x32xf32, #tpu.memory_space<hbm>>)
      %add3A_1598 = arith.constant 1 : i32
      %add3A_1599 = arith.addi %add3A_1069, %add3A_1598 : i32
      %dma_wait3A_1600 = arith.constant 50 : i32
      %dma_wait3A_1601 = arith.constant 0 : i32
      %dma_wait3A_1602 = tpu.memref_slice %arg8[%dma_wait3A_1600, %dma_wait3A_1601] : memref<1600x32xf32, #tpu.memory_space<vmem>> -> memref<50x32xf32, #tpu.memory_space<vmem>>
      %dma_wait3A_1603 = arith.constant 0 : i32
      %dma_wait3A_1604 = arith.constant 0 : i32
      %dma_wait3A_1605 = tpu.memref_slice %arg4[%add3A_1599, %dma_wait3A_1603, %dma_wait3A_1604] : memref<16384x50x32xf32, #tpu.memory_space<hbm>> -> memref<1x50x32xf32, #tpu.memory_space<hbm>>
      %dma_wait3A_1606 = tpu.memref_squeeze %dma_wait3A_1605 : memref<1x50x32xf32, #tpu.memory_space<hbm>> -> memref<50x32xf32, #tpu.memory_space<hbm>>
      %dma_wait3A_1607 = arith.constant 0 : i32
      %dma_wait3A_1608 = arith.constant 0 : i32
      %dma_wait3A_1609 = tpu.memref_slice %arg4[%add3A_1599, %dma_wait3A_1607, %dma_wait3A_1608] : memref<16384x50x32xf32, #tpu.memory_space<hbm>> -> memref<1x50x32xf32, #tpu.memory_space<hbm>>
      %dma_wait3A_1610 = tpu.memref_squeeze %dma_wait3A_1609 : memref<1x50x32xf32, #tpu.memory_space<hbm>> -> memref<50x32xf32, #tpu.memory_space<hbm>>
      %dma_wait3A_1611 = arith.constant 50 : i32
      %dma_wait3A_1612 = arith.constant 0 : i32
      %dma_wait3A_1613 = tpu.memref_slice %arg8[%dma_wait3A_1611, %dma_wait3A_1612] : memref<1600x32xf32, #tpu.memory_space<vmem>> -> memref<50x32xf32, #tpu.memory_space<vmem>>
      tpu.wait_dma2 semaphore(%arg12 : memref<!tpu.dma_semaphore, #tpu.memory_space<semaphore_mem>>) src(%dma_wait3A_1613 : memref<50x32xf32, #tpu.memory_space<vmem>>) dst(%dma_wait3A_1610 : memref<50x32xf32, #tpu.memory_space<hbm>>)
      %add3A_1614 = arith.constant 2 : i32
      %add3A_1615 = arith.addi %add3A_1069, %add3A_1614 : i32
      %dma_wait3A_1616 = arith.constant 100 : i32
      %dma_wait3A_1617 = arith.constant 0 : i32
      %dma_wait3A_1618 = tpu.memref_slice %arg8[%dma_wait3A_1616, %dma_wait3A_1617] : memref<1600x32xf32, #tpu.memory_space<vmem>> -> memref<50x32xf32, #tpu.memory_space<vmem>>
      %dma_wait3A_1619 = arith.constant 0 : i32
      %dma_wait3A_1620 = arith.constant 0 : i32
      %dma_wait3A_1621 = tpu.memref_slice %arg4[%add3A_1615, %dma_wait3A_1619, %dma_wait3A_1620] : memref<16384x50x32xf32, #tpu.memory_space<hbm>> -> memref<1x50x32xf32, #tpu.memory_space<hbm>>
      %dma_wait3A_1622 = tpu.memref_squeeze %dma_wait3A_1621 : memref<1x50x32xf32, #tpu.memory_space<hbm>> -> memref<50x32xf32, #tpu.memory_space<hbm>>
      %dma_wait3A_1623 = arith.constant 0 : i32
      %dma_wait3A_1624 = arith.constant 0 : i32
      %dma_wait3A_1625 = tpu.memref_slice %arg4[%add3A_1615, %dma_wait3A_1623, %dma_wait3A_1624] : memref<16384x50x32xf32, #tpu.memory_space<hbm>> -> memref<1x50x32xf32, #tpu.memory_space<hbm>>
      %dma_wait3A_1626 = tpu.memref_squeeze %dma_wait3A_1625 : memref<1x50x32xf32, #tpu.memory_space<hbm>> -> memref<50x32xf32, #tpu.memory_space<hbm>>
      %dma_wait3A_1627 = arith.constant 100 : i32
      %dma_wait3A_1628 = arith.constant 0 : i32
      %dma_wait3A_1629 = tpu.memref_slice %arg8[%dma_wait3A_1627, %dma_wait3A_1628] : memref<1600x32xf32, #tpu.memory_space<vmem>> -> memref<50x32xf32, #tpu.memory_space<vmem>>
      tpu.wait_dma2 semaphore(%arg12 : memref<!tpu.dma_semaphore, #tpu.memory_space<semaphore_mem>>) src(%dma_wait3A_1629 : memref<50x32xf32, #tpu.memory_space<vmem>>) dst(%dma_wait3A_1626 : memref<50x32xf32, #tpu.memory_space<hbm>>)
      %add3A_1630 = arith.constant 3 : i32
      %add3A_1631 = arith.addi %add3A_1069, %add3A_1630 : i32
      %dma_wait3A_1632 = arith.constant 150 : i32
      %dma_wait3A_1633 = arith.constant 0 : i32
      %dma_wait3A_1634 = tpu.memref_slice %arg8[%dma_wait3A_1632, %dma_wait3A_1633] : memref<1600x32xf32, #tpu.memory_space<vmem>> -> memref<50x32xf32, #tpu.memory_space<vmem>>
      %dma_wait3A_1635 = arith.constant 0 : i32
      %dma_wait3A_1636 = arith.constant 0 : i32
      %dma_wait3A_1637 = tpu.memref_slice %arg4[%add3A_1631, %dma_wait3A_1635, %dma_wait3A_1636] : memref<16384x50x32xf32, #tpu.memory_space<hbm>> -> memref<1x50x32xf32, #tpu.memory_space<hbm>>
      %dma_wait3A_1638 = tpu.memref_squeeze %dma_wait3A_1637 : memref<1x50x32xf32, #tpu.memory_space<hbm>> -> memref<50x32xf32, #tpu.memory_space<hbm>>
      %dma_wait3A_1639 = arith.constant 0 : i32
      %dma_wait3A_1640 = arith.constant 0 : i32
      %dma_wait3A_1641 = tpu.memref_slice %arg4[%add3A_1631, %dma_wait3A_1639, %dma_wait3A_1640] : memref<16384x50x32xf32, #tpu.memory_space<hbm>> -> memref<1x50x32xf32, #tpu.memory_space<hbm>>
      %dma_wait3A_1642 = tpu.memref_squeeze %dma_wait3A_1641 : memref<1x50x32xf32, #tpu.memory_space<hbm>> -> memref<50x32xf32, #tpu.memory_space<hbm>>
      %dma_wait3A_1643 = arith.constant 150 : i32
      %dma_wait3A_1644 = arith.constant 0 : i32
      %dma_wait3A_1645 = tpu.memref_slice %arg8[%dma_wait3A_1643, %dma_wait3A_1644] : memref<1600x32xf32, #tpu.memory_space<vmem>> -> memref<50x32xf32, #tpu.memory_space<vmem>>
      tpu.wait_dma2 semaphore(%arg12 : memref<!tpu.dma_semaphore, #tpu.memory_space<semaphore_mem>>) src(%dma_wait3A_1645 : memref<50x32xf32, #tpu.memory_space<vmem>>) dst(%dma_wait3A_1642 : memref<50x32xf32, #tpu.memory_space<hbm>>)
      %add3A_1646 = arith.constant 4 : i32
      %add3A_1647 = arith.addi %add3A_1069, %add3A_1646 : i32
      %dma_wait3A_1648 = arith.constant 200 : i32
      %dma_wait3A_1649 = arith.constant 0 : i32
      %dma_wait3A_1650 = tpu.memref_slice %arg8[%dma_wait3A_1648, %dma_wait3A_1649] : memref<1600x32xf32, #tpu.memory_space<vmem>> -> memref<50x32xf32, #tpu.memory_space<vmem>>
      %dma_wait3A_1651 = arith.constant 0 : i32
      %dma_wait3A_1652 = arith.constant 0 : i32
      %dma_wait3A_1653 = tpu.memref_slice %arg4[%add3A_1647, %dma_wait3A_1651, %dma_wait3A_1652] : memref<16384x50x32xf32, #tpu.memory_space<hbm>> -> memref<1x50x32xf32, #tpu.memory_space<hbm>>
      %dma_wait3A_1654 = tpu.memref_squeeze %dma_wait3A_1653 : memref<1x50x32xf32, #tpu.memory_space<hbm>> -> memref<50x32xf32, #tpu.memory_space<hbm>>
      %dma_wait3A_1655 = arith.constant 0 : i32
      %dma_wait3A_1656 = arith.constant 0 : i32
      %dma_wait3A_1657 = tpu.memref_slice %arg4[%add3A_1647, %dma_wait3A_1655, %dma_wait3A_1656] : memref<16384x50x32xf32, #tpu.memory_space<hbm>> -> memref<1x50x32xf32, #tpu.memory_space<hbm>>
      %dma_wait3A_1658 = tpu.memref_squeeze %dma_wait3A_1657 : memref<1x50x32xf32, #tpu.memory_space<hbm>> -> memref<50x32xf32, #tpu.memory_space<hbm>>
      %dma_wait3A_1659 = arith.constant 200 : i32
      %dma_wait3A_1660 = arith.constant 0 : i32
      %dma_wait3A_1661 = tpu.memref_slice %arg8[%dma_wait3A_1659, %dma_wait3A_1660] : memref<1600x32xf32, #tpu.memory_space<vmem>> -> memref<50x32xf32, #tpu.memory_space<vmem>>
      tpu.wait_dma2 semaphore(%arg12 : memref<!tpu.dma_semaphore, #tpu.memory_space<semaphore_mem>>) src(%dma_wait3A_1661 : memref<50x32xf32, #tpu.memory_space<vmem>>) dst(%dma_wait3A_1658 : memref<50x32xf32, #tpu.memory_space<hbm>>)
      %add3A_1662 = arith.constant 5 : i32
      %add3A_1663 = arith.addi %add3A_1069, %add3A_1662 : i32
      %dma_wait3A_1664 = arith.constant 250 : i32
      %dma_wait3A_1665 = arith.constant 0 : i32
      %dma_wait3A_1666 = tpu.memref_slice %arg8[%dma_wait3A_1664, %dma_wait3A_1665] : memref<1600x32xf32, #tpu.memory_space<vmem>> -> memref<50x32xf32, #tpu.memory_space<vmem>>
      %dma_wait3A_1667 = arith.constant 0 : i32
      %dma_wait3A_1668 = arith.constant 0 : i32
      %dma_wait3A_1669 = tpu.memref_slice %arg4[%add3A_1663, %dma_wait3A_1667, %dma_wait3A_1668] : memref<16384x50x32xf32, #tpu.memory_space<hbm>> -> memref<1x50x32xf32, #tpu.memory_space<hbm>>
      %dma_wait3A_1670 = tpu.memref_squeeze %dma_wait3A_1669 : memref<1x50x32xf32, #tpu.memory_space<hbm>> -> memref<50x32xf32, #tpu.memory_space<hbm>>
      %dma_wait3A_1671 = arith.constant 0 : i32
      %dma_wait3A_1672 = arith.constant 0 : i32
      %dma_wait3A_1673 = tpu.memref_slice %arg4[%add3A_1663, %dma_wait3A_1671, %dma_wait3A_1672] : memref<16384x50x32xf32, #tpu.memory_space<hbm>> -> memref<1x50x32xf32, #tpu.memory_space<hbm>>
      %dma_wait3A_1674 = tpu.memref_squeeze %dma_wait3A_1673 : memref<1x50x32xf32, #tpu.memory_space<hbm>> -> memref<50x32xf32, #tpu.memory_space<hbm>>
      %dma_wait3A_1675 = arith.constant 250 : i32
      %dma_wait3A_1676 = arith.constant 0 : i32
      %dma_wait3A_1677 = tpu.memref_slice %arg8[%dma_wait3A_1675, %dma_wait3A_1676] : memref<1600x32xf32, #tpu.memory_space<vmem>> -> memref<50x32xf32, #tpu.memory_space<vmem>>
      tpu.wait_dma2 semaphore(%arg12 : memref<!tpu.dma_semaphore, #tpu.memory_space<semaphore_mem>>) src(%dma_wait3A_1677 : memref<50x32xf32, #tpu.memory_space<vmem>>) dst(%dma_wait3A_1674 : memref<50x32xf32, #tpu.memory_space<hbm>>)
      %add3A_1678 = arith.constant 6 : i32
      %add3A_1679 = arith.addi %add3A_1069, %add3A_1678 : i32
      %dma_wait3A_1680 = arith.constant 300 : i32
      %dma_wait3A_1681 = arith.constant 0 : i32
      %dma_wait3A_1682 = tpu.memref_slice %arg8[%dma_wait3A_1680, %dma_wait3A_1681] : memref<1600x32xf32, #tpu.memory_space<vmem>> -> memref<50x32xf32, #tpu.memory_space<vmem>>
      %dma_wait3A_1683 = arith.constant 0 : i32
      %dma_wait3A_1684 = arith.constant 0 : i32
      %dma_wait3A_1685 = tpu.memref_slice %arg4[%add3A_1679, %dma_wait3A_1683, %dma_wait3A_1684] : memref<16384x50x32xf32, #tpu.memory_space<hbm>> -> memref<1x50x32xf32, #tpu.memory_space<hbm>>
      %dma_wait3A_1686 = tpu.memref_squeeze %dma_wait3A_1685 : memref<1x50x32xf32, #tpu.memory_space<hbm>> -> memref<50x32xf32, #tpu.memory_space<hbm>>
      %dma_wait3A_1687 = arith.constant 0 : i32
      %dma_wait3A_1688 = arith.constant 0 : i32
      %dma_wait3A_1689 = tpu.memref_slice %arg4[%add3A_1679, %dma_wait3A_1687, %dma_wait3A_1688] : memref<16384x50x32xf32, #tpu.memory_space<hbm>> -> memref<1x50x32xf32, #tpu.memory_space<hbm>>
      %dma_wait3A_1690 = tpu.memref_squeeze %dma_wait3A_1689 : memref<1x50x32xf32, #tpu.memory_space<hbm>> -> memref<50x32xf32, #tpu.memory_space<hbm>>
      %dma_wait3A_1691 = arith.constant 300 : i32
      %dma_wait3A_1692 = arith.constant 0 : i32
      %dma_wait3A_1693 = tpu.memref_slice %arg8[%dma_wait3A_1691, %dma_wait3A_1692] : memref<1600x32xf32, #tpu.memory_space<vmem>> -> memref<50x32xf32, #tpu.memory_space<vmem>>
      tpu.wait_dma2 semaphore(%arg12 : memref<!tpu.dma_semaphore, #tpu.memory_space<semaphore_mem>>) src(%dma_wait3A_1693 : memref<50x32xf32, #tpu.memory_space<vmem>>) dst(%dma_wait3A_1690 : memref<50x32xf32, #tpu.memory_space<hbm>>)
      %add3A_1694 = arith.constant 7 : i32
      %add3A_1695 = arith.addi %add3A_1069, %add3A_1694 : i32
      %dma_wait3A_1696 = arith.constant 350 : i32
      %dma_wait3A_1697 = arith.constant 0 : i32
      %dma_wait3A_1698 = tpu.memref_slice %arg8[%dma_wait3A_1696, %dma_wait3A_1697] : memref<1600x32xf32, #tpu.memory_space<vmem>> -> memref<50x32xf32, #tpu.memory_space<vmem>>
      %dma_wait3A_1699 = arith.constant 0 : i32
      %dma_wait3A_1700 = arith.constant 0 : i32
      %dma_wait3A_1701 = tpu.memref_slice %arg4[%add3A_1695, %dma_wait3A_1699, %dma_wait3A_1700] : memref<16384x50x32xf32, #tpu.memory_space<hbm>> -> memref<1x50x32xf32, #tpu.memory_space<hbm>>
      %dma_wait3A_1702 = tpu.memref_squeeze %dma_wait3A_1701 : memref<1x50x32xf32, #tpu.memory_space<hbm>> -> memref<50x32xf32, #tpu.memory_space<hbm>>
      %dma_wait3A_1703 = arith.constant 0 : i32
      %dma_wait3A_1704 = arith.constant 0 : i32
      %dma_wait3A_1705 = tpu.memref_slice %arg4[%add3A_1695, %dma_wait3A_1703, %dma_wait3A_1704] : memref<16384x50x32xf32, #tpu.memory_space<hbm>> -> memref<1x50x32xf32, #tpu.memory_space<hbm>>
      %dma_wait3A_1706 = tpu.memref_squeeze %dma_wait3A_1705 : memref<1x50x32xf32, #tpu.memory_space<hbm>> -> memref<50x32xf32, #tpu.memory_space<hbm>>
      %dma_wait3A_1707 = arith.constant 350 : i32
      %dma_wait3A_1708 = arith.constant 0 : i32
      %dma_wait3A_1709 = tpu.memref_slice %arg8[%dma_wait3A_1707, %dma_wait3A_1708] : memref<1600x32xf32, #tpu.memory_space<vmem>> -> memref<50x32xf32, #tpu.memory_space<vmem>>
      tpu.wait_dma2 semaphore(%arg12 : memref<!tpu.dma_semaphore, #tpu.memory_space<semaphore_mem>>) src(%dma_wait3A_1709 : memref<50x32xf32, #tpu.memory_space<vmem>>) dst(%dma_wait3A_1706 : memref<50x32xf32, #tpu.memory_space<hbm>>)
      %add3A_1710 = arith.constant 8 : i32
      %add3A_1711 = arith.addi %add3A_1069, %add3A_1710 : i32
      %dma_wait3A_1712 = arith.constant 400 : i32
      %dma_wait3A_1713 = arith.constant 0 : i32
      %dma_wait3A_1714 = tpu.memref_slice %arg8[%dma_wait3A_1712, %dma_wait3A_1713] : memref<1600x32xf32, #tpu.memory_space<vmem>> -> memref<50x32xf32, #tpu.memory_space<vmem>>
      %dma_wait3A_1715 = arith.constant 0 : i32
      %dma_wait3A_1716 = arith.constant 0 : i32
      %dma_wait3A_1717 = tpu.memref_slice %arg4[%add3A_1711, %dma_wait3A_1715, %dma_wait3A_1716] : memref<16384x50x32xf32, #tpu.memory_space<hbm>> -> memref<1x50x32xf32, #tpu.memory_space<hbm>>
      %dma_wait3A_1718 = tpu.memref_squeeze %dma_wait3A_1717 : memref<1x50x32xf32, #tpu.memory_space<hbm>> -> memref<50x32xf32, #tpu.memory_space<hbm>>
      %dma_wait3A_1719 = arith.constant 0 : i32
      %dma_wait3A_1720 = arith.constant 0 : i32
      %dma_wait3A_1721 = tpu.memref_slice %arg4[%add3A_1711, %dma_wait3A_1719, %dma_wait3A_1720] : memref<16384x50x32xf32, #tpu.memory_space<hbm>> -> memref<1x50x32xf32, #tpu.memory_space<hbm>>
      %dma_wait3A_1722 = tpu.memref_squeeze %dma_wait3A_1721 : memref<1x50x32xf32, #tpu.memory_space<hbm>> -> memref<50x32xf32, #tpu.memory_space<hbm>>
      %dma_wait3A_1723 = arith.constant 400 : i32
      %dma_wait3A_1724 = arith.constant 0 : i32
      %dma_wait3A_1725 = tpu.memref_slice %arg8[%dma_wait3A_1723, %dma_wait3A_1724] : memref<1600x32xf32, #tpu.memory_space<vmem>> -> memref<50x32xf32, #tpu.memory_space<vmem>>
      tpu.wait_dma2 semaphore(%arg12 : memref<!tpu.dma_semaphore, #tpu.memory_space<semaphore_mem>>) src(%dma_wait3A_1725 : memref<50x32xf32, #tpu.memory_space<vmem>>) dst(%dma_wait3A_1722 : memref<50x32xf32, #tpu.memory_space<hbm>>)
      %add3A_1726 = arith.constant 9 : i32
      %add3A_1727 = arith.addi %add3A_1069, %add3A_1726 : i32
      %dma_wait3A_1728 = arith.constant 450 : i32
      %dma_wait3A_1729 = arith.constant 0 : i32
      %dma_wait3A_1730 = tpu.memref_slice %arg8[%dma_wait3A_1728, %dma_wait3A_1729] : memref<1600x32xf32, #tpu.memory_space<vmem>> -> memref<50x32xf32, #tpu.memory_space<vmem>>
      %dma_wait3A_1731 = arith.constant 0 : i32
      %dma_wait3A_1732 = arith.constant 0 : i32
      %dma_wait3A_1733 = tpu.memref_slice %arg4[%add3A_1727, %dma_wait3A_1731, %dma_wait3A_1732] : memref<16384x50x32xf32, #tpu.memory_space<hbm>> -> memref<1x50x32xf32, #tpu.memory_space<hbm>>
      %dma_wait3A_1734 = tpu.memref_squeeze %dma_wait3A_1733 : memref<1x50x32xf32, #tpu.memory_space<hbm>> -> memref<50x32xf32, #tpu.memory_space<hbm>>
      %dma_wait3A_1735 = arith.constant 0 : i32
      %dma_wait3A_1736 = arith.constant 0 : i32
      %dma_wait3A_1737 = tpu.memref_slice %arg4[%add3A_1727, %dma_wait3A_1735, %dma_wait3A_1736] : memref<16384x50x32xf32, #tpu.memory_space<hbm>> -> memref<1x50x32xf32, #tpu.memory_space<hbm>>
      %dma_wait3A_1738 = tpu.memref_squeeze %dma_wait3A_1737 : memref<1x50x32xf32, #tpu.memory_space<hbm>> -> memref<50x32xf32, #tpu.memory_space<hbm>>
      %dma_wait3A_1739 = arith.constant 450 : i32
      %dma_wait3A_1740 = arith.constant 0 : i32
      %dma_wait3A_1741 = tpu.memref_slice %arg8[%dma_wait3A_1739, %dma_wait3A_1740] : memref<1600x32xf32, #tpu.memory_space<vmem>> -> memref<50x32xf32, #tpu.memory_space<vmem>>
      tpu.wait_dma2 semaphore(%arg12 : memref<!tpu.dma_semaphore, #tpu.memory_space<semaphore_mem>>) src(%dma_wait3A_1741 : memref<50x32xf32, #tpu.memory_space<vmem>>) dst(%dma_wait3A_1738 : memref<50x32xf32, #tpu.memory_space<hbm>>)
      %add3A_1742 = arith.constant 10 : i32
      %add3A_1743 = arith.addi %add3A_1069, %add3A_1742 : i32
      %dma_wait3A_1744 = arith.constant 500 : i32
      %dma_wait3A_1745 = arith.constant 0 : i32
      %dma_wait3A_1746 = tpu.memref_slice %arg8[%dma_wait3A_1744, %dma_wait3A_1745] : memref<1600x32xf32, #tpu.memory_space<vmem>> -> memref<50x32xf32, #tpu.memory_space<vmem>>
      %dma_wait3A_1747 = arith.constant 0 : i32
      %dma_wait3A_1748 = arith.constant 0 : i32
      %dma_wait3A_1749 = tpu.memref_slice %arg4[%add3A_1743, %dma_wait3A_1747, %dma_wait3A_1748] : memref<16384x50x32xf32, #tpu.memory_space<hbm>> -> memref<1x50x32xf32, #tpu.memory_space<hbm>>
      %dma_wait3A_1750 = tpu.memref_squeeze %dma_wait3A_1749 : memref<1x50x32xf32, #tpu.memory_space<hbm>> -> memref<50x32xf32, #tpu.memory_space<hbm>>
      %dma_wait3A_1751 = arith.constant 0 : i32
      %dma_wait3A_1752 = arith.constant 0 : i32
      %dma_wait3A_1753 = tpu.memref_slice %arg4[%add3A_1743, %dma_wait3A_1751, %dma_wait3A_1752] : memref<16384x50x32xf32, #tpu.memory_space<hbm>> -> memref<1x50x32xf32, #tpu.memory_space<hbm>>
      %dma_wait3A_1754 = tpu.memref_squeeze %dma_wait3A_1753 : memref<1x50x32xf32, #tpu.memory_space<hbm>> -> memref<50x32xf32, #tpu.memory_space<hbm>>
      %dma_wait3A_1755 = arith.constant 500 : i32
      %dma_wait3A_1756 = arith.constant 0 : i32
      %dma_wait3A_1757 = tpu.memref_slice %arg8[%dma_wait3A_1755, %dma_wait3A_1756] : memref<1600x32xf32, #tpu.memory_space<vmem>> -> memref<50x32xf32, #tpu.memory_space<vmem>>
      tpu.wait_dma2 semaphore(%arg12 : memref<!tpu.dma_semaphore, #tpu.memory_space<semaphore_mem>>) src(%dma_wait3A_1757 : memref<50x32xf32, #tpu.memory_space<vmem>>) dst(%dma_wait3A_1754 : memref<50x32xf32, #tpu.memory_space<hbm>>)
      %add3A_1758 = arith.constant 11 : i32
      %add3A_1759 = arith.addi %add3A_1069, %add3A_1758 : i32
      %dma_wait3A_1760 = arith.constant 550 : i32
      %dma_wait3A_1761 = arith.constant 0 : i32
      %dma_wait3A_1762 = tpu.memref_slice %arg8[%dma_wait3A_1760, %dma_wait3A_1761] : memref<1600x32xf32, #tpu.memory_space<vmem>> -> memref<50x32xf32, #tpu.memory_space<vmem>>
      %dma_wait3A_1763 = arith.constant 0 : i32
      %dma_wait3A_1764 = arith.constant 0 : i32
      %dma_wait3A_1765 = tpu.memref_slice %arg4[%add3A_1759, %dma_wait3A_1763, %dma_wait3A_1764] : memref<16384x50x32xf32, #tpu.memory_space<hbm>> -> memref<1x50x32xf32, #tpu.memory_space<hbm>>
      %dma_wait3A_1766 = tpu.memref_squeeze %dma_wait3A_1765 : memref<1x50x32xf32, #tpu.memory_space<hbm>> -> memref<50x32xf32, #tpu.memory_space<hbm>>
      %dma_wait3A_1767 = arith.constant 0 : i32
      %dma_wait3A_1768 = arith.constant 0 : i32
      %dma_wait3A_1769 = tpu.memref_slice %arg4[%add3A_1759, %dma_wait3A_1767, %dma_wait3A_1768] : memref<16384x50x32xf32, #tpu.memory_space<hbm>> -> memref<1x50x32xf32, #tpu.memory_space<hbm>>
      %dma_wait3A_1770 = tpu.memref_squeeze %dma_wait3A_1769 : memref<1x50x32xf32, #tpu.memory_space<hbm>> -> memref<50x32xf32, #tpu.memory_space<hbm>>
      %dma_wait3A_1771 = arith.constant 550 : i32
      %dma_wait3A_1772 = arith.constant 0 : i32
      %dma_wait3A_1773 = tpu.memref_slice %arg8[%dma_wait3A_1771, %dma_wait3A_1772] : memref<1600x32xf32, #tpu.memory_space<vmem>> -> memref<50x32xf32, #tpu.memory_space<vmem>>
      tpu.wait_dma2 semaphore(%arg12 : memref<!tpu.dma_semaphore, #tpu.memory_space<semaphore_mem>>) src(%dma_wait3A_1773 : memref<50x32xf32, #tpu.memory_space<vmem>>) dst(%dma_wait3A_1770 : memref<50x32xf32, #tpu.memory_space<hbm>>)
      %add3A_1774 = arith.constant 12 : i32
      %add3A_1775 = arith.addi %add3A_1069, %add3A_1774 : i32
      %dma_wait3A_1776 = arith.constant 600 : i32
      %dma_wait3A_1777 = arith.constant 0 : i32
      %dma_wait3A_1778 = tpu.memref_slice %arg8[%dma_wait3A_1776, %dma_wait3A_1777] : memref<1600x32xf32, #tpu.memory_space<vmem>> -> memref<50x32xf32, #tpu.memory_space<vmem>>
      %dma_wait3A_1779 = arith.constant 0 : i32
      %dma_wait3A_1780 = arith.constant 0 : i32
      %dma_wait3A_1781 = tpu.memref_slice %arg4[%add3A_1775, %dma_wait3A_1779, %dma_wait3A_1780] : memref<16384x50x32xf32, #tpu.memory_space<hbm>> -> memref<1x50x32xf32, #tpu.memory_space<hbm>>
      %dma_wait3A_1782 = tpu.memref_squeeze %dma_wait3A_1781 : memref<1x50x32xf32, #tpu.memory_space<hbm>> -> memref<50x32xf32, #tpu.memory_space<hbm>>
      %dma_wait3A_1783 = arith.constant 0 : i32
      %dma_wait3A_1784 = arith.constant 0 : i32
      %dma_wait3A_1785 = tpu.memref_slice %arg4[%add3A_1775, %dma_wait3A_1783, %dma_wait3A_1784] : memref<16384x50x32xf32, #tpu.memory_space<hbm>> -> memref<1x50x32xf32, #tpu.memory_space<hbm>>
      %dma_wait3A_1786 = tpu.memref_squeeze %dma_wait3A_1785 : memref<1x50x32xf32, #tpu.memory_space<hbm>> -> memref<50x32xf32, #tpu.memory_space<hbm>>
      %dma_wait3A_1787 = arith.constant 600 : i32
      %dma_wait3A_1788 = arith.constant 0 : i32
      %dma_wait3A_1789 = tpu.memref_slice %arg8[%dma_wait3A_1787, %dma_wait3A_1788] : memref<1600x32xf32, #tpu.memory_space<vmem>> -> memref<50x32xf32, #tpu.memory_space<vmem>>
      tpu.wait_dma2 semaphore(%arg12 : memref<!tpu.dma_semaphore, #tpu.memory_space<semaphore_mem>>) src(%dma_wait3A_1789 : memref<50x32xf32, #tpu.memory_space<vmem>>) dst(%dma_wait3A_1786 : memref<50x32xf32, #tpu.memory_space<hbm>>)
      %add3A_1790 = arith.constant 13 : i32
      %add3A_1791 = arith.addi %add3A_1069, %add3A_1790 : i32
      %dma_wait3A_1792 = arith.constant 650 : i32
      %dma_wait3A_1793 = arith.constant 0 : i32
      %dma_wait3A_1794 = tpu.memref_slice %arg8[%dma_wait3A_1792, %dma_wait3A_1793] : memref<1600x32xf32, #tpu.memory_space<vmem>> -> memref<50x32xf32, #tpu.memory_space<vmem>>
      %dma_wait3A_1795 = arith.constant 0 : i32
      %dma_wait3A_1796 = arith.constant 0 : i32
      %dma_wait3A_1797 = tpu.memref_slice %arg4[%add3A_1791, %dma_wait3A_1795, %dma_wait3A_1796] : memref<16384x50x32xf32, #tpu.memory_space<hbm>> -> memref<1x50x32xf32, #tpu.memory_space<hbm>>
      %dma_wait3A_1798 = tpu.memref_squeeze %dma_wait3A_1797 : memref<1x50x32xf32, #tpu.memory_space<hbm>> -> memref<50x32xf32, #tpu.memory_space<hbm>>
      %dma_wait3A_1799 = arith.constant 0 : i32
      %dma_wait3A_1800 = arith.constant 0 : i32
      %dma_wait3A_1801 = tpu.memref_slice %arg4[%add3A_1791, %dma_wait3A_1799, %dma_wait3A_1800] : memref<16384x50x32xf32, #tpu.memory_space<hbm>> -> memref<1x50x32xf32, #tpu.memory_space<hbm>>
      %dma_wait3A_1802 = tpu.memref_squeeze %dma_wait3A_1801 : memref<1x50x32xf32, #tpu.memory_space<hbm>> -> memref<50x32xf32, #tpu.memory_space<hbm>>
      %dma_wait3A_1803 = arith.constant 650 : i32
      %dma_wait3A_1804 = arith.constant 0 : i32
      %dma_wait3A_1805 = tpu.memref_slice %arg8[%dma_wait3A_1803, %dma_wait3A_1804] : memref<1600x32xf32, #tpu.memory_space<vmem>> -> memref<50x32xf32, #tpu.memory_space<vmem>>
      tpu.wait_dma2 semaphore(%arg12 : memref<!tpu.dma_semaphore, #tpu.memory_space<semaphore_mem>>) src(%dma_wait3A_1805 : memref<50x32xf32, #tpu.memory_space<vmem>>) dst(%dma_wait3A_1802 : memref<50x32xf32, #tpu.memory_space<hbm>>)
      %add3A_1806 = arith.constant 14 : i32
      %add3A_1807 = arith.addi %add3A_1069, %add3A_1806 : i32
      %dma_wait3A_1808 = arith.constant 700 : i32
      %dma_wait3A_1809 = arith.constant 0 : i32
      %dma_wait3A_1810 = tpu.memref_slice %arg8[%dma_wait3A_1808, %dma_wait3A_1809] : memref<1600x32xf32, #tpu.memory_space<vmem>> -> memref<50x32xf32, #tpu.memory_space<vmem>>
      %dma_wait3A_1811 = arith.constant 0 : i32
      %dma_wait3A_1812 = arith.constant 0 : i32
      %dma_wait3A_1813 = tpu.memref_slice %arg4[%add3A_1807, %dma_wait3A_1811, %dma_wait3A_1812] : memref<16384x50x32xf32, #tpu.memory_space<hbm>> -> memref<1x50x32xf32, #tpu.memory_space<hbm>>
      %dma_wait3A_1814 = tpu.memref_squeeze %dma_wait3A_1813 : memref<1x50x32xf32, #tpu.memory_space<hbm>> -> memref<50x32xf32, #tpu.memory_space<hbm>>
      %dma_wait3A_1815 = arith.constant 0 : i32
      %dma_wait3A_1816 = arith.constant 0 : i32
      %dma_wait3A_1817 = tpu.memref_slice %arg4[%add3A_1807, %dma_wait3A_1815, %dma_wait3A_1816] : memref<16384x50x32xf32, #tpu.memory_space<hbm>> -> memref<1x50x32xf32, #tpu.memory_space<hbm>>
      %dma_wait3A_1818 = tpu.memref_squeeze %dma_wait3A_1817 : memref<1x50x32xf32, #tpu.memory_space<hbm>> -> memref<50x32xf32, #tpu.memory_space<hbm>>
      %dma_wait3A_1819 = arith.constant 700 : i32
      %dma_wait3A_1820 = arith.constant 0 : i32
      %dma_wait3A_1821 = tpu.memref_slice %arg8[%dma_wait3A_1819, %dma_wait3A_1820] : memref<1600x32xf32, #tpu.memory_space<vmem>> -> memref<50x32xf32, #tpu.memory_space<vmem>>
      tpu.wait_dma2 semaphore(%arg12 : memref<!tpu.dma_semaphore, #tpu.memory_space<semaphore_mem>>) src(%dma_wait3A_1821 : memref<50x32xf32, #tpu.memory_space<vmem>>) dst(%dma_wait3A_1818 : memref<50x32xf32, #tpu.memory_space<hbm>>)
      %add3A_1822 = arith.constant 15 : i32
      %add3A_1823 = arith.addi %add3A_1069, %add3A_1822 : i32
      %dma_wait3A_1824 = arith.constant 750 : i32
      %dma_wait3A_1825 = arith.constant 0 : i32
      %dma_wait3A_1826 = tpu.memref_slice %arg8[%dma_wait3A_1824, %dma_wait3A_1825] : memref<1600x32xf32, #tpu.memory_space<vmem>> -> memref<50x32xf32, #tpu.memory_space<vmem>>
      %dma_wait3A_1827 = arith.constant 0 : i32
      %dma_wait3A_1828 = arith.constant 0 : i32
      %dma_wait3A_1829 = tpu.memref_slice %arg4[%add3A_1823, %dma_wait3A_1827, %dma_wait3A_1828] : memref<16384x50x32xf32, #tpu.memory_space<hbm>> -> memref<1x50x32xf32, #tpu.memory_space<hbm>>
      %dma_wait3A_1830 = tpu.memref_squeeze %dma_wait3A_1829 : memref<1x50x32xf32, #tpu.memory_space<hbm>> -> memref<50x32xf32, #tpu.memory_space<hbm>>
      %dma_wait3A_1831 = arith.constant 0 : i32
      %dma_wait3A_1832 = arith.constant 0 : i32
      %dma_wait3A_1833 = tpu.memref_slice %arg4[%add3A_1823, %dma_wait3A_1831, %dma_wait3A_1832] : memref<16384x50x32xf32, #tpu.memory_space<hbm>> -> memref<1x50x32xf32, #tpu.memory_space<hbm>>
      %dma_wait3A_1834 = tpu.memref_squeeze %dma_wait3A_1833 : memref<1x50x32xf32, #tpu.memory_space<hbm>> -> memref<50x32xf32, #tpu.memory_space<hbm>>
      %dma_wait3A_1835 = arith.constant 750 : i32
      %dma_wait3A_1836 = arith.constant 0 : i32
      %dma_wait3A_1837 = tpu.memref_slice %arg8[%dma_wait3A_1835, %dma_wait3A_1836] : memref<1600x32xf32, #tpu.memory_space<vmem>> -> memref<50x32xf32, #tpu.memory_space<vmem>>
      tpu.wait_dma2 semaphore(%arg12 : memref<!tpu.dma_semaphore, #tpu.memory_space<semaphore_mem>>) src(%dma_wait3A_1837 : memref<50x32xf32, #tpu.memory_space<vmem>>) dst(%dma_wait3A_1834 : memref<50x32xf32, #tpu.memory_space<hbm>>)
      %add3A_1838 = arith.constant 16 : i32
      %add3A_1839 = arith.addi %add3A_1069, %add3A_1838 : i32
      %dma_wait3A_1840 = arith.constant 800 : i32
      %dma_wait3A_1841 = arith.constant 0 : i32
      %dma_wait3A_1842 = tpu.memref_slice %arg8[%dma_wait3A_1840, %dma_wait3A_1841] : memref<1600x32xf32, #tpu.memory_space<vmem>> -> memref<50x32xf32, #tpu.memory_space<vmem>>
      %dma_wait3A_1843 = arith.constant 0 : i32
      %dma_wait3A_1844 = arith.constant 0 : i32
      %dma_wait3A_1845 = tpu.memref_slice %arg4[%add3A_1839, %dma_wait3A_1843, %dma_wait3A_1844] : memref<16384x50x32xf32, #tpu.memory_space<hbm>> -> memref<1x50x32xf32, #tpu.memory_space<hbm>>
      %dma_wait3A_1846 = tpu.memref_squeeze %dma_wait3A_1845 : memref<1x50x32xf32, #tpu.memory_space<hbm>> -> memref<50x32xf32, #tpu.memory_space<hbm>>
      %dma_wait3A_1847 = arith.constant 0 : i32
      %dma_wait3A_1848 = arith.constant 0 : i32
      %dma_wait3A_1849 = tpu.memref_slice %arg4[%add3A_1839, %dma_wait3A_1847, %dma_wait3A_1848] : memref<16384x50x32xf32, #tpu.memory_space<hbm>> -> memref<1x50x32xf32, #tpu.memory_space<hbm>>
      %dma_wait3A_1850 = tpu.memref_squeeze %dma_wait3A_1849 : memref<1x50x32xf32, #tpu.memory_space<hbm>> -> memref<50x32xf32, #tpu.memory_space<hbm>>
      %dma_wait3A_1851 = arith.constant 800 : i32
      %dma_wait3A_1852 = arith.constant 0 : i32
      %dma_wait3A_1853 = tpu.memref_slice %arg8[%dma_wait3A_1851, %dma_wait3A_1852] : memref<1600x32xf32, #tpu.memory_space<vmem>> -> memref<50x32xf32, #tpu.memory_space<vmem>>
      tpu.wait_dma2 semaphore(%arg12 : memref<!tpu.dma_semaphore, #tpu.memory_space<semaphore_mem>>) src(%dma_wait3A_1853 : memref<50x32xf32, #tpu.memory_space<vmem>>) dst(%dma_wait3A_1850 : memref<50x32xf32, #tpu.memory_space<hbm>>)
      %add3A_1854 = arith.constant 17 : i32
      %add3A_1855 = arith.addi %add3A_1069, %add3A_1854 : i32
      %dma_wait3A_1856 = arith.constant 850 : i32
      %dma_wait3A_1857 = arith.constant 0 : i32
      %dma_wait3A_1858 = tpu.memref_slice %arg8[%dma_wait3A_1856, %dma_wait3A_1857] : memref<1600x32xf32, #tpu.memory_space<vmem>> -> memref<50x32xf32, #tpu.memory_space<vmem>>
      %dma_wait3A_1859 = arith.constant 0 : i32
      %dma_wait3A_1860 = arith.constant 0 : i32
      %dma_wait3A_1861 = tpu.memref_slice %arg4[%add3A_1855, %dma_wait3A_1859, %dma_wait3A_1860] : memref<16384x50x32xf32, #tpu.memory_space<hbm>> -> memref<1x50x32xf32, #tpu.memory_space<hbm>>
      %dma_wait3A_1862 = tpu.memref_squeeze %dma_wait3A_1861 : memref<1x50x32xf32, #tpu.memory_space<hbm>> -> memref<50x32xf32, #tpu.memory_space<hbm>>
      %dma_wait3A_1863 = arith.constant 0 : i32
      %dma_wait3A_1864 = arith.constant 0 : i32
      %dma_wait3A_1865 = tpu.memref_slice %arg4[%add3A_1855, %dma_wait3A_1863, %dma_wait3A_1864] : memref<16384x50x32xf32, #tpu.memory_space<hbm>> -> memref<1x50x32xf32, #tpu.memory_space<hbm>>
      %dma_wait3A_1866 = tpu.memref_squeeze %dma_wait3A_1865 : memref<1x50x32xf32, #tpu.memory_space<hbm>> -> memref<50x32xf32, #tpu.memory_space<hbm>>
      %dma_wait3A_1867 = arith.constant 850 : i32
      %dma_wait3A_1868 = arith.constant 0 : i32
      %dma_wait3A_1869 = tpu.memref_slice %arg8[%dma_wait3A_1867, %dma_wait3A_1868] : memref<1600x32xf32, #tpu.memory_space<vmem>> -> memref<50x32xf32, #tpu.memory_space<vmem>>
      tpu.wait_dma2 semaphore(%arg12 : memref<!tpu.dma_semaphore, #tpu.memory_space<semaphore_mem>>) src(%dma_wait3A_1869 : memref<50x32xf32, #tpu.memory_space<vmem>>) dst(%dma_wait3A_1866 : memref<50x32xf32, #tpu.memory_space<hbm>>)
      %add3A_1870 = arith.constant 18 : i32
      %add3A_1871 = arith.addi %add3A_1069, %add3A_1870 : i32
      %dma_wait3A_1872 = arith.constant 900 : i32
      %dma_wait3A_1873 = arith.constant 0 : i32
      %dma_wait3A_1874 = tpu.memref_slice %arg8[%dma_wait3A_1872, %dma_wait3A_1873] : memref<1600x32xf32, #tpu.memory_space<vmem>> -> memref<50x32xf32, #tpu.memory_space<vmem>>
      %dma_wait3A_1875 = arith.constant 0 : i32
      %dma_wait3A_1876 = arith.constant 0 : i32
      %dma_wait3A_1877 = tpu.memref_slice %arg4[%add3A_1871, %dma_wait3A_1875, %dma_wait3A_1876] : memref<16384x50x32xf32, #tpu.memory_space<hbm>> -> memref<1x50x32xf32, #tpu.memory_space<hbm>>
      %dma_wait3A_1878 = tpu.memref_squeeze %dma_wait3A_1877 : memref<1x50x32xf32, #tpu.memory_space<hbm>> -> memref<50x32xf32, #tpu.memory_space<hbm>>
      %dma_wait3A_1879 = arith.constant 0 : i32
      %dma_wait3A_1880 = arith.constant 0 : i32
      %dma_wait3A_1881 = tpu.memref_slice %arg4[%add3A_1871, %dma_wait3A_1879, %dma_wait3A_1880] : memref<16384x50x32xf32, #tpu.memory_space<hbm>> -> memref<1x50x32xf32, #tpu.memory_space<hbm>>
      %dma_wait3A_1882 = tpu.memref_squeeze %dma_wait3A_1881 : memref<1x50x32xf32, #tpu.memory_space<hbm>> -> memref<50x32xf32, #tpu.memory_space<hbm>>
      %dma_wait3A_1883 = arith.constant 900 : i32
      %dma_wait3A_1884 = arith.constant 0 : i32
      %dma_wait3A_1885 = tpu.memref_slice %arg8[%dma_wait3A_1883, %dma_wait3A_1884] : memref<1600x32xf32, #tpu.memory_space<vmem>> -> memref<50x32xf32, #tpu.memory_space<vmem>>
      tpu.wait_dma2 semaphore(%arg12 : memref<!tpu.dma_semaphore, #tpu.memory_space<semaphore_mem>>) src(%dma_wait3A_1885 : memref<50x32xf32, #tpu.memory_space<vmem>>) dst(%dma_wait3A_1882 : memref<50x32xf32, #tpu.memory_space<hbm>>)
      %add3A_1886 = arith.constant 19 : i32
      %add3A_1887 = arith.addi %add3A_1069, %add3A_1886 : i32
      %dma_wait3A_1888 = arith.constant 950 : i32
      %dma_wait3A_1889 = arith.constant 0 : i32
      %dma_wait3A_1890 = tpu.memref_slice %arg8[%dma_wait3A_1888, %dma_wait3A_1889] : memref<1600x32xf32, #tpu.memory_space<vmem>> -> memref<50x32xf32, #tpu.memory_space<vmem>>
      %dma_wait3A_1891 = arith.constant 0 : i32
      %dma_wait3A_1892 = arith.constant 0 : i32
      %dma_wait3A_1893 = tpu.memref_slice %arg4[%add3A_1887, %dma_wait3A_1891, %dma_wait3A_1892] : memref<16384x50x32xf32, #tpu.memory_space<hbm>> -> memref<1x50x32xf32, #tpu.memory_space<hbm>>
      %dma_wait3A_1894 = tpu.memref_squeeze %dma_wait3A_1893 : memref<1x50x32xf32, #tpu.memory_space<hbm>> -> memref<50x32xf32, #tpu.memory_space<hbm>>
      %dma_wait3A_1895 = arith.constant 0 : i32
      %dma_wait3A_1896 = arith.constant 0 : i32
      %dma_wait3A_1897 = tpu.memref_slice %arg4[%add3A_1887, %dma_wait3A_1895, %dma_wait3A_1896] : memref<16384x50x32xf32, #tpu.memory_space<hbm>> -> memref<1x50x32xf32, #tpu.memory_space<hbm>>
      %dma_wait3A_1898 = tpu.memref_squeeze %dma_wait3A_1897 : memref<1x50x32xf32, #tpu.memory_space<hbm>> -> memref<50x32xf32, #tpu.memory_space<hbm>>
      %dma_wait3A_1899 = arith.constant 950 : i32
      %dma_wait3A_1900 = arith.constant 0 : i32
      %dma_wait3A_1901 = tpu.memref_slice %arg8[%dma_wait3A_1899, %dma_wait3A_1900] : memref<1600x32xf32, #tpu.memory_space<vmem>> -> memref<50x32xf32, #tpu.memory_space<vmem>>
      tpu.wait_dma2 semaphore(%arg12 : memref<!tpu.dma_semaphore, #tpu.memory_space<semaphore_mem>>) src(%dma_wait3A_1901 : memref<50x32xf32, #tpu.memory_space<vmem>>) dst(%dma_wait3A_1898 : memref<50x32xf32, #tpu.memory_space<hbm>>)
      %add3A_1902 = arith.constant 20 : i32
      %add3A_1903 = arith.addi %add3A_1069, %add3A_1902 : i32
      %dma_wait3A_1904 = arith.constant 1000 : i32
      %dma_wait3A_1905 = arith.constant 0 : i32
      %dma_wait3A_1906 = tpu.memref_slice %arg8[%dma_wait3A_1904, %dma_wait3A_1905] : memref<1600x32xf32, #tpu.memory_space<vmem>> -> memref<50x32xf32, #tpu.memory_space<vmem>>
      %dma_wait3A_1907 = arith.constant 0 : i32
      %dma_wait3A_1908 = arith.constant 0 : i32
      %dma_wait3A_1909 = tpu.memref_slice %arg4[%add3A_1903, %dma_wait3A_1907, %dma_wait3A_1908] : memref<16384x50x32xf32, #tpu.memory_space<hbm>> -> memref<1x50x32xf32, #tpu.memory_space<hbm>>
      %dma_wait3A_1910 = tpu.memref_squeeze %dma_wait3A_1909 : memref<1x50x32xf32, #tpu.memory_space<hbm>> -> memref<50x32xf32, #tpu.memory_space<hbm>>
      %dma_wait3A_1911 = arith.constant 0 : i32
      %dma_wait3A_1912 = arith.constant 0 : i32
      %dma_wait3A_1913 = tpu.memref_slice %arg4[%add3A_1903, %dma_wait3A_1911, %dma_wait3A_1912] : memref<16384x50x32xf32, #tpu.memory_space<hbm>> -> memref<1x50x32xf32, #tpu.memory_space<hbm>>
      %dma_wait3A_1914 = tpu.memref_squeeze %dma_wait3A_1913 : memref<1x50x32xf32, #tpu.memory_space<hbm>> -> memref<50x32xf32, #tpu.memory_space<hbm>>
      %dma_wait3A_1915 = arith.constant 1000 : i32
      %dma_wait3A_1916 = arith.constant 0 : i32
      %dma_wait3A_1917 = tpu.memref_slice %arg8[%dma_wait3A_1915, %dma_wait3A_1916] : memref<1600x32xf32, #tpu.memory_space<vmem>> -> memref<50x32xf32, #tpu.memory_space<vmem>>
      tpu.wait_dma2 semaphore(%arg12 : memref<!tpu.dma_semaphore, #tpu.memory_space<semaphore_mem>>) src(%dma_wait3A_1917 : memref<50x32xf32, #tpu.memory_space<vmem>>) dst(%dma_wait3A_1914 : memref<50x32xf32, #tpu.memory_space<hbm>>)
      %add3A_1918 = arith.constant 21 : i32
      %add3A_1919 = arith.addi %add3A_1069, %add3A_1918 : i32
      %dma_wait3A_1920 = arith.constant 1050 : i32
      %dma_wait3A_1921 = arith.constant 0 : i32
      %dma_wait3A_1922 = tpu.memref_slice %arg8[%dma_wait3A_1920, %dma_wait3A_1921] : memref<1600x32xf32, #tpu.memory_space<vmem>> -> memref<50x32xf32, #tpu.memory_space<vmem>>
      %dma_wait3A_1923 = arith.constant 0 : i32
      %dma_wait3A_1924 = arith.constant 0 : i32
      %dma_wait3A_1925 = tpu.memref_slice %arg4[%add3A_1919, %dma_wait3A_1923, %dma_wait3A_1924] : memref<16384x50x32xf32, #tpu.memory_space<hbm>> -> memref<1x50x32xf32, #tpu.memory_space<hbm>>
      %dma_wait3A_1926 = tpu.memref_squeeze %dma_wait3A_1925 : memref<1x50x32xf32, #tpu.memory_space<hbm>> -> memref<50x32xf32, #tpu.memory_space<hbm>>
      %dma_wait3A_1927 = arith.constant 0 : i32
      %dma_wait3A_1928 = arith.constant 0 : i32
      %dma_wait3A_1929 = tpu.memref_slice %arg4[%add3A_1919, %dma_wait3A_1927, %dma_wait3A_1928] : memref<16384x50x32xf32, #tpu.memory_space<hbm>> -> memref<1x50x32xf32, #tpu.memory_space<hbm>>
      %dma_wait3A_1930 = tpu.memref_squeeze %dma_wait3A_1929 : memref<1x50x32xf32, #tpu.memory_space<hbm>> -> memref<50x32xf32, #tpu.memory_space<hbm>>
      %dma_wait3A_1931 = arith.constant 1050 : i32
      %dma_wait3A_1932 = arith.constant 0 : i32
      %dma_wait3A_1933 = tpu.memref_slice %arg8[%dma_wait3A_1931, %dma_wait3A_1932] : memref<1600x32xf32, #tpu.memory_space<vmem>> -> memref<50x32xf32, #tpu.memory_space<vmem>>
      tpu.wait_dma2 semaphore(%arg12 : memref<!tpu.dma_semaphore, #tpu.memory_space<semaphore_mem>>) src(%dma_wait3A_1933 : memref<50x32xf32, #tpu.memory_space<vmem>>) dst(%dma_wait3A_1930 : memref<50x32xf32, #tpu.memory_space<hbm>>)
      %add3A_1934 = arith.constant 22 : i32
      %add3A_1935 = arith.addi %add3A_1069, %add3A_1934 : i32
      %dma_wait3A_1936 = arith.constant 1100 : i32
      %dma_wait3A_1937 = arith.constant 0 : i32
      %dma_wait3A_1938 = tpu.memref_slice %arg8[%dma_wait3A_1936, %dma_wait3A_1937] : memref<1600x32xf32, #tpu.memory_space<vmem>> -> memref<50x32xf32, #tpu.memory_space<vmem>>
      %dma_wait3A_1939 = arith.constant 0 : i32
      %dma_wait3A_1940 = arith.constant 0 : i32
      %dma_wait3A_1941 = tpu.memref_slice %arg4[%add3A_1935, %dma_wait3A_1939, %dma_wait3A_1940] : memref<16384x50x32xf32, #tpu.memory_space<hbm>> -> memref<1x50x32xf32, #tpu.memory_space<hbm>>
      %dma_wait3A_1942 = tpu.memref_squeeze %dma_wait3A_1941 : memref<1x50x32xf32, #tpu.memory_space<hbm>> -> memref<50x32xf32, #tpu.memory_space<hbm>>
      %dma_wait3A_1943 = arith.constant 0 : i32
      %dma_wait3A_1944 = arith.constant 0 : i32
      %dma_wait3A_1945 = tpu.memref_slice %arg4[%add3A_1935, %dma_wait3A_1943, %dma_wait3A_1944] : memref<16384x50x32xf32, #tpu.memory_space<hbm>> -> memref<1x50x32xf32, #tpu.memory_space<hbm>>
      %dma_wait3A_1946 = tpu.memref_squeeze %dma_wait3A_1945 : memref<1x50x32xf32, #tpu.memory_space<hbm>> -> memref<50x32xf32, #tpu.memory_space<hbm>>
      %dma_wait3A_1947 = arith.constant 1100 : i32
      %dma_wait3A_1948 = arith.constant 0 : i32
      %dma_wait3A_1949 = tpu.memref_slice %arg8[%dma_wait3A_1947, %dma_wait3A_1948] : memref<1600x32xf32, #tpu.memory_space<vmem>> -> memref<50x32xf32, #tpu.memory_space<vmem>>
      tpu.wait_dma2 semaphore(%arg12 : memref<!tpu.dma_semaphore, #tpu.memory_space<semaphore_mem>>) src(%dma_wait3A_1949 : memref<50x32xf32, #tpu.memory_space<vmem>>) dst(%dma_wait3A_1946 : memref<50x32xf32, #tpu.memory_space<hbm>>)
      %add3A_1950 = arith.constant 23 : i32
      %add3A_1951 = arith.addi %add3A_1069, %add3A_1950 : i32
      %dma_wait3A_1952 = arith.constant 1150 : i32
      %dma_wait3A_1953 = arith.constant 0 : i32
      %dma_wait3A_1954 = tpu.memref_slice %arg8[%dma_wait3A_1952, %dma_wait3A_1953] : memref<1600x32xf32, #tpu.memory_space<vmem>> -> memref<50x32xf32, #tpu.memory_space<vmem>>
      %dma_wait3A_1955 = arith.constant 0 : i32
      %dma_wait3A_1956 = arith.constant 0 : i32
      %dma_wait3A_1957 = tpu.memref_slice %arg4[%add3A_1951, %dma_wait3A_1955, %dma_wait3A_1956] : memref<16384x50x32xf32, #tpu.memory_space<hbm>> -> memref<1x50x32xf32, #tpu.memory_space<hbm>>
      %dma_wait3A_1958 = tpu.memref_squeeze %dma_wait3A_1957 : memref<1x50x32xf32, #tpu.memory_space<hbm>> -> memref<50x32xf32, #tpu.memory_space<hbm>>
      %dma_wait3A_1959 = arith.constant 0 : i32
      %dma_wait3A_1960 = arith.constant 0 : i32
      %dma_wait3A_1961 = tpu.memref_slice %arg4[%add3A_1951, %dma_wait3A_1959, %dma_wait3A_1960] : memref<16384x50x32xf32, #tpu.memory_space<hbm>> -> memref<1x50x32xf32, #tpu.memory_space<hbm>>
      %dma_wait3A_1962 = tpu.memref_squeeze %dma_wait3A_1961 : memref<1x50x32xf32, #tpu.memory_space<hbm>> -> memref<50x32xf32, #tpu.memory_space<hbm>>
      %dma_wait3A_1963 = arith.constant 1150 : i32
      %dma_wait3A_1964 = arith.constant 0 : i32
      %dma_wait3A_1965 = tpu.memref_slice %arg8[%dma_wait3A_1963, %dma_wait3A_1964] : memref<1600x32xf32, #tpu.memory_space<vmem>> -> memref<50x32xf32, #tpu.memory_space<vmem>>
      tpu.wait_dma2 semaphore(%arg12 : memref<!tpu.dma_semaphore, #tpu.memory_space<semaphore_mem>>) src(%dma_wait3A_1965 : memref<50x32xf32, #tpu.memory_space<vmem>>) dst(%dma_wait3A_1962 : memref<50x32xf32, #tpu.memory_space<hbm>>)
      %add3A_1966 = arith.constant 24 : i32
      %add3A_1967 = arith.addi %add3A_1069, %add3A_1966 : i32
      %dma_wait3A_1968 = arith.constant 1200 : i32
      %dma_wait3A_1969 = arith.constant 0 : i32
      %dma_wait3A_1970 = tpu.memref_slice %arg8[%dma_wait3A_1968, %dma_wait3A_1969] : memref<1600x32xf32, #tpu.memory_space<vmem>> -> memref<50x32xf32, #tpu.memory_space<vmem>>
      %dma_wait3A_1971 = arith.constant 0 : i32
      %dma_wait3A_1972 = arith.constant 0 : i32
      %dma_wait3A_1973 = tpu.memref_slice %arg4[%add3A_1967, %dma_wait3A_1971, %dma_wait3A_1972] : memref<16384x50x32xf32, #tpu.memory_space<hbm>> -> memref<1x50x32xf32, #tpu.memory_space<hbm>>
      %dma_wait3A_1974 = tpu.memref_squeeze %dma_wait3A_1973 : memref<1x50x32xf32, #tpu.memory_space<hbm>> -> memref<50x32xf32, #tpu.memory_space<hbm>>
      %dma_wait3A_1975 = arith.constant 0 : i32
      %dma_wait3A_1976 = arith.constant 0 : i32
      %dma_wait3A_1977 = tpu.memref_slice %arg4[%add3A_1967, %dma_wait3A_1975, %dma_wait3A_1976] : memref<16384x50x32xf32, #tpu.memory_space<hbm>> -> memref<1x50x32xf32, #tpu.memory_space<hbm>>
      %dma_wait3A_1978 = tpu.memref_squeeze %dma_wait3A_1977 : memref<1x50x32xf32, #tpu.memory_space<hbm>> -> memref<50x32xf32, #tpu.memory_space<hbm>>
      %dma_wait3A_1979 = arith.constant 1200 : i32
      %dma_wait3A_1980 = arith.constant 0 : i32
      %dma_wait3A_1981 = tpu.memref_slice %arg8[%dma_wait3A_1979, %dma_wait3A_1980] : memref<1600x32xf32, #tpu.memory_space<vmem>> -> memref<50x32xf32, #tpu.memory_space<vmem>>
      tpu.wait_dma2 semaphore(%arg12 : memref<!tpu.dma_semaphore, #tpu.memory_space<semaphore_mem>>) src(%dma_wait3A_1981 : memref<50x32xf32, #tpu.memory_space<vmem>>) dst(%dma_wait3A_1978 : memref<50x32xf32, #tpu.memory_space<hbm>>)
      %add3A_1982 = arith.constant 25 : i32
      %add3A_1983 = arith.addi %add3A_1069, %add3A_1982 : i32
      %dma_wait3A_1984 = arith.constant 1250 : i32
      %dma_wait3A_1985 = arith.constant 0 : i32
      %dma_wait3A_1986 = tpu.memref_slice %arg8[%dma_wait3A_1984, %dma_wait3A_1985] : memref<1600x32xf32, #tpu.memory_space<vmem>> -> memref<50x32xf32, #tpu.memory_space<vmem>>
      %dma_wait3A_1987 = arith.constant 0 : i32
      %dma_wait3A_1988 = arith.constant 0 : i32
      %dma_wait3A_1989 = tpu.memref_slice %arg4[%add3A_1983, %dma_wait3A_1987, %dma_wait3A_1988] : memref<16384x50x32xf32, #tpu.memory_space<hbm>> -> memref<1x50x32xf32, #tpu.memory_space<hbm>>
      %dma_wait3A_1990 = tpu.memref_squeeze %dma_wait3A_1989 : memref<1x50x32xf32, #tpu.memory_space<hbm>> -> memref<50x32xf32, #tpu.memory_space<hbm>>
      %dma_wait3A_1991 = arith.constant 0 : i32
      %dma_wait3A_1992 = arith.constant 0 : i32
      %dma_wait3A_1993 = tpu.memref_slice %arg4[%add3A_1983, %dma_wait3A_1991, %dma_wait3A_1992] : memref<16384x50x32xf32, #tpu.memory_space<hbm>> -> memref<1x50x32xf32, #tpu.memory_space<hbm>>
      %dma_wait3A_1994 = tpu.memref_squeeze %dma_wait3A_1993 : memref<1x50x32xf32, #tpu.memory_space<hbm>> -> memref<50x32xf32, #tpu.memory_space<hbm>>
      %dma_wait3A_1995 = arith.constant 1250 : i32
      %dma_wait3A_1996 = arith.constant 0 : i32
      %dma_wait3A_1997 = tpu.memref_slice %arg8[%dma_wait3A_1995, %dma_wait3A_1996] : memref<1600x32xf32, #tpu.memory_space<vmem>> -> memref<50x32xf32, #tpu.memory_space<vmem>>
      tpu.wait_dma2 semaphore(%arg12 : memref<!tpu.dma_semaphore, #tpu.memory_space<semaphore_mem>>) src(%dma_wait3A_1997 : memref<50x32xf32, #tpu.memory_space<vmem>>) dst(%dma_wait3A_1994 : memref<50x32xf32, #tpu.memory_space<hbm>>)
      %add3A_1998 = arith.constant 26 : i32
      %add3A_1999 = arith.addi %add3A_1069, %add3A_1998 : i32
      %dma_wait3A_2000 = arith.constant 1300 : i32
      %dma_wait3A_2001 = arith.constant 0 : i32
      %dma_wait3A_2002 = tpu.memref_slice %arg8[%dma_wait3A_2000, %dma_wait3A_2001] : memref<1600x32xf32, #tpu.memory_space<vmem>> -> memref<50x32xf32, #tpu.memory_space<vmem>>
      %dma_wait3A_2003 = arith.constant 0 : i32
      %dma_wait3A_2004 = arith.constant 0 : i32
      %dma_wait3A_2005 = tpu.memref_slice %arg4[%add3A_1999, %dma_wait3A_2003, %dma_wait3A_2004] : memref<16384x50x32xf32, #tpu.memory_space<hbm>> -> memref<1x50x32xf32, #tpu.memory_space<hbm>>
      %dma_wait3A_2006 = tpu.memref_squeeze %dma_wait3A_2005 : memref<1x50x32xf32, #tpu.memory_space<hbm>> -> memref<50x32xf32, #tpu.memory_space<hbm>>
      %dma_wait3A_2007 = arith.constant 0 : i32
      %dma_wait3A_2008 = arith.constant 0 : i32
      %dma_wait3A_2009 = tpu.memref_slice %arg4[%add3A_1999, %dma_wait3A_2007, %dma_wait3A_2008] : memref<16384x50x32xf32, #tpu.memory_space<hbm>> -> memref<1x50x32xf32, #tpu.memory_space<hbm>>
      %dma_wait3A_2010 = tpu.memref_squeeze %dma_wait3A_2009 : memref<1x50x32xf32, #tpu.memory_space<hbm>> -> memref<50x32xf32, #tpu.memory_space<hbm>>
      %dma_wait3A_2011 = arith.constant 1300 : i32
      %dma_wait3A_2012 = arith.constant 0 : i32
      %dma_wait3A_2013 = tpu.memref_slice %arg8[%dma_wait3A_2011, %dma_wait3A_2012] : memref<1600x32xf32, #tpu.memory_space<vmem>> -> memref<50x32xf32, #tpu.memory_space<vmem>>
      tpu.wait_dma2 semaphore(%arg12 : memref<!tpu.dma_semaphore, #tpu.memory_space<semaphore_mem>>) src(%dma_wait3A_2013 : memref<50x32xf32, #tpu.memory_space<vmem>>) dst(%dma_wait3A_2010 : memref<50x32xf32, #tpu.memory_space<hbm>>)
      %add3A_2014 = arith.constant 27 : i32
      %add3A_2015 = arith.addi %add3A_1069, %add3A_2014 : i32
      %dma_wait3A_2016 = arith.constant 1350 : i32
      %dma_wait3A_2017 = arith.constant 0 : i32
      %dma_wait3A_2018 = tpu.memref_slice %arg8[%dma_wait3A_2016, %dma_wait3A_2017] : memref<1600x32xf32, #tpu.memory_space<vmem>> -> memref<50x32xf32, #tpu.memory_space<vmem>>
      %dma_wait3A_2019 = arith.constant 0 : i32
      %dma_wait3A_2020 = arith.constant 0 : i32
      %dma_wait3A_2021 = tpu.memref_slice %arg4[%add3A_2015, %dma_wait3A_2019, %dma_wait3A_2020] : memref<16384x50x32xf32, #tpu.memory_space<hbm>> -> memref<1x50x32xf32, #tpu.memory_space<hbm>>
      %dma_wait3A_2022 = tpu.memref_squeeze %dma_wait3A_2021 : memref<1x50x32xf32, #tpu.memory_space<hbm>> -> memref<50x32xf32, #tpu.memory_space<hbm>>
      %dma_wait3A_2023 = arith.constant 0 : i32
      %dma_wait3A_2024 = arith.constant 0 : i32
      %dma_wait3A_2025 = tpu.memref_slice %arg4[%add3A_2015, %dma_wait3A_2023, %dma_wait3A_2024] : memref<16384x50x32xf32, #tpu.memory_space<hbm>> -> memref<1x50x32xf32, #tpu.memory_space<hbm>>
      %dma_wait3A_2026 = tpu.memref_squeeze %dma_wait3A_2025 : memref<1x50x32xf32, #tpu.memory_space<hbm>> -> memref<50x32xf32, #tpu.memory_space<hbm>>
      %dma_wait3A_2027 = arith.constant 1350 : i32
      %dma_wait3A_2028 = arith.constant 0 : i32
      %dma_wait3A_2029 = tpu.memref_slice %arg8[%dma_wait3A_2027, %dma_wait3A_2028] : memref<1600x32xf32, #tpu.memory_space<vmem>> -> memref<50x32xf32, #tpu.memory_space<vmem>>
      tpu.wait_dma2 semaphore(%arg12 : memref<!tpu.dma_semaphore, #tpu.memory_space<semaphore_mem>>) src(%dma_wait3A_2029 : memref<50x32xf32, #tpu.memory_space<vmem>>) dst(%dma_wait3A_2026 : memref<50x32xf32, #tpu.memory_space<hbm>>)
      %add3A_2030 = arith.constant 28 : i32
      %add3A_2031 = arith.addi %add3A_1069, %add3A_2030 : i32
      %dma_wait3A_2032 = arith.constant 1400 : i32
      %dma_wait3A_2033 = arith.constant 0 : i32
      %dma_wait3A_2034 = tpu.memref_slice %arg8[%dma_wait3A_2032, %dma_wait3A_2033] : memref<1600x32xf32, #tpu.memory_space<vmem>> -> memref<50x32xf32, #tpu.memory_space<vmem>>
      %dma_wait3A_2035 = arith.constant 0 : i32
      %dma_wait3A_2036 = arith.constant 0 : i32
      %dma_wait3A_2037 = tpu.memref_slice %arg4[%add3A_2031, %dma_wait3A_2035, %dma_wait3A_2036] : memref<16384x50x32xf32, #tpu.memory_space<hbm>> -> memref<1x50x32xf32, #tpu.memory_space<hbm>>
      %dma_wait3A_2038 = tpu.memref_squeeze %dma_wait3A_2037 : memref<1x50x32xf32, #tpu.memory_space<hbm>> -> memref<50x32xf32, #tpu.memory_space<hbm>>
      %dma_wait3A_2039 = arith.constant 0 : i32
      %dma_wait3A_2040 = arith.constant 0 : i32
      %dma_wait3A_2041 = tpu.memref_slice %arg4[%add3A_2031, %dma_wait3A_2039, %dma_wait3A_2040] : memref<16384x50x32xf32, #tpu.memory_space<hbm>> -> memref<1x50x32xf32, #tpu.memory_space<hbm>>
      %dma_wait3A_2042 = tpu.memref_squeeze %dma_wait3A_2041 : memref<1x50x32xf32, #tpu.memory_space<hbm>> -> memref<50x32xf32, #tpu.memory_space<hbm>>
      %dma_wait3A_2043 = arith.constant 1400 : i32
      %dma_wait3A_2044 = arith.constant 0 : i32
      %dma_wait3A_2045 = tpu.memref_slice %arg8[%dma_wait3A_2043, %dma_wait3A_2044] : memref<1600x32xf32, #tpu.memory_space<vmem>> -> memref<50x32xf32, #tpu.memory_space<vmem>>
      tpu.wait_dma2 semaphore(%arg12 : memref<!tpu.dma_semaphore, #tpu.memory_space<semaphore_mem>>) src(%dma_wait3A_2045 : memref<50x32xf32, #tpu.memory_space<vmem>>) dst(%dma_wait3A_2042 : memref<50x32xf32, #tpu.memory_space<hbm>>)
      %add3A_2046 = arith.constant 29 : i32
      %add3A_2047 = arith.addi %add3A_1069, %add3A_2046 : i32
      %dma_wait3A_2048 = arith.constant 1450 : i32
      %dma_wait3A_2049 = arith.constant 0 : i32
      %dma_wait3A_2050 = tpu.memref_slice %arg8[%dma_wait3A_2048, %dma_wait3A_2049] : memref<1600x32xf32, #tpu.memory_space<vmem>> -> memref<50x32xf32, #tpu.memory_space<vmem>>
      %dma_wait3A_2051 = arith.constant 0 : i32
      %dma_wait3A_2052 = arith.constant 0 : i32
      %dma_wait3A_2053 = tpu.memref_slice %arg4[%add3A_2047, %dma_wait3A_2051, %dma_wait3A_2052] : memref<16384x50x32xf32, #tpu.memory_space<hbm>> -> memref<1x50x32xf32, #tpu.memory_space<hbm>>
      %dma_wait3A_2054 = tpu.memref_squeeze %dma_wait3A_2053 : memref<1x50x32xf32, #tpu.memory_space<hbm>> -> memref<50x32xf32, #tpu.memory_space<hbm>>
      %dma_wait3A_2055 = arith.constant 0 : i32
      %dma_wait3A_2056 = arith.constant 0 : i32
      %dma_wait3A_2057 = tpu.memref_slice %arg4[%add3A_2047, %dma_wait3A_2055, %dma_wait3A_2056] : memref<16384x50x32xf32, #tpu.memory_space<hbm>> -> memref<1x50x32xf32, #tpu.memory_space<hbm>>
      %dma_wait3A_2058 = tpu.memref_squeeze %dma_wait3A_2057 : memref<1x50x32xf32, #tpu.memory_space<hbm>> -> memref<50x32xf32, #tpu.memory_space<hbm>>
      %dma_wait3A_2059 = arith.constant 1450 : i32
      %dma_wait3A_2060 = arith.constant 0 : i32
      %dma_wait3A_2061 = tpu.memref_slice %arg8[%dma_wait3A_2059, %dma_wait3A_2060] : memref<1600x32xf32, #tpu.memory_space<vmem>> -> memref<50x32xf32, #tpu.memory_space<vmem>>
      tpu.wait_dma2 semaphore(%arg12 : memref<!tpu.dma_semaphore, #tpu.memory_space<semaphore_mem>>) src(%dma_wait3A_2061 : memref<50x32xf32, #tpu.memory_space<vmem>>) dst(%dma_wait3A_2058 : memref<50x32xf32, #tpu.memory_space<hbm>>)
      %add3A_2062 = arith.constant 30 : i32
      %add3A_2063 = arith.addi %add3A_1069, %add3A_2062 : i32
      %dma_wait3A_2064 = arith.constant 1500 : i32
      %dma_wait3A_2065 = arith.constant 0 : i32
      %dma_wait3A_2066 = tpu.memref_slice %arg8[%dma_wait3A_2064, %dma_wait3A_2065] : memref<1600x32xf32, #tpu.memory_space<vmem>> -> memref<50x32xf32, #tpu.memory_space<vmem>>
      %dma_wait3A_2067 = arith.constant 0 : i32
      %dma_wait3A_2068 = arith.constant 0 : i32
      %dma_wait3A_2069 = tpu.memref_slice %arg4[%add3A_2063, %dma_wait3A_2067, %dma_wait3A_2068] : memref<16384x50x32xf32, #tpu.memory_space<hbm>> -> memref<1x50x32xf32, #tpu.memory_space<hbm>>
      %dma_wait3A_2070 = tpu.memref_squeeze %dma_wait3A_2069 : memref<1x50x32xf32, #tpu.memory_space<hbm>> -> memref<50x32xf32, #tpu.memory_space<hbm>>
      %dma_wait3A_2071 = arith.constant 0 : i32
      %dma_wait3A_2072 = arith.constant 0 : i32
      %dma_wait3A_2073 = tpu.memref_slice %arg4[%add3A_2063, %dma_wait3A_2071, %dma_wait3A_2072] : memref<16384x50x32xf32, #tpu.memory_space<hbm>> -> memref<1x50x32xf32, #tpu.memory_space<hbm>>
      %dma_wait3A_2074 = tpu.memref_squeeze %dma_wait3A_2073 : memref<1x50x32xf32, #tpu.memory_space<hbm>> -> memref<50x32xf32, #tpu.memory_space<hbm>>
      %dma_wait3A_2075 = arith.constant 1500 : i32
      %dma_wait3A_2076 = arith.constant 0 : i32
      %dma_wait3A_2077 = tpu.memref_slice %arg8[%dma_wait3A_2075, %dma_wait3A_2076] : memref<1600x32xf32, #tpu.memory_space<vmem>> -> memref<50x32xf32, #tpu.memory_space<vmem>>
      tpu.wait_dma2 semaphore(%arg12 : memref<!tpu.dma_semaphore, #tpu.memory_space<semaphore_mem>>) src(%dma_wait3A_2077 : memref<50x32xf32, #tpu.memory_space<vmem>>) dst(%dma_wait3A_2074 : memref<50x32xf32, #tpu.memory_space<hbm>>)
      %add3A_2078 = arith.constant 31 : i32
      %add3A_2079 = arith.addi %add3A_1069, %add3A_2078 : i32
      %dma_wait3A_2080 = arith.constant 1550 : i32
      %dma_wait3A_2081 = arith.constant 0 : i32
      %dma_wait3A_2082 = tpu.memref_slice %arg8[%dma_wait3A_2080, %dma_wait3A_2081] : memref<1600x32xf32, #tpu.memory_space<vmem>> -> memref<50x32xf32, #tpu.memory_space<vmem>>
      %dma_wait3A_2083 = arith.constant 0 : i32
      %dma_wait3A_2084 = arith.constant 0 : i32
      %dma_wait3A_2085 = tpu.memref_slice %arg4[%add3A_2079, %dma_wait3A_2083, %dma_wait3A_2084] : memref<16384x50x32xf32, #tpu.memory_space<hbm>> -> memref<1x50x32xf32, #tpu.memory_space<hbm>>
      %dma_wait3A_2086 = tpu.memref_squeeze %dma_wait3A_2085 : memref<1x50x32xf32, #tpu.memory_space<hbm>> -> memref<50x32xf32, #tpu.memory_space<hbm>>
      %dma_wait3A_2087 = arith.constant 0 : i32
      %dma_wait3A_2088 = arith.constant 0 : i32
      %dma_wait3A_2089 = tpu.memref_slice %arg4[%add3A_2079, %dma_wait3A_2087, %dma_wait3A_2088] : memref<16384x50x32xf32, #tpu.memory_space<hbm>> -> memref<1x50x32xf32, #tpu.memory_space<hbm>>
      %dma_wait3A_2090 = tpu.memref_squeeze %dma_wait3A_2089 : memref<1x50x32xf32, #tpu.memory_space<hbm>> -> memref<50x32xf32, #tpu.memory_space<hbm>>
      %dma_wait3A_2091 = arith.constant 1550 : i32
      %dma_wait3A_2092 = arith.constant 0 : i32
      %dma_wait3A_2093 = tpu.memref_slice %arg8[%dma_wait3A_2091, %dma_wait3A_2092] : memref<1600x32xf32, #tpu.memory_space<vmem>> -> memref<50x32xf32, #tpu.memory_space<vmem>>
      tpu.wait_dma2 semaphore(%arg12 : memref<!tpu.dma_semaphore, #tpu.memory_space<semaphore_mem>>) src(%dma_wait3A_2093 : memref<50x32xf32, #tpu.memory_space<vmem>>) dst(%dma_wait3A_2090 : memref<50x32xf32, #tpu.memory_space<hbm>>)
      %add3A_2094 = arith.constant 2 : i32
      %add3A_2095 = arith.addi %add3A_1063, %add3A_2094 : i32
      %lt3A_2096 = arith.constant 16 : i32
      %lt3A_2097 = arith.cmpi slt, %add3A_2095, %lt3A_2096 : i32
      %convert_element_type3A_2098 = arith.extui %lt3A_2097 : i1 to i32
      %cond3A_2099 = arith.constant 0 : i32
      %cond3A_2100 = arith.cmpi ne, %convert_element_type3A_2098, %cond3A_2099 : i32
      scf.if %cond3A_2100 {
        %add3A_2102 = arith.constant 2 : i32
        %add3A_2103 = arith.addi %add3A_1063, %add3A_2102 : i32
        %mul3A_2104 = arith.constant 1600 : i32
        %mul3A_2105 = arith.muli %add3A_2103, %mul3A_2104 : i32
        %add3A_2106 = arith.addi %mul3A_4, %mul3A_2105 : i32
        %multiple_of3A_2107 = tpu.assume_multiple %add3A_2106, 8 : i32
        "tpu.region"() ({
          %run_scoped3A = tpu.sem_alloc : memref<!tpu.dma_semaphore, #tpu.memory_space<semaphore_mem>>
          %dma_start3A_2111 = tpu.memref_slice %arg2[%multiple_of3A_2107] : memref<819200xi32, #tpu.memory_space<hbm>> -> memref<1600xi32, #tpu.memory_space<hbm>>
          %dma_start3A_2112 = tpu.memref_slice %arg2[%multiple_of3A_2107] : memref<819200xi32, #tpu.memory_space<hbm>> -> memref<1600xi32, #tpu.memory_space<hbm>>
          tpu.enqueue_dma source(%dma_start3A_2112 : memref<1600xi32, #tpu.memory_space<hbm>>) target(%arg6 : memref<1600xi32, #tpu.memory_space<vmem>>) target_semaphore(%run_scoped3A : memref<!tpu.dma_semaphore, #tpu.memory_space<semaphore_mem>>)
          %dma_wait3A_2113 = tpu.memref_slice %arg2[%multiple_of3A_2107] : memref<819200xi32, #tpu.memory_space<hbm>> -> memref<1600xi32, #tpu.memory_space<hbm>>
          %dma_wait3A_2114 = tpu.memref_slice %arg2[%multiple_of3A_2107] : memref<819200xi32, #tpu.memory_space<hbm>> -> memref<1600xi32, #tpu.memory_space<hbm>>
          tpu.wait_dma2 semaphore(%run_scoped3A : memref<!tpu.dma_semaphore, #tpu.memory_space<semaphore_mem>>) src(%dma_wait3A_2114 : memref<1600xi32, #tpu.memory_space<hbm>>) dst(%arg6 : memref<1600xi32, #tpu.memory_space<vmem>>)
          tpu.yield
        }) : () -> ()
        %dma_start3A_2108 = arith.constant 0 : i32
        %dma_start3A_2109 = arith.constant 0 : i32
        %dma_start3A_2110 = tpu.memref_slice %arg3[%dma_start3A_2108, %dma_start3A_2109] : memref<1000000x32xf32, #tpu.memory_space<hbm>> -> memref<1000000x32xf32, #tpu.memory_space<hbm>>
        tpu.enqueue_indirect_dma source(%dma_start3A_2110 : memref<1000000x32xf32, #tpu.memory_space<hbm>>) target(%arg8 : memref<1600x32xf32, #tpu.memory_space<vmem>>) offsets(%arg6 : memref<1600xi32, #tpu.memory_space<vmem>>) semaphore(%arg10 : memref<!tpu.dma_semaphore, #tpu.memory_space<semaphore_mem>>)
      } else {
      }
      %scan3A_2101 = arith.constant 0 : i32
      scf.yield %scan3A_2101 : i32
    }
    %scan3A_20 = arith.constant 8 : i32
    return
  }
}

</mosaic_0001>

<sc_bundles>
// kernel: _emb_lookup.3.cloned.1.call-start
scs
__scs_entry_jumppad:
0x0: {  	(pc) =	sbr.rel $0x88, $3  }
0x1: {  	(tag) =	ssettag $0x0;
	lr =	simm.s32 $0x1  }
0x2: {  	[smem:$0x3F9F] =	sst lr;
	_ =	strace $0xD0000000  }
0x3: {  	_ = 	snop  }
0x4: {  	_ = 	snop  }
0x5: {  	_ = 	snop  }
0x6: {  	_ = 	snop  }
0x7: {  	_ = 	snop  }
__scs_overlays_trampoline_lowered:
0x8: {  	[smem:$0x3FAE] =	sst s0  }
0x9: {  	[smem:$0x3FAF] =	sst s1  }
0xa: {  	[smem:$0x3FB0] =	sst s2  }
0xb: {  	[smem:$0x3FB1] =	sst s3  }
0xc: {  	[smem:$0x3FB2] =	sst s4  }
0xd: {  	[smem:$0x3FB3] =	sst s5  }
0xe: {  	[smem:$0x3FB4] =	sst s6  }
0xf: {  	[smem:$0x3FB5] =	sst s7  }
0x10: {  	[smem:$0x3FB6] =	sst s8  }
0x11: {  	[smem:$0x3FB7] =	sst s9;
	s0 =	simm.s32 @!p0 $0x0  }
0x12: {  	s1 =	sld [smem:$0x3F9D];
	s0 =	simm.s32 @p0 $0x1  }
0x13: {  	[smem:$0x3FB8] =	sst s0;
	s0 =	simm.s32 @!p1 $0x0  }
0x14: {  	s2 =	sld [smem:$0x3F9C];
	s0 =	simm.s32 @p1 $0x1  }
0x15: {  	[smem:$0x3FB9] =	sst s0;
	s0 =	simm.s32 @!p2 $0x0  }
0x16: {  	s3 =	sld [smem:$0x3FDB];
	s0 =	simm.s32 @p2 $0x1  }
0x17: {  	s4 =	simm.s32 $0x1BF5;
	[smem:$0x3FBB] =	sst s0  }
0x18: {  	s0 =	sld [smem:$0x3F9E];
	_ =	swait.ge [sflag:s4], $0x0  }
0x19: {  	s7 =	sld [smem:$0x3F9F]  }
0x1a: {  	s8 =	sadd.s32 $0xFFFFE003, lr  }
0x1b: {  	s9 =	sadd.s32 $0xFFFFFEF7, lr;
	s5 =	simm.s32 $0xFFFFFFFF;
	p2 =	slt.u32 s8, $0xFFFFF086  }
0x1c: {  	p1 =	slt.u32 s9, $0xF7A;
	s5 =	simm.s32 @!p2 $0x0  }
0x1d: {  	s5 =	simm.s32 @p1 $0x1;
	p0 =	seq.s32 s7, s2  }
0x1e: {  	s7 =	smul.u32 @!p0 $0xF7A, s2;
	p2 =	seq.s32 @!p0 s5, $0x0  }
0x1f: {  	s9 =	smul.u32 $0xF7A, s1;
	s8 =	simm.s32 @!p0 $0x1BF5;
	p2 =	por !p2, p0  }
0x20: {  	[sflag:s8] =	ssyncset.s32 @!p0 $0xFFFFF086;
	s6 =	sadd.s32 @!p0 s3, s7;
	s7 =	simm.s32 @!p0 $0x108  }
0x21: {  	s3 =	sadd.s32 s3, s9;
	s6 =	sadd.s32 @!p0 $0x88, s6;
	s7 =	simm.s32 @p2 $0x1082  }
0x22: {  	[simem:s7], [sflag:s8] =	dma.local @!p0 [hbm:s6], $0xF7A  }
0x23: {  	s9 =	sor.u32 $0xD0000000, s2;
	s6 =	simm.s32 $0x108;
	_ =	swait.ge @!p0 [sflag:s8], $0x0  }
0x24: {  	s3 =	sadd.s32 $0x88, s3;
	s6 =	simm.s32 @!p1 $0x1082;
	[sflag:s4] =	ssyncset.s32 $0xFFFFF086  }
0x25: {  	[simem:s6], [sflag:s4] =	dma.local [hbm:s3], $0xF7A  }
0x26: {  	[smem:$0x3F9F] =	sst s1;
	(tag) =	ssettag s2;
	_ =	strace s9  }
0x27: {  	s1 =	sld [smem:$0x3FAF]  }
0x28: {  	s2 =	sld [smem:$0x3FB0]  }
0x29: {  	s4 =	sld [smem:$0x3FB2]  }
0x2a: {  	p0 =	seq.s32 s5, $0x0;
	s5 =	sld [smem:$0x3FB3]  }
0x2b: {  	s6 =	sld [smem:$0x3FB4]  }
0x2c: {  	s7 =	sld [smem:$0x3FB5]  }
0x2d: {  	s3 =	simm.s32 $0x108;
	s8 =	sld [smem:$0x3FB6]  }
0x2e: {  	s3 =	simm.s32 @!p0 $0x1082;
	s9 =	sld [smem:$0x3FB7]  }
0x2f: {  	lr =	sadd.s32 s0, s3;
	s0 =	sld [smem:$0x3FAE]  }
0x30: {  	s3 =	sld [smem:$0x3FB1]  }
0x31: {  	[smem:$0x3FBA] =	sst s10  }
0x32: {  	s10 =	sld [smem:$0x3FB8];
	_ =	sdelay $0x3  }
0x33: {  	p0 =	seq.s32 s10, $0x1;
	s10 =	sld [smem:$0x3FBA];
	_ =	sdelay $0x3  }
0x34: {  	[smem:$0x3FBA] =	sst s10  }
0x35: {  	s10 =	sld [smem:$0x3FB9];
	_ =	sdelay $0x3  }
0x36: {  	p1 =	seq.s32 s10, $0x1;
	s10 =	sld [smem:$0x3FBA];
	_ =	sdelay $0x3  }
0x37: {  	[smem:$0x3FBA] =	sst s10  }
0x38: {  	s10 =	sld [smem:$0x3FBB]  }
0x39: {  	_ = 	snop;
	(pc) =	sbr.ind lr, $3  }
0x3a: {  	_ = 	snop  }
0x3b: {  	_ = 	snop  }
0x3c: {  	p2 =	seq.s32 s10, $0x1;
	s10 =	sld [smem:$0x3FBA]  }
0x3d: {  	_ =	shalt  }
0x3e: {  	_ =	shalt  }
0x3f: {  	_ =	shalt  }
0x40: {  	_ =	shalt  }
0x41: {  	_ =	shalt  }
0x42: {  	_ =	shalt  }
0x43: {  	_ =	shalt  }
0x44: {  	_ =	shalt  }
0x45: {  	_ =	shalt  }
0x46: {  	_ =	shalt  }
0x47: {  	_ =	shalt  }
0x48: {  	_ =	shalt  }
0x49: {  	_ =	shalt  }
0x4a: {  	_ =	shalt  }
0x4b: {  	_ =	shalt  }
0x4c: {  	_ =	shalt  }
0x4d: {  	_ =	shalt  }
0x4e: {  	_ =	shalt  }
0x4f: {  	_ =	shalt  }
0x50: {  	_ =	shalt  }
0x51: {  	_ =	shalt  }
0x52: {  	_ =	shalt  }
0x53: {  	_ =	shalt  }
0x54: {  	_ =	shalt  }
0x55: {  	_ =	shalt  }
0x56: {  	_ =	shalt  }
0x57: {  	_ =	shalt  }
0x58: {  	_ =	shalt  }
0x59: {  	_ =	shalt  }
0x5a: {  	_ =	shalt  }
0x5b: {  	_ =	shalt  }
0x5c: {  	_ =	shalt  }
0x5d: {  	_ =	shalt  }
0x5e: {  	_ =	shalt  }
0x5f: {  	_ =	shalt  }
0x60: {  	_ =	shalt  }
0x61: {  	_ =	shalt  }
0x62: {  	_ =	shalt  }
0x63: {  	_ =	shalt  }
0x64: {  	_ =	shalt  }
0x65: {  	_ =	shalt  }
0x66: {  	_ =	shalt  }
0x67: {  	_ =	shalt  }
0x68: {  	_ =	shalt  }
0x69: {  	_ =	shalt  }
0x6a: {  	_ =	shalt  }
0x6b: {  	_ =	shalt  }
0x6c: {  	_ =	shalt  }
0x6d: {  	_ =	shalt  }
0x6e: {  	_ =	shalt  }
0x6f: {  	_ =	shalt  }
0x70: {  	_ =	shalt  }
0x71: {  	_ =	shalt  }
0x72: {  	_ =	shalt  }
0x73: {  	_ =	shalt  }
0x74: {  	_ =	shalt  }
0x75: {  	_ =	shalt  }
0x76: {  	_ =	shalt  }
0x77: {  	_ =	shalt  }
0x78: {  	_ =	shalt  }
0x79: {  	_ =	shalt  }
0x7a: {  	_ =	shalt  }
0x7b: {  	_ =	shalt  }
0x7c: {  	_ =	shalt  }
0x7d: {  	_ =	shalt  }
0x7e: {  	_ =	shalt  }
0x7f: {  	_ =	shalt  }
0x80: {  	_ =	shalt  }
0x81: {  	_ =	shalt  }
0x82: {  	_ =	shalt  }
0x83: {  	_ =	shalt  }
0x84: {  	_ =	shalt  }
0x85: {  	_ =	shalt  }
0x86: {  	_ =	shalt  }
0x87: {  	_ =	shalt  }
.Lfunc_end0:
.L_simem_size_0:
called_computation.1_lowered:
.L_overlay_start_0:
0x88: {  	s2 =	sld [smem:$0x3FD9]  }
0x89: {  	s3 =	sld [smem:$0x3FFE];
	_ =	sdelay $0x1  }
0x8a: {  	s1 =	srdreg.scid  }
0x8b: {  	s0 =	sand.u32 $0x1, s1  }
0x8c: {  	s17 =	sshll.u32 s0, $0xA;
	s2 =	sadd.s32 s3, s2  }
0x8d: {  	s2 =	sadd.s32 s2, s17  }
0x8e: {  	[smem:$0x3FC6] =	sst s2  }
0x8f: {  	_ = 	snop  }
0x90: {  	s2 =	sld [smem:$0x3FC9]  }
0x91: {  	s18 =	sld [smem:$0x3FD0];
	(tm) =	ssettm $0x1  }
0x92: {  	s4 =	sld [smem:$0x3FFB];
	_ =	sdelay $0x3  }
0x93: {  	_ =	strace s4  }
0x94: {  	s4 =	sld [smem:$0x3FFC];
	_ =	sdelay $0x3  }
0x95: {  	_ =	strace s4  }
0x96: {  	s4 =	sld [smem:$0x3FFD];
	_ =	sdelay $0x3  }
0x97: {  	_ =	strace s4  }
0x98: {  	_ =	strace $0x8FFFFFFF  }
0x99: {  	s19 =	sld [smem:$0x3FDB];
	_ =	sdelay $0x1  }
0x9a: {  	s5 =	simm.s32 $_scs_section_size  }
0x9b: {  	s6 =	simm.s32 $_size__tile_overlayer_lowered;
	s7 =	simm.s32 $_tile_overlayer_lowered  }
0x9c: {  	s22 =	simm.s32 $0x1BFF;
	s21 =	sshll.u32 s7, $0x1;
	s4 =	sadd.s32 s5, s19  }
0x9d: {  	s8 =	simm.s32 $0x0;
	s20 =	sshll.u32 s6, $0x1;
	s6 =	sadd.s32 s21, s4  }
0x9e: {  	[timem:s8], [sflag:s22] =	dma.local [hbm:s6], s20  }
0x9f: {  	_ =	swait.ge [sflag:s22], s20  }
0xa0: {  	s5 =	ssub.s32 $0x0, s20;
	[sflag:s22] =	ssyncset.done $0x0  }
0xa1: {  	[sflag:s22] =	ssyncadd.s32 s5;
	_ =	sdelay $0x1  }
0xa2: {  	s23 =	simm.s32 $0x1B8B  }
0xa3: {  	_ =	swait.ge [sflag:s23], $0x1  }
0xa4: {  	[sflag:s23] =	ssyncset.done $0x0  }
0xa5: {  	s25 =	simm.s32 $0x1B8E;
	s24 =	sld [smem:$0x3FFE];
	[sflag:s23] =	ssyncadd.s32 $0xFFFFFFFF  }
0xa6: {  	s26 =	simm.s32 $execute0_lowered;
	[smem:$0x3FD2] =	sst s25  }
0xa7: {  	s6 =	sshll.u32 s26, $0x1;
	_ =	strace $0x80000046;
	[dreg:$0x1] =	wrdreg $0xFFFFFFFF  }
0xa8: {  	s28 =	simm.s32 $_size_execute0_lowered;
	s4 =	sadd.s32 s4, s6;
	[dreg:$0x0] =	wrdreg $0x0  }
0xa9: {  	s6 =	sshll.u32 s28, $0x1;
	[dreg:$0x2] =	wrdreg s4  }
0xaa: {  	[dreg:$0x3] =	wrdreg s6  }
0xab: {  	[dreg:$0x4] =	wrdreg $0xC0  }
0xac: {  	_ =	task [dreg:s8], $0x5FFFF  }
0xad: {  	[dreg:$0x1] =	wrdreg $0xFFFFFFFF  }
0xae: {  	[dreg:$0x0] =	wrdreg $0x60  }
0xaf: {  	[dreg:$0x2] =	wrdreg s2  }
0xb0: {  	[dreg:$0x3] =	wrdreg s24  }
0xb1: {  	[dreg:$0x4] =	wrdreg s18  }
0xb2: {  	[dreg:$0x5] =	wrdreg $0x9  }
0xb3: {  	_ =	task.clear_ibuf [dreg:s8], $0x6FFFF;
	_ =	strace $0x90000046  }
0xb4: {  	s29 =	simm.s32 $0x9;
	_ =	strace $0x80000048  }
0xb5: {  	_ =	swait.ge [sflag:s29], $0x1  }
0xb6: {  	[sflag:s29] =	ssyncadd.s32 $0xFFFFFFFF  }
0xb7: {  	_ =	strace $0x90000048  }
0xb8: {  	_ =	sfence  }
0xb9: {  	s30 =	sld [smem:$0x0];
	_ =	sdelay $0x2  }
0xba: {  	s31 =	sshll.u32 s1, $0xD;
	s1 =	sshrl.u32 s1, $0x2  }
0xbb: {  	s3 =	sand.u32 $0x4000, s31;
	s1 =	sadd.s32 s1, s30  }
0xbc: {  	s0 =	sor.u32 s3, s0;
	s1 =	sshll.u32 s1, $0x11  }
0xbd: {  	s0 =	sor.u32 s1, s0  }
0xbe: {  	s0 =	sadd.s32 $0x8F2B, s0  }
0xbf: {  	[sflag:s0] =	ssyncadd.remote.s32 $0x1  }
0xc0: {  	_ =	sfence.sel $0xFFFF  }
0xc1: {  	[dreg:$0x0] =	wrdreg $0xFFFFFFFF;
	(pc) =	sbr.abs _section_cstart, $3  }
0xc2: {  	[dreg:$0x1] =	wrdreg $0xFFFFFFFF  }
0xc3: {  	_ =	task.clear_ibuf [dreg:s8], $0x2FFFF;
	_ =	strace $0x9FFFFFFF  }
0xc4: {  	(tm) =	ssettm $0x7FFFFFFF  }
0xc5: {  	_ =	shalt  }
tec
execute0_lowered:
.L_overlay_start_1:
0x0: {  	(tag) =	ssettag $0x1  }
0x1: {  	s10 =	stileid.u32  }
0x2: {  	s1 =	srdreg.scid;
	s2 =	smul.u32 $0x190000, s10  }
0x3: {  	s0 =	rddreg [dreg:$0x2];
	s6 =	sand.u32 $0x1, s1;
	s9 =	smul.u32 $0xC800, s10  }
0x4: {  	s1 =	simm.s32 $0x0;
	s8 =	sshll.u32 s10, $0x1;
	s4 =	smul.u32 $0xC8000, s6  }
0x5: {  	s3 =	ssub.s32 $0x2, s6;
	[smem:$0x7FF] =	sst s1;
	s15 =	smul.u32 $0x6400, s6  }
0x6: {  	s14 =	sor.u32 s6, s8;
	s6 =	smul.u32 $0x19000, s6;
	s7 =	sshrl.u32 s3, $0x1  }
0x7: {  	s5 =	sadd.s32 s4, s2;
	s3 =	ssub.s32 s3, s7;
	s2 =	smul.u32 $0x6400, s14  }
0x8: {  	s4 =	sadd.s32 s15, s9;
	s16 =	sadd.s32 $0x189C0, s5;
	s18 =	sadd.s32 $0x18380, s5  }
0x9: {  	s19 =	sadd.s32 $0x17D40, s5;
	s20 =	sadd.s32 $0x17700, s5;
	s24 =	sadd.s32 $0x170C0, s5  }
0xa: {  	s25 =	sadd.s32 $0x16A80, s5;
	s26 =	sadd.s32 $0x16440, s5;
	s12 =	sadd.s32 $0x15E00, s5  }
0xb: {  	s13 =	sadd.s32 $0x157C0, s5;
	s14 =	sadd.s32 $0x15180, s5;
	s3 =	smax.u32 s3, $0x1  }
0xc: {  	s17 =	sshrl.u32 s16, $0x3;
	s21 =	sshrl.u32 s19, $0x3;
	s22 =	sshrl.u32 s20, $0x3  }
0xd: {  	s8 =	sshrl.u32 s25, $0x3;
	s9 =	sshrl.u32 s26, $0x3;
	s15 =	sshrl.u32 s13, $0x3  }
0xe: {  	s16 =	sshrl.u32 s14, $0x3;
	s19 =	sadd.s32 $0x14500, s5;
	s20 =	sadd.s32 $0x13EC0, s5  }
0xf: {  	s25 =	sadd.s32 $0x13240, s5;
	s26 =	smul.u32 $0x32000, s10;
	s13 =	sadd.s32 $0x125C0, s5  }
0x10: {  	s14 =	sadd.s32 $0x11F80, s5;
	s7 =	sadd.s32 s17, s0;
	s23 =	sadd.s32 s22, s0  }
0x11: {  	s11 =	sadd.s32 s9, s0;
	s17 =	sadd.s32 s16, s0;
	[dreg:$0x4] =	wrdreg s7  }
0x12: {  	s22 =	sshrl.u32 s20, $0x3;
	s10 =	sshrl.u32 s25, $0x3;
	[dreg:$0x7] =	wrdreg s23  }
0x13: {  	s9 =	sadd.s32 $0xE740, s5;
	s7 =	sshrl.u32 s18, $0x3;
	[dreg:$0xa] =	wrdreg s11  }
0x14: {  	[dreg:$0xd] =	wrdreg s17;
	s18 =	sadd.s32 $0x14B40, s5;
	s23 =	sadd.s32 s22, s0  }
0x15: {  	s11 =	sadd.s32 $0x12C00, s5;
	s7 =	sadd.s32 s7, s0;
	[dreg:$0x10] =	wrdreg s23  }
0x16: {  	s17 =	sadd.s32 $0x11940, s5;
	[dreg:$0x5] =	wrdreg s7;
	s7 =	sadd.s32 s21, s0  }
0x17: {  	s22 =	sadd.s32 $0x10680, s5;
	[dreg:$0x6] =	wrdreg s7;
	s7 =	sshrl.u32 s24, $0x3  }
0x18: {  	s23 =	sadd.s32 $0x10040, s5;
	s21 =	sshrl.u32 s19, $0x3;
	s7 =	sadd.s32 s7, s0  }
0x19: {  	s19 =	sadd.s32 $0x10CC0, s5;
	[dreg:$0x8] =	wrdreg s7;
	s7 =	sadd.s32 s8, s0  }
0x1a: {  	s24 =	sadd.s32 $0x13880, s5;
	[dreg:$0x9] =	wrdreg s7;
	s7 =	sshrl.u32 s12, $0x3  }
0x1b: {  	s8 =	sshrl.u32 s19, $0x3;
	s12 =	sadd.s32 s26, s0;
	s7 =	sadd.s32 s7, s0  }
0x1c: {  	s19 =	sadd.s32 $0xB540, s5;
	s6 =	sadd.s32 s6, s12;
	[dreg:$0xb] =	wrdreg s7  }
0x1d: {  	s12 =	sadd.s32 $0xE100, s5;
	s7 =	sadd.s32 s15, s0;
	[dreg:$0x13] =	wrdreg s6  }
0x1e: {  	s15 =	sshrl.u32 s13, $0x3;
	s6 =	sshrl.u32 s14, $0x3;
	s13 =	sadd.s32 $0xDAC0, s5  }
0x1f: {  	s14 =	sadd.s32 $0xD480, s5;
	[dreg:$0xc] =	wrdreg s7;
	s16 =	sadd.s32 s15, s0  }
0x20: {  	s7 =	sshrl.u32 s18, $0x3;
	s6 =	sadd.s32 s6, s0;
	[dreg:$0x15] =	wrdreg s16  }
0x21: {  	s18 =	sadd.s32 $0x11300, s5;
	s7 =	sadd.s32 s7, s0;
	[dreg:$0x16] =	wrdreg s6  }
0x22: {  	s6 =	sshrl.u32 s17, $0x3;
	[dreg:$0xe] =	wrdreg s7;
	s7 =	sadd.s32 s21, s0  }
0x23: {  	s17 =	sadd.s32 $0xC1C0, s5;
	s6 =	sadd.s32 s6, s0;
	[dreg:$0xf] =	wrdreg s7  }
0x24: {  	s21 =	sadd.s32 s8, s0;
	s7 =	sshrl.u32 s24, $0x3;
	[dreg:$0x17] =	wrdreg s6  }
0x25: {  	[dreg:$0x19] =	wrdreg s21;
	s24 =	sadd.s32 $0xFA00, s5;
	s6 =	sshrl.u32 s22, $0x3  }
0x26: {  	s22 =	sadd.s32 $0xAF00, s5;
	s7 =	sadd.s32 s7, s0;
	s8 =	sshrl.u32 s24, $0x3  }
0x27: {  	s6 =	sadd.s32 s6, s0;
	[dreg:$0x11] =	wrdreg s7;
	s7 =	sadd.s32 s10, s0  }
0x28: {  	s24 =	sadd.s32 $0xA280, s5;
	[dreg:$0x12] =	wrdreg s7;
	s7 =	sshrl.u32 s11, $0x3  }
0x29: {  	[dreg:$0x1a] =	wrdreg s6;
	s26 =	sadd.s32 s8, s0;
	s7 =	sadd.s32 s7, s0  }
0x2a: {  	s8 =	sadd.s32 $0xED80, s5;
	[dreg:$0x14] =	wrdreg s7;
	s7 =	sshrl.u32 s18, $0x3  }
0x2b: {  	[dreg:$0x1c] =	wrdreg s26;
	s20 =	sadd.s32 s7, s0;
	s7 =	sshrl.u32 s23, $0x3  }
0x2c: {  	s18 =	sadd.s32 $0xBB80, s5;
	[dreg:$0x18] =	wrdreg s20;
	s25 =	sadd.s32 s7, s0  }
0x2d: {  	s23 =	sadd.s32 $0xA8C0, s5;
	s7 =	sadd.s32 $0xF3C0, s5;
	[dreg:$0x1b] =	wrdreg s25  }
0x2e: {  	s6 =	sshrl.u32 s7, $0x3;
	s7 =	sshrl.u32 s8, $0x3;
	s8 =	sshrl.u32 s9, $0x3  }
0x2f: {  	s9 =	sadd.s32 $0x8FC0, s5;
	s6 =	sadd.s32 s6, s0;
	s10 =	sadd.s32 s7, s0  }
0x30: {  	s11 =	sadd.s32 s8, s0;
	s7 =	sshrl.u32 s13, $0x3;
	[dreg:$0x1d] =	wrdreg s6  }
0x31: {  	s8 =	sshrl.u32 s14, $0x3;
	s13 =	sadd.s32 $0x8340, s5;
	[dreg:$0x1e] =	wrdreg s10  }
0x32: {  	s14 =	sor.u32 $0x7D00, s5;
	[dreg:$0x1f] =	wrdreg s11;
	s6 =	sshrl.u32 s12, $0x3  }
0x33: {  	s15 =	sadd.s32 s7, s0;
	s16 =	sadd.s32 s8, s0;
	s7 =	sshrl.u32 s18, $0x3  }
0x34: {  	s8 =	sshrl.u32 s19, $0x3;
	s12 =	sadd.s32 $0x8980, s5;
	s18 =	sor.u32 $0x7080, s5  }
0x35: {  	s19 =	sor.u32 $0x6A40, s5;
	s6 =	sadd.s32 s6, s0;
	[smem:$0x7E9] =	sst s15  }
0x36: {  	[smem:$0x7EA] =	sst s16;
	s20 =	sadd.s32 s7, s0;
	s21 =	sadd.s32 s8, s0  }
0x37: {  	s7 =	sshrl.u32 s23, $0x3;
	s8 =	sshrl.u32 s24, $0x3;
	[smem:$0x7E8] =	sst s6  }
0x38: {  	s23 =	sor.u32 $0x5780, s5;
	s24 =	sor.u32 $0x5140, s5;
	[smem:$0x7EC] =	sst s20  }
0x39: {  	s6 =	sshrl.u32 s17, $0x3;
	[smem:$0x7ED] =	sst s21;
	s25 =	sadd.s32 s7, s0  }
0x3a: {  	s26 =	sadd.s32 s8, s0;
	s7 =	sadd.s32 $0x9C40, s5;
	s8 =	sadd.s32 $0x9600, s5  }
0x3b: {  	s17 =	sor.u32 $0x76C0, s5;
	s6 =	sadd.s32 s6, s0;
	[smem:$0x7EF] =	sst s25  }
0x3c: {  	s21 =	sor.u32 $0x6400, s5;
	[smem:$0x7EB] =	sst s6;
	s6 =	sshrl.u32 s22, $0x3  }
0x3d: {  	[smem:$0x7F0] =	sst s26;
	s25 =	sor.u32 $0x4B00, s5;
	s6 =	sadd.s32 s6, s0  }
0x3e: {  	s26 =	sor.u32 $0x44C0, s5;
	s22 =	sor.u32 $0x5DC0, s5;
	[smem:$0x7EE] =	sst s6  }
0x3f: {  	s6 =	sshrl.u32 s7, $0x3;
	s7 =	sshrl.u32 s8, $0x3;
	s8 =	sshrl.u32 s9, $0x3  }
0x40: {  	s9 =	sor.u32 $0x3E80, s5;
	s6 =	sadd.s32 s6, s0;
	s10 =	sadd.s32 s7, s0  }
0x41: {  	s11 =	sadd.s32 s8, s0;
	s7 =	sshrl.u32 s13, $0x3;
	[smem:$0x7F1] =	sst s6  }
0x42: {  	s8 =	sshrl.u32 s14, $0x3;
	s13 =	sor.u32 $0x2580, s5;
	[smem:$0x7F2] =	sst s10  }
0x43: {  	s14 =	sor.u32 $0x1F40, s5;
	[smem:$0x7F3] =	sst s11;
	s6 =	sshrl.u32 s12, $0x3  }
0x44: {  	s15 =	sadd.s32 s7, s0;
	s16 =	sadd.s32 s8, s0;
	s7 =	sshrl.u32 s18, $0x3  }
0x45: {  	s8 =	sshrl.u32 s19, $0x3;
	s10 =	sor.u32 $0x3840, s5;
	[smem:$0x7F5] =	sst s15  }
0x46: {  	s11 =	sor.u32 $0x3200, s5;
	s12 =	sor.u32 $0x2BC0, s5;
	[smem:$0x7F6] =	sst s16  }
0x47: {  	s6 =	sadd.s32 s6, s0;
	s20 =	sadd.s32 s7, s0;
	s16 =	rddreg [dreg:$0x0]  }
0x48: {  	s7 =	sshrl.u32 s22, $0x3;
	s15 =	sor.u32 $0x1900, s5;
	[smem:$0x7F4] =	sst s6  }
0x49: {  	s5 =	sor.u32 $0x12C0, s5;
	s6 =	sshrl.u32 s17, $0x3;
	[smem:$0x7F8] =	sst s20  }
0x4a: {  	s17 =	sadd.s32 s8, s0;
	s8 =	sshrl.u32 s23, $0x3;
	s19 =	sadd.s32 s7, s0  }
0x4b: {  	s7 =	sshrl.u32 s25, $0x3;
	s5 =	sshrl.u32 s5, $0x3;
	s6 =	sadd.s32 s6, s0  }
0x4c: {  	s20 =	sadd.s32 s8, s0;
	s8 =	sshrl.u32 s26, $0x3;
	s22 =	sadd.s32 s7, s0  }
0x4d: {  	s7 =	sshrl.u32 s10, $0x3;
	s10 =	sshrl.u32 s2, $0x3;
	[smem:$0x7F7] =	sst s6  }
0x4e: {  	s6 =	sshrl.u32 s21, $0x3;
	s23 =	sadd.s32 s8, s0;
	s8 =	sshrl.u32 s11, $0x3  }
0x4f: {  	s25 =	sadd.s32 s7, s0;
	s7 =	sshrl.u32 s13, $0x3;
	s11 =	sadd.s32 $0x12C0, s4  }
0x50: {  	s18 =	sadd.s32 s6, s0;
	s6 =	sshrl.u32 s24, $0x3;
	s26 =	sadd.s32 s8, s0  }
0x51: {  	s8 =	sshrl.u32 s14, $0x3;
	s29 =	sadd.s32 s7, s0;
	s13 =	sshrl.u32 s11, $0x3  }
0x52: {  	s7 =	simm.s32 $0x3;
	s11 =	simm.s32 $0x0;
	s21 =	sadd.s32 s6, s0  }
0x53: {  	s6 =	sshrl.u32 s9, $0x3;
	s30 =	sadd.s32 s8, s0;
	s9 =	rddreg [dreg:$0x1]  }
0x54: {  	_ =	strace $0x80000047;
	[smem:$0x7F9] =	sst s3;
	s14 =	sadd.s32 s13, s16  }
0x55: {  	s3 =	simm.s32 $0x5;
	s8 =	simm.s32 $0x2;
	s24 =	sadd.s32 s6, s0  }
0x56: {  	s6 =	sshrl.u32 s12, $0x3;
	s2 =	sadd.s32 $0xF42C00, s9;
	s12 =	sadd.s32 s16, s10  }
.Ltmp0:
0x57: {  	[smem:$0x7FA] =	sst s14;
	s9 =	simm.s32 $0x4;
	(pc) =	sbr.rel .LBB2_1-.Ltmp0, $4  }
0x58: {  	s28 =	sadd.s32 s6, s0;
	s6 =	sshrl.u32 s15, $0x3;
	s15 =	sadd.s32 $0xC80, s4  }
0x59: {  	[smem:$0x7FC] =	sst s12;
	s16 =	sadd.s32 $0xC8, s12;
	s4 =	simm.s32 $0x640  }
0x5a: {  	s31 =	sadd.s32 s6, s0;
	s0 =	sadd.s32 s5, s0;
	[smem:$0x7FB] =	sst s15  }
0x5b: {  	[smem:$0x7FD] =	sst s16;
	s5 =	simm.s32 $0xD480;
	s6 =	simm.s32 $0x1  }
.LBB2_4:
0x5c: {  	s11 =	sld [smem:$0x7E7]  }
0x5d: {  	s10 =	sld [smem:$0x7F9];
	_ =	sdelay $0x1  }
0x5e: {  	s11 =	sadd.s32 $0x1, s11  }
0x5f: {  	p0 =	sne.s32 s11, s10  }
.Ltmp1:
0x60: {  	_ = 	snop;
	(pc) =	sbr.rel @!p0 .LBB2_5-.Ltmp1, $1  }
0x61: {  	_ =	sdelay $0x3  }
.LBB2_1:
0x62: {  	s10 =	sld [smem:$0x7FC];
	_ =	sdelay $0x1  }
0x63: {  	[smem:$0x7E7] =	sst s11  }
0x64: {  	[tilespmem:s1], [sflag:$0x5] =	stream.linear.gather [hbm4b:s10+s1], $0x640, $0x38;
	[tilespmem:$0x19C80] =	vst v63  }
0x65: {  	_ =	swait.ge [sflag:s3], $0x640  }
0x66: {  	[sflag:s3] =	ssyncset.done $0x0  }
0x67: {  	s15 =	simm.s32 $0xC80;
	s16 =	sld [smem:$0x7FD];
	[sflag:s3] =	ssyncadd.s32 $0xFFFFF9C0  }
0x68: {  	[tilespmem:s15], [sflag:$0x1] =	stream.indirect.gather [hbm4b:s2+s4], $0x20, s1, s4, $0xb8;
	[tilespmem:$0x19C80] =	vst v63  }
0x69: {  	_ = 	snop  }
0x6a: {  	[tilespmem:s4], [sflag:$0x5] =	stream.linear.gather [hbm4b:s16+s1], $0x640, $0x38;
	[tilespmem:$0x19C80] =	vst v63  }
0x6b: {  	_ =	swait.ge [sflag:s3], $0x640  }
0x6c: {  	[sflag:s3] =	ssyncset.done $0x0;
	s11 =	sld [smem:$0x7FB]  }
0x6d: {  	s10 =	simm.s32 $0x0;
	s12 =	sld [smem:$0x7FA];
	[sflag:s3] =	ssyncadd.s32 $0xFFFFF9C0  }
0x6e: {  	[tilespmem:s5], [sflag:$0x2] =	stream.indirect.gather [hbm4b:s2+s4], $0x20, s4, s4, $0xb8;
	[tilespmem:$0x19C80] =	vst v63  }
.LBB2_2:
0x6f: {  	_ =	swait.ge [sflag:s6], $0xC800  }
0x70: {  	[sflag:s6] =	ssyncset.done $0x0;
	s13 =	rddreg [dreg:$0x13]  }
0x71: {  	s14 =	simm.s32 $0xC80;
	[sflag:s6] =	ssyncadd.s32 $0xFFFF3800;
	s13 =	sadd.s32 s10, s13  }
0x72: {  	[hbm4b:s13+s1] =	stream.linear.scatter [tilespmem:s14], [sflag:$0x3], $0x640, $0x38;
	[tilespmem:$0x19C80] =	vst v63  }
0x73: {  	s15 =	simm.s32 $0x12C0;
	s16 =	sadd.s32 $0xC8, s13  }
0x74: {  	[hbm4b:s16+s1] =	stream.linear.scatter [tilespmem:s15], [sflag:$0x3], $0x640, $0x38;
	[tilespmem:$0x19C80] =	vst v63  }
0x75: {  	s15 =	sadd.s32 $0x190, s13;
	s16 =	simm.s32 $0x1900  }
0x76: {  	[hbm4b:s15+s1] =	stream.linear.scatter [tilespmem:s16], [sflag:$0x3], $0x640, $0x38;
	[tilespmem:$0x19C80] =	vst v63  }
0x77: {  	s15 =	sadd.s32 s10, s0;
	s16 =	simm.s32 $0x1F40  }
0x78: {  	[hbm4b:s15+s1] =	stream.linear.scatter [tilespmem:s16], [sflag:$0x3], $0x640, $0x38;
	[tilespmem:$0x19C80] =	vst v63  }
0x79: {  	s15 =	sadd.s32 s10, s31;
	s16 =	simm.s32 $0x2580  }
0x7a: {  	[hbm4b:s15+s1] =	stream.linear.scatter [tilespmem:s16], [sflag:$0x3], $0x640, $0x38;
	[tilespmem:$0x19C80] =	vst v63  }
0x7b: {  	s15 =	sadd.s32 s10, s30;
	s16 =	simm.s32 $0x2BC0  }
0x7c: {  	[hbm4b:s15+s1] =	stream.linear.scatter [tilespmem:s16], [sflag:$0x3], $0x640, $0x38;
	[tilespmem:$0x19C80] =	vst v63  }
0x7d: {  	s15 =	sadd.s32 s10, s29;
	s16 =	simm.s32 $0x3200  }
0x7e: {  	[hbm4b:s15+s1] =	stream.linear.scatter [tilespmem:s16], [sflag:$0x3], $0x640, $0x38;
	[tilespmem:$0x19C80] =	vst v63  }
0x7f: {  	s15 =	sadd.s32 s10, s28;
	s16 =	simm.s32 $0x3840  }
0x80: {  	[hbm4b:s15+s1] =	stream.linear.scatter [tilespmem:s16], [sflag:$0x3], $0x640, $0x38;
	[tilespmem:$0x19C80] =	vst v63  }
0x81: {  	s15 =	sadd.s32 s10, s26;
	s16 =	simm.s32 $0x3E80  }
0x82: {  	[hbm4b:s15+s1] =	stream.linear.scatter [tilespmem:s16], [sflag:$0x3], $0x640, $0x38;
	[tilespmem:$0x19C80] =	vst v63  }
0x83: {  	s15 =	sadd.s32 s10, s25;
	s16 =	simm.s32 $0x44C0  }
0x84: {  	[hbm4b:s15+s1] =	stream.linear.scatter [tilespmem:s16], [sflag:$0x3], $0x640, $0x38;
	[tilespmem:$0x19C80] =	vst v63  }
0x85: {  	s15 =	sadd.s32 s10, s24;
	s16 =	simm.s32 $0x4B00  }
0x86: {  	[hbm4b:s15+s1] =	stream.linear.scatter [tilespmem:s16], [sflag:$0x3], $0x640, $0x38;
	[tilespmem:$0x19C80] =	vst v63  }
0x87: {  	s15 =	sadd.s32 s10, s23;
	s16 =	simm.s32 $0x5140  }
0x88: {  	[hbm4b:s15+s1] =	stream.linear.scatter [tilespmem:s16], [sflag:$0x3], $0x640, $0x38;
	[tilespmem:$0x19C80] =	vst v63  }
0x89: {  	s15 =	sadd.s32 s10, s22;
	s16 =	simm.s32 $0x5780  }
0x8a: {  	[hbm4b:s15+s1] =	stream.linear.scatter [tilespmem:s16], [sflag:$0x3], $0x640, $0x38;
	[tilespmem:$0x19C80] =	vst v63  }
0x8b: {  	s15 =	sadd.s32 s10, s21;
	s16 =	simm.s32 $0x5DC0  }
0x8c: {  	[hbm4b:s15+s1] =	stream.linear.scatter [tilespmem:s16], [sflag:$0x3], $0x640, $0x38;
	[tilespmem:$0x19C80] =	vst v63  }
0x8d: {  	s15 =	sadd.s32 s10, s20;
	s16 =	simm.s32 $0x6400  }
0x8e: {  	[hbm4b:s15+s1] =	stream.linear.scatter [tilespmem:s16], [sflag:$0x3], $0x640, $0x38;
	[tilespmem:$0x19C80] =	vst v63  }
0x8f: {  	s15 =	sadd.s32 s10, s19;
	s16 =	simm.s32 $0x6A40  }
0x90: {  	[hbm4b:s15+s1] =	stream.linear.scatter [tilespmem:s16], [sflag:$0x3], $0x640, $0x38;
	[tilespmem:$0x19C80] =	vst v63  }
0x91: {  	s15 =	sadd.s32 s10, s18;
	s16 =	simm.s32 $0x7080  }
0x92: {  	[hbm4b:s15+s1] =	stream.linear.scatter [tilespmem:s16], [sflag:$0x3], $0x640, $0x38;
	[tilespmem:$0x19C80] =	vst v63  }
0x93: {  	s15 =	sadd.s32 s10, s17;
	s16 =	simm.s32 $0x76C0  }
0x94: {  	[hbm4b:s15+s1] =	stream.linear.scatter [tilespmem:s16], [sflag:$0x3], $0x640, $0x38;
	[tilespmem:$0x19C80] =	vst v63  }
0x95: {  	s15 =	sld [smem:$0x7F8];
	_ =	sdelay $0x2  }
0x96: {  	s14 =	sadd.s32 s10, s15;
	s15 =	sld [smem:$0x7F7]  }
0x97: {  	s16 =	simm.s32 $0x7D00  }
0x98: {  	[hbm4b:s14+s1] =	stream.linear.scatter [tilespmem:s16], [sflag:$0x3], $0x640, $0x38;
	[tilespmem:$0x19C80] =	vst v63  }
0x99: {  	s14 =	sadd.s32 s10, s15;
	s15 =	sld [smem:$0x7F6]  }
0x9a: {  	s16 =	simm.s32 $0x8340  }
0x9b: {  	[hbm4b:s14+s1] =	stream.linear.scatter [tilespmem:s16], [sflag:$0x3], $0x640, $0x38;
	[tilespmem:$0x19C80] =	vst v63  }
0x9c: {  	s14 =	sadd.s32 s10, s15;
	s15 =	sld [smem:$0x7F5]  }
0x9d: {  	s16 =	simm.s32 $0x8980  }
0x9e: {  	[hbm4b:s14+s1] =	stream.linear.scatter [tilespmem:s16], [sflag:$0x3], $0x640, $0x38;
	[tilespmem:$0x19C80] =	vst v63  }
0x9f: {  	s14 =	sadd.s32 s10, s15;
	s15 =	sld [smem:$0x7F4]  }
0xa0: {  	s16 =	simm.s32 $0x8FC0  }
0xa1: {  	[hbm4b:s14+s1] =	stream.linear.scatter [tilespmem:s16], [sflag:$0x3], $0x640, $0x38;
	[tilespmem:$0x19C80] =	vst v63  }
0xa2: {  	s14 =	sadd.s32 s10, s15;
	s15 =	sld [smem:$0x7F3]  }
0xa3: {  	s16 =	simm.s32 $0x9600  }
0xa4: {  	[hbm4b:s14+s1] =	stream.linear.scatter [tilespmem:s16], [sflag:$0x3], $0x640, $0x38;
	[tilespmem:$0x19C80] =	vst v63  }
0xa5: {  	s14 =	sadd.s32 s10, s15;
	s15 =	sld [smem:$0x7F2]  }
0xa6: {  	s16 =	simm.s32 $0x9C40  }
0xa7: {  	[hbm4b:s14+s1] =	stream.linear.scatter [tilespmem:s16], [sflag:$0x3], $0x640, $0x38;
	[tilespmem:$0x19C80] =	vst v63  }
0xa8: {  	s14 =	sadd.s32 s10, s15;
	s15 =	sld [smem:$0x7F1]  }
0xa9: {  	s16 =	simm.s32 $0xA280  }
0xaa: {  	[hbm4b:s14+s1] =	stream.linear.scatter [tilespmem:s16], [sflag:$0x3], $0x640, $0x38;
	[tilespmem:$0x19C80] =	vst v63  }
0xab: {  	s14 =	sadd.s32 s10, s15;
	s15 =	sld [smem:$0x7F0]  }
0xac: {  	s16 =	simm.s32 $0xA8C0  }
0xad: {  	[hbm4b:s14+s1] =	stream.linear.scatter [tilespmem:s16], [sflag:$0x3], $0x640, $0x38;
	[tilespmem:$0x19C80] =	vst v63  }
0xae: {  	s14 =	sadd.s32 s10, s15;
	s15 =	sld [smem:$0x7EF]  }
0xaf: {  	s16 =	simm.s32 $0xAF00  }
0xb0: {  	[hbm4b:s14+s1] =	stream.linear.scatter [tilespmem:s16], [sflag:$0x3], $0x640, $0x38;
	[tilespmem:$0x19C80] =	vst v63  }
0xb1: {  	s14 =	sadd.s32 s10, s15;
	s15 =	sld [smem:$0x7EE]  }
0xb2: {  	s16 =	simm.s32 $0xB540  }
0xb3: {  	[hbm4b:s14+s1] =	stream.linear.scatter [tilespmem:s16], [sflag:$0x3], $0x640, $0x38;
	[tilespmem:$0x19C80] =	vst v63  }
0xb4: {  	s14 =	sadd.s32 s10, s15;
	s15 =	sld [smem:$0x7ED]  }
0xb5: {  	s16 =	simm.s32 $0xBB80  }
0xb6: {  	[hbm4b:s14+s1] =	stream.linear.scatter [tilespmem:s16], [sflag:$0x3], $0x640, $0x38;
	[tilespmem:$0x19C80] =	vst v63  }
0xb7: {  	s14 =	sadd.s32 s10, s15;
	s15 =	sld [smem:$0x7EC]  }
0xb8: {  	s16 =	simm.s32 $0xC1C0  }
0xb9: {  	[hbm4b:s14+s1] =	stream.linear.scatter [tilespmem:s16], [sflag:$0x3], $0x640, $0x38;
	[tilespmem:$0x19C80] =	vst v63  }
0xba: {  	s14 =	sadd.s32 s10, s15;
	s15 =	sld [smem:$0x7EB]  }
0xbb: {  	s16 =	simm.s32 $0xC800  }
0xbc: {  	[hbm4b:s14+s1] =	stream.linear.scatter [tilespmem:s16], [sflag:$0x3], $0x640, $0x38;
	[tilespmem:$0x19C80] =	vst v63  }
0xbd: {  	s16 =	simm.s32 $0xCE40;
	s14 =	sadd.s32 s10, s15  }
0xbe: {  	[hbm4b:s14+s1] =	stream.linear.scatter [tilespmem:s16], [sflag:$0x3], $0x640, $0x38;
	[tilespmem:$0x19C80] =	vst v63  }
0xbf: {  	_ =	swait.ge [sflag:s7], $0x640  }
0xc0: {  	[sflag:s7] =	ssyncset.done $0x0  }
0xc1: {  	[sflag:s7] =	ssyncadd.s32 $0xFFFFF9C0  }
0xc2: {  	_ =	swait.ge [sflag:s7], $0x640  }
0xc3: {  	[sflag:s7] =	ssyncset.done $0x0  }
0xc4: {  	[sflag:s7] =	ssyncadd.s32 $0xFFFFF9C0  }
0xc5: {  	_ =	swait.ge [sflag:s7], $0x640  }
0xc6: {  	[sflag:s7] =	ssyncset.done $0x0  }
0xc7: {  	[sflag:s7] =	ssyncadd.s32 $0xFFFFF9C0  }
0xc8: {  	_ =	swait.ge [sflag:s7], $0x640  }
0xc9: {  	[sflag:s7] =	ssyncset.done $0x0  }
0xca: {  	[sflag:s7] =	ssyncadd.s32 $0xFFFFF9C0  }
0xcb: {  	_ =	swait.ge [sflag:s7], $0x640  }
0xcc: {  	[sflag:s7] =	ssyncset.done $0x0  }
0xcd: {  	[sflag:s7] =	ssyncadd.s32 $0xFFFFF9C0  }
0xce: {  	_ =	swait.ge [sflag:s7], $0x640  }
0xcf: {  	[sflag:s7] =	ssyncset.done $0x0  }
0xd0: {  	[sflag:s7] =	ssyncadd.s32 $0xFFFFF9C0  }
0xd1: {  	_ =	swait.ge [sflag:s7], $0x640  }
0xd2: {  	[sflag:s7] =	ssyncset.done $0x0  }
0xd3: {  	[sflag:s7] =	ssyncadd.s32 $0xFFFFF9C0  }
0xd4: {  	_ =	swait.ge [sflag:s7], $0x640  }
0xd5: {  	[sflag:s7] =	ssyncset.done $0x0  }
0xd6: {  	[sflag:s7] =	ssyncadd.s32 $0xFFFFF9C0  }
0xd7: {  	_ =	swait.ge [sflag:s7], $0x640  }
0xd8: {  	[sflag:s7] =	ssyncset.done $0x0  }
0xd9: {  	[sflag:s7] =	ssyncadd.s32 $0xFFFFF9C0  }
0xda: {  	_ =	swait.ge [sflag:s7], $0x640  }
0xdb: {  	[sflag:s7] =	ssyncset.done $0x0  }
0xdc: {  	[sflag:s7] =	ssyncadd.s32 $0xFFFFF9C0  }
0xdd: {  	_ =	swait.ge [sflag:s7], $0x640  }
0xde: {  	[sflag:s7] =	ssyncset.done $0x0  }
0xdf: {  	[sflag:s7] =	ssyncadd.s32 $0xFFFFF9C0  }
0xe0: {  	_ =	swait.ge [sflag:s7], $0x640  }
0xe1: {  	[sflag:s7] =	ssyncset.done $0x0  }
0xe2: {  	[sflag:s7] =	ssyncadd.s32 $0xFFFFF9C0  }
0xe3: {  	_ =	swait.ge [sflag:s7], $0x640  }
0xe4: {  	[sflag:s7] =	ssyncset.done $0x0  }
0xe5: {  	[sflag:s7] =	ssyncadd.s32 $0xFFFFF9C0  }
0xe6: {  	_ =	swait.ge [sflag:s7], $0x640  }
0xe7: {  	[sflag:s7] =	ssyncset.done $0x0  }
0xe8: {  	[sflag:s7] =	ssyncadd.s32 $0xFFFFF9C0  }
0xe9: {  	_ =	swait.ge [sflag:s7], $0x640  }
0xea: {  	[sflag:s7] =	ssyncset.done $0x0  }
0xeb: {  	[sflag:s7] =	ssyncadd.s32 $0xFFFFF9C0  }
0xec: {  	_ =	swait.ge [sflag:s7], $0x640  }
0xed: {  	[sflag:s7] =	ssyncset.done $0x0  }
0xee: {  	[sflag:s7] =	ssyncadd.s32 $0xFFFFF9C0  }
0xef: {  	_ =	swait.ge [sflag:s7], $0x640  }
0xf0: {  	[sflag:s7] =	ssyncset.done $0x0  }
0xf1: {  	[sflag:s7] =	ssyncadd.s32 $0xFFFFF9C0  }
0xf2: {  	_ =	swait.ge [sflag:s7], $0x640  }
0xf3: {  	[sflag:s7] =	ssyncset.done $0x0  }
0xf4: {  	[sflag:s7] =	ssyncadd.s32 $0xFFFFF9C0  }
0xf5: {  	_ =	swait.ge [sflag:s7], $0x640  }
0xf6: {  	[sflag:s7] =	ssyncset.done $0x0  }
0xf7: {  	[sflag:s7] =	ssyncadd.s32 $0xFFFFF9C0  }
0xf8: {  	_ =	swait.ge [sflag:s7], $0x640  }
0xf9: {  	[sflag:s7] =	ssyncset.done $0x0  }
0xfa: {  	[sflag:s7] =	ssyncadd.s32 $0xFFFFF9C0  }
0xfb: {  	_ =	swait.ge [sflag:s7], $0x640  }
0xfc: {  	[sflag:s7] =	ssyncset.done $0x0  }
0xfd: {  	[sflag:s7] =	ssyncadd.s32 $0xFFFFF9C0  }
0xfe: {  	_ =	swait.ge [sflag:s7], $0x640  }
0xff: {  	[sflag:s7] =	ssyncset.done $0x0  }
0x100: {  	[sflag:s7] =	ssyncadd.s32 $0xFFFFF9C0  }
0x101: {  	_ =	swait.ge [sflag:s7], $0x640  }
0x102: {  	[sflag:s7] =	ssyncset.done $0x0  }
0x103: {  	[sflag:s7] =	ssyncadd.s32 $0xFFFFF9C0  }
0x104: {  	_ =	swait.ge [sflag:s7], $0x640  }
0x105: {  	[sflag:s7] =	ssyncset.done $0x0  }
0x106: {  	[sflag:s7] =	ssyncadd.s32 $0xFFFFF9C0  }
0x107: {  	_ =	swait.ge [sflag:s7], $0x640  }
0x108: {  	[sflag:s7] =	ssyncset.done $0x0  }
0x109: {  	[sflag:s7] =	ssyncadd.s32 $0xFFFFF9C0  }
0x10a: {  	_ =	swait.ge [sflag:s7], $0x640  }
0x10b: {  	[sflag:s7] =	ssyncset.done $0x0  }
0x10c: {  	[sflag:s7] =	ssyncadd.s32 $0xFFFFF9C0  }
0x10d: {  	_ =	swait.ge [sflag:s7], $0x640  }
0x10e: {  	[sflag:s7] =	ssyncset.done $0x0  }
0x10f: {  	[sflag:s7] =	ssyncadd.s32 $0xFFFFF9C0  }
0x110: {  	_ =	swait.ge [sflag:s7], $0x640  }
0x111: {  	[sflag:s7] =	ssyncset.done $0x0  }
0x112: {  	[sflag:s7] =	ssyncadd.s32 $0xFFFFF9C0  }
0x113: {  	_ =	swait.ge [sflag:s7], $0x640  }
0x114: {  	[sflag:s7] =	ssyncset.done $0x0  }
0x115: {  	[sflag:s7] =	ssyncadd.s32 $0xFFFFF9C0  }
0x116: {  	_ =	swait.ge [sflag:s7], $0x640  }
0x117: {  	[sflag:s7] =	ssyncset.done $0x0  }
0x118: {  	[sflag:s7] =	ssyncadd.s32 $0xFFFFF9C0  }
0x119: {  	_ =	swait.ge [sflag:s7], $0x640  }
0x11a: {  	[sflag:s7] =	ssyncset.done $0x0  }
0x11b: {  	[sflag:s7] =	ssyncadd.s32 $0xFFFFF9C0  }
0x11c: {  	_ =	swait.ge [sflag:s7], $0x640  }
0x11d: {  	[sflag:s7] =	ssyncset.done $0x0  }
0x11e: {  	p0 =	seq.s32 s10, $0x15E00;
	[sflag:s7] =	ssyncadd.s32 $0xFFFFF9C0  }
0x11f: {  	s14 =	sshrl.u32 @!p0 s11, $0x3;
	s15 =	rddreg [dreg:$0x0]  }
0x120: {  	s14 =	sadd.s32 @!p0 s15, s14;
	s15 =	simm.s32 @!p0 $0x0  }
0x121: {  	[tilespmem:s15], [sflag:$0x5] =	stream.linear.gather @!p0 [hbm4b:s14+s15], $0x640, $0x38;
	[tilespmem:$0x19C80] =	vst v63  }
0x122: {  	s14 =	simm.s32 @!p0 $0x5  }
0x123: {  	_ =	swait.ge @!p0 [sflag:s14], $0x640  }
0x124: {  	[sflag:s14] =	ssyncset.done @!p0 $0x0  }
0x125: {  	s16 =	simm.s32 @!p0 $0xC80;
	[sflag:s14] =	ssyncadd.s32 @!p0 $0xFFFFF9C0;
	s14 =	simm.s32 @!p0 $0x640  }
0x126: {  	[tilespmem:s16], [sflag:$0x1] =	stream.indirect.gather @!p0 [hbm4b:s2+s14], $0x20, s15, s14, $0xb8;
	[tilespmem:$0x19C80] =	vst v63  }
0x127: {  	_ =	swait.ge [sflag:s8], $0xC800  }
0x128: {  	[sflag:s8] =	ssyncset.done $0x0  }
0x129: {  	s15 =	sadd.s32 $0x1900, s13;
	[sflag:s8] =	ssyncadd.s32 $0xFFFF3800  }
0x12a: {  	[hbm4b:s15+s1] =	stream.linear.scatter [tilespmem:s5], [sflag:$0x4], $0x640, $0x38;
	[tilespmem:$0x19C80] =	vst v63  }
0x12b: {  	s15 =	sld [smem:$0x7EA]  }
0x12c: {  	s13 =	sadd.s32 $0x19C8, s13;
	s16 =	simm.s32 $0xDAC0  }
0x12d: {  	[hbm4b:s13+s1] =	stream.linear.scatter [tilespmem:s16], [sflag:$0x4], $0x640, $0x38;
	[tilespmem:$0x19C80] =	vst v63  }
0x12e: {  	s13 =	sadd.s32 s10, s15;
	s15 =	sld [smem:$0x7E9]  }
0x12f: {  	s16 =	simm.s32 $0xE100  }
0x130: {  	[hbm4b:s13+s1] =	stream.linear.scatter [tilespmem:s16], [sflag:$0x4], $0x640, $0x38;
	[tilespmem:$0x19C80] =	vst v63  }
0x131: {  	s13 =	sadd.s32 s10, s15;
	s15 =	sld [smem:$0x7E8]  }
0x132: {  	s16 =	simm.s32 $0xE740  }
0x133: {  	[hbm4b:s13+s1] =	stream.linear.scatter [tilespmem:s16], [sflag:$0x4], $0x640, $0x38;
	[tilespmem:$0x19C80] =	vst v63  }
0x134: {  	s16 =	simm.s32 $0xED80;
	s13 =	sadd.s32 s10, s15;
	s15 =	rddreg [dreg:$0x1f]  }
0x135: {  	[hbm4b:s13+s1] =	stream.linear.scatter [tilespmem:s16], [sflag:$0x4], $0x640, $0x38;
	[tilespmem:$0x19C80] =	vst v63  }
0x136: {  	s13 =	sadd.s32 s10, s15;
	s16 =	simm.s32 $0xF3C0;
	s15 =	rddreg [dreg:$0x1e]  }
0x137: {  	[hbm4b:s13+s1] =	stream.linear.scatter [tilespmem:s16], [sflag:$0x4], $0x640, $0x38;
	[tilespmem:$0x19C80] =	vst v63  }
0x138: {  	s13 =	sadd.s32 s10, s15;
	s16 =	simm.s32 $0xFA00;
	s15 =	rddreg [dreg:$0x1d]  }
0x139: {  	[hbm4b:s13+s1] =	stream.linear.scatter [tilespmem:s16], [sflag:$0x4], $0x640, $0x38;
	[tilespmem:$0x19C80] =	vst v63  }
0x13a: {  	s13 =	sadd.s32 s10, s15;
	s16 =	simm.s32 $0x10040;
	s15 =	rddreg [dreg:$0x1c]  }
0x13b: {  	[hbm4b:s13+s1] =	stream.linear.scatter [tilespmem:s16], [sflag:$0x4], $0x640, $0x38;
	[tilespmem:$0x19C80] =	vst v63  }
0x13c: {  	s13 =	sadd.s32 s10, s15;
	s16 =	simm.s32 $0x10680;
	s15 =	rddreg [dreg:$0x1b]  }
0x13d: {  	[hbm4b:s13+s1] =	stream.linear.scatter [tilespmem:s16], [sflag:$0x4], $0x640, $0x38;
	[tilespmem:$0x19C80] =	vst v63  }
0x13e: {  	s13 =	sadd.s32 s10, s15;
	s16 =	simm.s32 $0x10CC0;
	s15 =	rddreg [dreg:$0x1a]  }
0x13f: {  	[hbm4b:s13+s1] =	stream.linear.scatter [tilespmem:s16], [sflag:$0x4], $0x640, $0x38;
	[tilespmem:$0x19C80] =	vst v63  }
0x140: {  	s13 =	sadd.s32 s10, s15;
	s16 =	simm.s32 $0x11300;
	s15 =	rddreg [dreg:$0x19]  }
0x141: {  	[hbm4b:s13+s1] =	stream.linear.scatter [tilespmem:s16], [sflag:$0x4], $0x640, $0x38;
	[tilespmem:$0x19C80] =	vst v63  }
0x142: {  	s13 =	sadd.s32 s10, s15;
	s16 =	simm.s32 $0x11940;
	s15 =	rddreg [dreg:$0x18]  }
0x143: {  	[hbm4b:s13+s1] =	stream.linear.scatter [tilespmem:s16], [sflag:$0x4], $0x640, $0x38;
	[tilespmem:$0x19C80] =	vst v63  }
0x144: {  	s13 =	sadd.s32 s10, s15;
	s16 =	simm.s32 $0x11F80;
	s15 =	rddreg [dreg:$0x17]  }
0x145: {  	[hbm4b:s13+s1] =	stream.linear.scatter [tilespmem:s16], [sflag:$0x4], $0x640, $0x38;
	[tilespmem:$0x19C80] =	vst v63  }
0x146: {  	s13 =	sadd.s32 s10, s15;
	s16 =	simm.s32 $0x125C0;
	s15 =	rddreg [dreg:$0x16]  }
0x147: {  	[hbm4b:s13+s1] =	stream.linear.scatter [tilespmem:s16], [sflag:$0x4], $0x640, $0x38;
	[tilespmem:$0x19C80] =	vst v63  }
0x148: {  	s13 =	sadd.s32 s10, s15;
	s16 =	simm.s32 $0x12C00;
	s15 =	rddreg [dreg:$0x15]  }
0x149: {  	[hbm4b:s13+s1] =	stream.linear.scatter [tilespmem:s16], [sflag:$0x4], $0x640, $0x38;
	[tilespmem:$0x19C80] =	vst v63  }
0x14a: {  	s13 =	sadd.s32 s10, s15;
	s16 =	simm.s32 $0x13240;
	s15 =	rddreg [dreg:$0x14]  }
0x14b: {  	[hbm4b:s13+s1] =	stream.linear.scatter [tilespmem:s16], [sflag:$0x4], $0x640, $0x38;
	[tilespmem:$0x19C80] =	vst v63  }
0x14c: {  	s13 =	sadd.s32 s10, s15;
	s16 =	simm.s32 $0x13880;
	s15 =	rddreg [dreg:$0x12]  }
0x14d: {  	[hbm4b:s13+s1] =	stream.linear.scatter [tilespmem:s16], [sflag:$0x4], $0x640, $0x38;
	[tilespmem:$0x19C80] =	vst v63  }
0x14e: {  	s13 =	sadd.s32 s10, s15;
	s16 =	simm.s32 $0x13EC0;
	s15 =	rddreg [dreg:$0x11]  }
0x14f: {  	[hbm4b:s13+s1] =	stream.linear.scatter [tilespmem:s16], [sflag:$0x4], $0x640, $0x38;
	[tilespmem:$0x19C80] =	vst v63  }
0x150: {  	s13 =	sadd.s32 s10, s15;
	s16 =	simm.s32 $0x14500;
	s15 =	rddreg [dreg:$0x10]  }
0x151: {  	[hbm4b:s13+s1] =	stream.linear.scatter [tilespmem:s16], [sflag:$0x4], $0x640, $0x38;
	[tilespmem:$0x19C80] =	vst v63  }
0x152: {  	s13 =	sadd.s32 s10, s15;
	s16 =	simm.s32 $0x14B40;
	s15 =	rddreg [dreg:$0xf]  }
0x153: {  	[hbm4b:s13+s1] =	stream.linear.scatter [tilespmem:s16], [sflag:$0x4], $0x640, $0x38;
	[tilespmem:$0x19C80] =	vst v63  }
0x154: {  	s13 =	sadd.s32 s10, s15;
	s16 =	simm.s32 $0x15180;
	s15 =	rddreg [dreg:$0xe]  }
0x155: {  	[hbm4b:s13+s1] =	stream.linear.scatter [tilespmem:s16], [sflag:$0x4], $0x640, $0x38;
	[tilespmem:$0x19C80] =	vst v63  }
0x156: {  	s13 =	sadd.s32 s10, s15;
	s16 =	simm.s32 $0x157C0;
	s15 =	rddreg [dreg:$0xd]  }
0x157: {  	[hbm4b:s13+s1] =	stream.linear.scatter [tilespmem:s16], [sflag:$0x4], $0x640, $0x38;
	[tilespmem:$0x19C80] =	vst v63  }
0x158: {  	s13 =	sadd.s32 s10, s15;
	s16 =	simm.s32 $0x15E00;
	s15 =	rddreg [dreg:$0xc]  }
0x159: {  	[hbm4b:s13+s1] =	stream.linear.scatter [tilespmem:s16], [sflag:$0x4], $0x640, $0x38;
	[tilespmem:$0x19C80] =	vst v63  }
0x15a: {  	s13 =	sadd.s32 s10, s15;
	s16 =	simm.s32 $0x16440;
	s15 =	rddreg [dreg:$0xb]  }
0x15b: {  	[hbm4b:s13+s1] =	stream.linear.scatter [tilespmem:s16], [sflag:$0x4], $0x640, $0x38;
	[tilespmem:$0x19C80] =	vst v63  }
0x15c: {  	s13 =	sadd.s32 s10, s15;
	s16 =	simm.s32 $0x16A80;
	s15 =	rddreg [dreg:$0xa]  }
0x15d: {  	[hbm4b:s13+s1] =	stream.linear.scatter [tilespmem:s16], [sflag:$0x4], $0x640, $0x38;
	[tilespmem:$0x19C80] =	vst v63  }
0x15e: {  	s13 =	sadd.s32 s10, s15;
	s16 =	simm.s32 $0x170C0;
	s15 =	rddreg [dreg:$0x9]  }
0x15f: {  	[hbm4b:s13+s1] =	stream.linear.scatter [tilespmem:s16], [sflag:$0x4], $0x640, $0x38;
	[tilespmem:$0x19C80] =	vst v63  }
0x160: {  	s13 =	sadd.s32 s10, s15;
	s16 =	simm.s32 $0x17700;
	s15 =	rddreg [dreg:$0x8]  }
0x161: {  	[hbm4b:s13+s1] =	stream.linear.scatter [tilespmem:s16], [sflag:$0x4], $0x640, $0x38;
	[tilespmem:$0x19C80] =	vst v63  }
0x162: {  	s13 =	sadd.s32 s10, s15;
	s16 =	simm.s32 $0x17D40;
	s15 =	rddreg [dreg:$0x7]  }
0x163: {  	[hbm4b:s13+s1] =	stream.linear.scatter [tilespmem:s16], [sflag:$0x4], $0x640, $0x38;
	[tilespmem:$0x19C80] =	vst v63  }
0x164: {  	s13 =	sadd.s32 s10, s15;
	s16 =	simm.s32 $0x18380;
	s15 =	rddreg [dreg:$0x6]  }
0x165: {  	[hbm4b:s13+s1] =	stream.linear.scatter [tilespmem:s16], [sflag:$0x4], $0x640, $0x38;
	[tilespmem:$0x19C80] =	vst v63  }
0x166: {  	s13 =	sadd.s32 s10, s15;
	s16 =	simm.s32 $0x189C0;
	s15 =	rddreg [dreg:$0x5]  }
0x167: {  	[hbm4b:s13+s1] =	stream.linear.scatter [tilespmem:s16], [sflag:$0x4], $0x640, $0x38;
	[tilespmem:$0x19C80] =	vst v63  }
0x168: {  	s13 =	sadd.s32 s10, s15;
	s16 =	simm.s32 $0x19000;
	s15 =	rddreg [dreg:$0x4]  }
0x169: {  	[hbm4b:s13+s1] =	stream.linear.scatter [tilespmem:s16], [sflag:$0x4], $0x640, $0x38;
	[tilespmem:$0x19C80] =	vst v63  }
0x16a: {  	s13 =	sadd.s32 s10, s15;
	s16 =	simm.s32 $0x19640  }
0x16b: {  	[hbm4b:s13+s1] =	stream.linear.scatter [tilespmem:s16], [sflag:$0x4], $0x640, $0x38;
	[tilespmem:$0x19C80] =	vst v63  }
0x16c: {  	_ =	swait.ge [sflag:s9], $0x640  }
0x16d: {  	[sflag:s9] =	ssyncset.done $0x0  }
0x16e: {  	[sflag:s9] =	ssyncadd.s32 $0xFFFFF9C0  }
0x16f: {  	_ =	swait.ge [sflag:s9], $0x640  }
0x170: {  	[sflag:s9] =	ssyncset.done $0x0  }
0x171: {  	[sflag:s9] =	ssyncadd.s32 $0xFFFFF9C0  }
0x172: {  	_ =	swait.ge [sflag:s9], $0x640  }
0x173: {  	[sflag:s9] =	ssyncset.done $0x0  }
0x174: {  	[sflag:s9] =	ssyncadd.s32 $0xFFFFF9C0  }
0x175: {  	_ =	swait.ge [sflag:s9], $0x640  }
0x176: {  	[sflag:s9] =	ssyncset.done $0x0  }
0x177: {  	[sflag:s9] =	ssyncadd.s32 $0xFFFFF9C0  }
0x178: {  	_ =	swait.ge [sflag:s9], $0x640  }
0x179: {  	[sflag:s9] =	ssyncset.done $0x0  }
0x17a: {  	[sflag:s9] =	ssyncadd.s32 $0xFFFFF9C0  }
0x17b: {  	_ =	swait.ge [sflag:s9], $0x640  }
0x17c: {  	[sflag:s9] =	ssyncset.done $0x0  }
0x17d: {  	[sflag:s9] =	ssyncadd.s32 $0xFFFFF9C0  }
0x17e: {  	_ =	swait.ge [sflag:s9], $0x640  }
0x17f: {  	[sflag:s9] =	ssyncset.done $0x0  }
0x180: {  	[sflag:s9] =	ssyncadd.s32 $0xFFFFF9C0  }
0x181: {  	_ =	swait.ge [sflag:s9], $0x640  }
0x182: {  	[sflag:s9] =	ssyncset.done $0x0  }
0x183: {  	[sflag:s9] =	ssyncadd.s32 $0xFFFFF9C0  }
0x184: {  	_ =	swait.ge [sflag:s9], $0x640  }
0x185: {  	[sflag:s9] =	ssyncset.done $0x0  }
0x186: {  	[sflag:s9] =	ssyncadd.s32 $0xFFFFF9C0  }
0x187: {  	_ =	swait.ge [sflag:s9], $0x640  }
0x188: {  	[sflag:s9] =	ssyncset.done $0x0  }
0x189: {  	[sflag:s9] =	ssyncadd.s32 $0xFFFFF9C0  }
0x18a: {  	_ =	swait.ge [sflag:s9], $0x640  }
0x18b: {  	[sflag:s9] =	ssyncset.done $0x0  }
0x18c: {  	[sflag:s9] =	ssyncadd.s32 $0xFFFFF9C0  }
0x18d: {  	_ =	swait.ge [sflag:s9], $0x640  }
0x18e: {  	[sflag:s9] =	ssyncset.done $0x0  }
0x18f: {  	[sflag:s9] =	ssyncadd.s32 $0xFFFFF9C0  }
0x190: {  	_ =	swait.ge [sflag:s9], $0x640  }
0x191: {  	[sflag:s9] =	ssyncset.done $0x0  }
0x192: {  	[sflag:s9] =	ssyncadd.s32 $0xFFFFF9C0  }
0x193: {  	_ =	swait.ge [sflag:s9], $0x640  }
0x194: {  	[sflag:s9] =	ssyncset.done $0x0  }
0x195: {  	[sflag:s9] =	ssyncadd.s32 $0xFFFFF9C0  }
0x196: {  	_ =	swait.ge [sflag:s9], $0x640  }
0x197: {  	[sflag:s9] =	ssyncset.done $0x0  }
0x198: {  	[sflag:s9] =	ssyncadd.s32 $0xFFFFF9C0  }
0x199: {  	_ =	swait.ge [sflag:s9], $0x640  }
0x19a: {  	[sflag:s9] =	ssyncset.done $0x0  }
0x19b: {  	[sflag:s9] =	ssyncadd.s32 $0xFFFFF9C0  }
0x19c: {  	_ =	swait.ge [sflag:s9], $0x640  }
0x19d: {  	[sflag:s9] =	ssyncset.done $0x0  }
0x19e: {  	[sflag:s9] =	ssyncadd.s32 $0xFFFFF9C0  }
0x19f: {  	_ =	swait.ge [sflag:s9], $0x640  }
0x1a0: {  	[sflag:s9] =	ssyncset.done $0x0  }
0x1a1: {  	[sflag:s9] =	ssyncadd.s32 $0xFFFFF9C0  }
0x1a2: {  	_ =	swait.ge [sflag:s9], $0x640  }
0x1a3: {  	[sflag:s9] =	ssyncset.done $0x0  }
0x1a4: {  	[sflag:s9] =	ssyncadd.s32 $0xFFFFF9C0  }
0x1a5: {  	_ =	swait.ge [sflag:s9], $0x640  }
0x1a6: {  	[sflag:s9] =	ssyncset.done $0x0  }
0x1a7: {  	[sflag:s9] =	ssyncadd.s32 $0xFFFFF9C0  }
0x1a8: {  	_ =	swait.ge [sflag:s9], $0x640  }
0x1a9: {  	[sflag:s9] =	ssyncset.done $0x0  }
0x1aa: {  	[sflag:s9] =	ssyncadd.s32 $0xFFFFF9C0  }
0x1ab: {  	_ =	swait.ge [sflag:s9], $0x640  }
0x1ac: {  	[sflag:s9] =	ssyncset.done $0x0  }
0x1ad: {  	[sflag:s9] =	ssyncadd.s32 $0xFFFFF9C0  }
0x1ae: {  	_ =	swait.ge [sflag:s9], $0x640  }
0x1af: {  	[sflag:s9] =	ssyncset.done $0x0  }
0x1b0: {  	[sflag:s9] =	ssyncadd.s32 $0xFFFFF9C0  }
0x1b1: {  	_ =	swait.ge [sflag:s9], $0x640  }
0x1b2: {  	[sflag:s9] =	ssyncset.done $0x0  }
0x1b3: {  	[sflag:s9] =	ssyncadd.s32 $0xFFFFF9C0  }
0x1b4: {  	_ =	swait.ge [sflag:s9], $0x640  }
0x1b5: {  	[sflag:s9] =	ssyncset.done $0x0  }
0x1b6: {  	[sflag:s9] =	ssyncadd.s32 $0xFFFFF9C0  }
0x1b7: {  	_ =	swait.ge [sflag:s9], $0x640  }
0x1b8: {  	[sflag:s9] =	ssyncset.done $0x0  }
0x1b9: {  	[sflag:s9] =	ssyncadd.s32 $0xFFFFF9C0  }
0x1ba: {  	_ =	swait.ge [sflag:s9], $0x640  }
0x1bb: {  	[sflag:s9] =	ssyncset.done $0x0  }
0x1bc: {  	[sflag:s9] =	ssyncadd.s32 $0xFFFFF9C0  }
0x1bd: {  	_ =	swait.ge [sflag:s9], $0x640  }
0x1be: {  	[sflag:s9] =	ssyncset.done $0x0  }
0x1bf: {  	[sflag:s9] =	ssyncadd.s32 $0xFFFFF9C0  }
0x1c0: {  	_ =	swait.ge [sflag:s9], $0x640  }
0x1c1: {  	[sflag:s9] =	ssyncset.done $0x0  }
0x1c2: {  	[sflag:s9] =	ssyncadd.s32 $0xFFFFF9C0  }
0x1c3: {  	_ =	swait.ge [sflag:s9], $0x640  }
0x1c4: {  	[sflag:s9] =	ssyncset.done $0x0  }
0x1c5: {  	[sflag:s9] =	ssyncadd.s32 $0xFFFFF9C0  }
0x1c6: {  	_ =	swait.ge [sflag:s9], $0x640  }
.Ltmp2:
0x1c7: {  	[sflag:s9] =	ssyncset.done $0x0;
	(pc) =	sbr.rel @p0 .LBB2_4-.Ltmp2, $4  }
0x1c8: {  	[sflag:s9] =	ssyncadd.s32 $0xFFFFF9C0  }
0x1c9: {  	_ =	swait.ge [sflag:s9], $0x640  }
0x1ca: {  	[sflag:s9] =	ssyncset.done $0x0  }
0x1cb: {  	[sflag:s9] =	ssyncadd.s32 $0xFFFFF9C0  }
0x1cc: {  	[tilespmem:s4], [sflag:$0x5] =	stream.linear.gather [hbm4b:s12+s1], $0x640, $0x38;
	[tilespmem:$0x19C80] =	vst v63  }
.Ltmp3:
0x1cd: {  	_ = 	snop;
	(pc) =	sbr.rel .LBB2_2-.Ltmp3, $4  }
0x1ce: {  	_ =	swait.ge [sflag:s3], $0x640  }
0x1cf: {  	s12 =	sadd.s32 $0x190, s12;
	[sflag:s3] =	ssyncset.done $0x0  }
0x1d0: {  	s11 =	sadd.s32 $0xC80, s11;
	s10 =	sadd.s32 $0x3200, s10;
	[sflag:s3] =	ssyncadd.s32 $0xFFFFF9C0  }
0x1d1: {  	[tilespmem:s5], [sflag:$0x2] =	stream.indirect.gather [hbm4b:s2+s4], $0x20, s4, s4, $0xb8;
	[tilespmem:$0x19C80] =	vst v63  }
.LBB2_5:
0x1d2: {  	_ =	sfence.sel $0x180000  }
0x1d3: {  	[bflag:$0x0] =	sbarrier.arrive $0xFFFF  }
0x1d4: {  	_ =	strace $0x90000047  }
0x1d5: {  	s0 =	stileid.u32;
	[bflag:$0x2] =	sbarrier.arrive $0xFFFF  }
0x1d6: {  	p0 =	sne.s32 s0, $0x0;
	s0 =	rddreg [dreg:$0x3]  }
0x1d7: {  	s0 =	sadd.s32 @!p0 $0x100000, s0  }
0x1d8: {  	[sflag:s0] =	ssyncadd.tile.s32 @!p0 $0x1;
	_ =	shalt  }
.Lfunc_end2:
_tile_overlayer_lowered:
.L_overlay_start_2:
0x1d9: {  	(tag) =	ssettag $0x2  }
0x1da: {  	s0 =	rddreg [dreg:$0x0];
	s2 =	stileid.u32  }
0x1db: {  	s1 =	rddreg [dreg:$0x1];
	p0 =	sne.s32 s2, $0x0  }
0x1dc: {  	s3 =	rddreg [dreg:$0x2];
	[bflag:$0x3] =	sbarrier.arrive $0xFFFF;
	s2 =	simm.s32 @!p0 $0x1C05  }
0x1dd: {  	[timem:s3], [sflag:s2] =	dma.local @!p0 [hbm:s0], s1  }
0x1de: {  	s0 =	simm.s32 @!p0 $0x5  }
0x1df: {  	_ =	swait.ge @!p0 [sflag:s0], s1  }
0x1e0: {  	s1 =	ssub.s32 @!p0 $0x0, s1;
	[sflag:s0] =	ssyncset.done @!p0 $0x0  }
0x1e1: {  	[sflag:s0] =	ssyncadd.s32 @!p0 s1  }
0x1e2: {  	[bflag:$0x3] =	sbarrier.arrive $0xFFFF  }
0x1e3: {  	_ =	shalt  }

// kernel: sparse-core-data-format-call.cloned.1.call-start
scs
called_computation_lowered:
.L_overlay_start_0:
0x0: {  	s2 =	sld [smem:$0x3FD9]  }
0x1: {  	s3 =	sld [smem:$0x3FFE];
	_ =	sdelay $0x1  }
0x2: {  	s1 =	srdreg.scid  }
0x3: {  	s0 =	sand.u32 $0x1, s1  }
0x4: {  	s18 =	sshll.u32 s0, $0xA;
	s2 =	sadd.s32 s3, s2  }
0x5: {  	s2 =	sadd.s32 s2, s18  }
0x6: {  	[smem:$0x3FC6] =	sst s2  }
0x7: {  	_ = 	snop  }
0x8: {  	s2 =	sld [smem:$0x3FD0];
	(tm) =	ssettm $0x1  }
0x9: {  	s19 =	sld [smem:$0x3FFB];
	_ =	sdelay $0x3  }
0xa: {  	_ =	strace s19  }
0xb: {  	s3 =	sld [smem:$0x3FFC];
	_ =	sdelay $0x3  }
0xc: {  	_ =	strace s3  }
0xd: {  	s3 =	sld [smem:$0x3FFD];
	_ =	sdelay $0x3  }
0xe: {  	_ =	strace s3  }
0xf: {  	_ =	strace $0x8FFFFFFF  }
0x10: {  	s20 =	sld [smem:$0x3FDB];
	_ =	sdelay $0x1  }
0x11: {  	s4 =	simm.s32 $_scs_section_size  }
0x12: {  	s5 =	simm.s32 $_size__tile_overlayer_lowered;
	s6 =	simm.s32 $_tile_overlayer_lowered  }
0x13: {  	s23 =	simm.s32 $0x1BFF;
	s22 =	sshll.u32 s6, $0x1;
	s3 =	sadd.s32 s4, s20  }
0x14: {  	s7 =	simm.s32 $0x0;
	s21 =	sshll.u32 s5, $0x1;
	s5 =	sadd.s32 s22, s3  }
0x15: {  	[timem:s7], [sflag:s23] =	dma.local [hbm:s5], s21  }
0x16: {  	_ =	swait.ge [sflag:s23], s21  }
0x17: {  	s4 =	ssub.s32 $0x0, s21;
	[sflag:s23] =	ssyncset.done $0x0  }
0x18: {  	[sflag:s23] =	ssyncadd.s32 s4;
	_ =	sdelay $0x1  }
0x19: {  	s24 =	simm.s32 $0x1B8B  }
0x1a: {  	_ =	swait.ge [sflag:s24], $0x1  }
0x1b: {  	[sflag:s24] =	ssyncset.done $0x0  }
0x1c: {  	s26 =	simm.s32 $0x1B8E;
	s25 =	sld [smem:$0x3FFE];
	[sflag:s24] =	ssyncadd.s32 $0xFFFFFFFF  }
0x1d: {  	s27 =	simm.s32 $execute0_lowered;
	[smem:$0x3FD2] =	sst s26  }
0x1e: {  	s5 =	sshll.u32 s27, $0x1;
	_ =	strace $0x80000049;
	[dreg:$0x1] =	wrdreg $0xFFFFFFFF  }
0x1f: {  	s28 =	simm.s32 $_size_execute0_lowered;
	s3 =	sadd.s32 s3, s5;
	[dreg:$0x0] =	wrdreg $0x0  }
0x20: {  	s5 =	sshll.u32 s28, $0x1;
	[dreg:$0x2] =	wrdreg s3  }
0x21: {  	[dreg:$0x3] =	wrdreg s5  }
0x22: {  	[dreg:$0x4] =	wrdreg $0xC0  }
0x23: {  	_ =	task [dreg:s7], $0x5FFFF  }
0x24: {  	[dreg:$0x1] =	wrdreg $0xFFFFFFFF  }
0x25: {  	[dreg:$0x0] =	wrdreg $0x60  }
0x26: {  	[dreg:$0x2] =	wrdreg s25  }
0x27: {  	[dreg:$0x3] =	wrdreg s2  }
0x28: {  	[dreg:$0x4] =	wrdreg $0x9  }
0x29: {  	_ =	task.clear_ibuf [dreg:s7], $0x5FFFF;
	_ =	strace $0x90000049  }
0x2a: {  	s29 =	simm.s32 $0x9;
	_ =	strace $0x8000004B  }
0x2b: {  	_ =	swait.ge [sflag:s29], $0x1  }
0x2c: {  	[sflag:s29] =	ssyncadd.s32 $0xFFFFFFFF  }
0x2d: {  	_ =	strace $0x9000004B  }
0x2e: {  	_ =	sfence  }
0x2f: {  	s30 =	sld [smem:$0x0];
	_ =	sdelay $0x2  }
0x30: {  	s31 =	sshll.u32 s1, $0xD;
	s1 =	sshrl.u32 s1, $0x2  }
0x31: {  	s3 =	sand.u32 $0x4000, s31;
	s1 =	sadd.s32 s1, s30  }
0x32: {  	s0 =	sor.u32 s3, s0;
	s1 =	sshll.u32 s1, $0x11  }
0x33: {  	s0 =	sor.u32 s1, s0  }
0x34: {  	s0 =	sadd.s32 $0x8F2B, s0  }
0x35: {  	[sflag:s0] =	ssyncadd.remote.s32 $0x1  }
0x36: {  	_ =	sfence.sel $0xFFFF  }
0x37: {  	[dreg:$0x0] =	wrdreg $0xFFFFFFFF;
	(pc) =	sbr.abs _section_cstart, $3  }
0x38: {  	[dreg:$0x1] =	wrdreg $0xFFFFFFFF  }
0x39: {  	_ =	task.clear_ibuf [dreg:s7], $0x2FFFF;
	_ =	strace $0x9FFFFFFF  }
0x3a: {  	(tm) =	ssettm $0x7FFFFFFF  }
0x3b: {  	_ =	shalt  }
tec
execute0_lowered:
.L_overlay_start_1:
0x0: {  	(tag) =	ssettag $0x1  }
0x1: {  	s0 =	srdreg.scid  }
0x2: {  	s1 =	sshll.u32 s0, $0x4  }
0x3: {  	s0 =	stileid.u32;
	s1 =	sand.u32 $0x10, s1  }
0x4: {  	s1 =	sor.u32 s0, s1  }
0x5: {  	s6 =	rddreg [dreg:$0x0];
	s4 =	simm.s32 $0x1;
	s2 =	sshll.u32 s1, $0x7  }
0x6: {  	s7 =	simm.s32 $0x2;
	s12 =	simm.s32 $0x0;
	s1 =	ssub.s32 $0x4000, s2  }
0x7: {  	s8 =	simm.s32 $0x20000;
	s13 =	simm.s32 $0x0;
	s3 =	sand.u32 $0xF80, s1  }
0x8: {  	s9 =	simm.s32 $0x0;
	s5 =	sshrl.u32 s1, $0xC;
	p0 =	sne.s32 s3, $0x0  }
.Ltmp0:
0x9: {  	s1 =	rddreg [dreg:$0x2];
	s4 =	simm.s32 @!p0 $0x0;
	(pc) =	sbr.rel .LBB1_1-.Ltmp0, $4  }
0xa: {  	s11 =	simm.s32 $0x0;
	s3 =	rddreg [dreg:$0x1];
	s5 =	sadd.s32 s4, s5  }
0xb: {  	_ =	strace $0x8000004A;
	s4 =	simm.s32 $0x1;
	s5 =	smul.u32 $0x32, s5  }
0xc: {  	s6 =	sadd.s32 $0x800, s6;
	s10 =	smov.u32 s2;
	[sflag:s4] =	ssyncpa.u1 $0x0  }
0xd: {  	p0 =	por $0x0, $0x0;
	[sflag:s7] =	ssyncpa.u1 $0x0;
	s7 =	sor.u32 $0x1, s5  }
.LBB1_4:
0xe: {  	s16 =	sshll.u32 s13, $0x3;
	s17 =	sand.u32 $0x78, s13  }
0xf: {  	s30 =	sand.u32 $0xF800, s13;
	s12 =	sshll.u32 s12, $0x10;
	s16 =	sand.u32 $0x3C00, s16  }
0x10: {  	s31 =	sand.u32 $0x7, s13;
	s16 =	sor.u32 s17, s16;
	s17 =	sadd.s32 s3, s30  }
0x11: {  	s13 =	sshll.u32 s31, $0x12;
	s16 =	sshrl.u32 s16, $0x3;
	s12 =	sadd.s32 s12, s17  }
0x12: {  	[tilespmem:s15+$0x0 ss:$0x81] =	vst.msk $0xffff, v0;
	s13 =	sor.u32 $0x400, s13;
	s12 =	sadd.s32 s16, s12  }
0x13: {  	[hbm4b:s12+s13] =	stream.strided.scatter [tilespmem:s14], [sflag:$0x2], $0x1000, s8, s13, $0x20;
	[tilespmem:$0x4040] =	vst v63  }
.LBB1_5:
0x14: {  	s14 =	sadd.s32 $0x1, s9  }
0x15: {  	s12 =	sadd.s32 $0x1000, s10;
	s16 =	smov.u32 s10;
	p2 =	sgt.s32 s14, $0x31  }
0x16: {  	s16 =	smov.u32 @p2 s12  }
0x17: {  	s14 =	simm.s32 @p2 $0x0;
	p2 =	sgt.s32 s16, $0x3FFF  }
0x18: {  	s16 =	smov.u32 @p2 s2;
	p2 =	sne.s32 s11, s7  }
.Ltmp1:
0x19: {  	p1 =	slt.u32 s11, $0x2;
	(pc) =	sbr.rel @!p2 .LBB1_6-.Ltmp1, $4  }
0x1a: {  	s15 =	simm.s32 @!p1 $0x2  }
0x1b: {  	s13 =	smov.u32 s10;
	p0 =	por !p0, !p0;
	_ =	swait.ge @!p1 [sflag:s15], $0x1000  }
0x1c: {  	s12 =	smov.u32 s9;
	[sflag:s15] =	ssyncset.done @!p1 $0x0;
	s9 =	smov.u32 s14  }
0x1d: {  	s11 =	sadd.s32 $0x1, s11;
	[sflag:s15] =	ssyncadd.s32 @!p1 $0xFFFFF000;
	s10 =	smov.u32 s16  }
.LBB1_1:
0x1e: {  	p1 =	sge.u32 s11, s5  }
0x1f: {  	s14 =	sand.u32 @!p1 $0x1FFFFFF, s9  }
0x20: {  	s15 =	smulhi.u32 @!p1 $0x4924925, s14;
	_ =	sdelay $0x1  }
0x21: {  	s15 =	smul.u32 @!p1 $0x38, s15  }
0x22: {  	s16 =	sxor.u32 @!p1 $0xFFFFFFFF, s11;
	s17 =	smul.u32 @!p1 $0x380, s10  }
0x23: {  	s31 =	sadd.s32 $0xFFFFFFFF, s11;
	s16 =	sshll.u32 @!p1 s16, $0xC;
	s14 =	ssub.s32 @!p1 s14, s15  }
0x24: {  	s15 =	sand.u32 @!p1 $0x1000, s16;
	s16 =	sadd.s32 @!p1 s6, s17;
	s14 =	sshll.u32 @!p1 s14, $0x4  }
0x25: {  	s17 =	simm.s32 @!p1 $0x1C00;
	s14 =	sadd.s32 @!p1 s14, s16;
	s16 =	simm.s32 @!p1 $0x20  }
0x26: {  	[tilespmem:s15], [sflag:$0x1] =	stream.strided.gather @!p1 [hbm4b:s14+s16], $0x1000, s17, s16, $0x38;
	[tilespmem:$0x4040] =	vst v63  }
0x27: {  	p1 =	sge.u32 s31, s5  }
.Ltmp2:
0x28: {  	_ = 	snop;
	(pc) =	sbr.rel @p1 .LBB1_5-.Ltmp2, $1  }
0x29: {  	_ =	sdelay $0x3  }
0x2a: {  	s14 =	simm.s32 $0x1  }
0x2b: {  	_ =	swait.ge [sflag:s4], $0x1000;
	s14 =	simm.s32 @!p0 $0x0  }
0x2c: {  	[sflag:s4] =	ssyncset.done $0x0;
	s15 =	sshll.u32 s14, $0xC  }
0x2d: {  	[sflag:s4] =	ssyncadd.s32 $0xFFFFF000;
	s18 =	sor.u32 $0x10, s15  }
0x2e: {  	s14 =	smul.u32 $0x4080, s14;
	v1 =	vld [tilespmem:s18+$0x0]  }
0x2f: {  	s30 =	sand.u32 $0x1, s11;
	v0 =	vld [tilespmem:s18+$0xFFFFFFF0]  }
0x30: {  	s15 =	smul.u32 $0x4080, s30;
	s14 =	sshrl.u32 s14, $0x2  }
0x31: {  	s16 =	sor.u32 $0x2000, s14  }
0x32: {  	s31 =	sshrl.u32 s15, $0x2;
	s15 =	sadd.s32 $0x0, s16  }
0x33: {  	s17 =	simm.s32 $0x4;
	s18 =	sadd.s32 $0x20, s18;
	s14 =	sor.u32 $0x2000, s31;
	[tilespmem:s15+$0x810 ss:$0x81] =	vst.msk $0xffff, v1  }
.LBB1_3:
0x34: {  	v1 =	vld [tilespmem:s18+$0x0];
	p1 =	sne.s32 s17, $0x1FC;
	[tilespmem:s15+$0x0 ss:$0x81] =	vst.msk $0xffff, v0;
	s15 =	smov.u32 s17;
	s17 =	sadd.s32 $0x4, s17  }
.Ltmp3:
0x35: {  	v0 =	vld [tilespmem:s18+$0xFFFFFFF0];
	(pc) =	sbr.rel @p1 .LBB1_3-.Ltmp3, $4  }
0x36: {  	_ = 	snop  }
0x37: {  	s15 =	sshra.s32 s15, $0x2  }
0x38: {  	s15 =	sadd.s32 s15, s16  }
0x39: {  	s18 =	sadd.s32 $0x20, s18;
	[tilespmem:s15+$0x810 ss:$0x81] =	vst.msk $0xffff, v1  }
.Ltmp4:
0x3a: {  	_ = 	snop;
	(pc) =	sbr.rel .LBB1_4-.Ltmp4, $1  }
0x3b: {  	_ =	sdelay $0x3  }
.LBB1_6:
0x3c: {  	_ =	sfence.sel $0x180000  }
0x3d: {  	s2 =	simm.s32 $0x1;
	[bflag:$0x0] =	sbarrier.arrive $0xFFFF  }
0x3e: {  	s31 =	simm.s32 $0x2;
	[sflag:s2] =	ssyncpa.u1 $0x1  }
0x3f: {  	[sflag:s31] =	ssyncpa.u1 $0x1  }
0x40: {  	p0 =	sne.s32 s0, $0x0;
	_ =	strace $0x9000004A  }
0x41: {  	s0 =	sadd.s32 @!p0 $0x100000, s1;
	[bflag:$0x2] =	sbarrier.arrive $0xFFFF  }
0x42: {  	[sflag:s0] =	ssyncadd.tile.s32 @!p0 $0x1;
	_ =	shalt  }
.Lfunc_end1:
_tile_overlayer_lowered:
.L_overlay_start_2:
0x43: {  	(tag) =	ssettag $0x2  }
0x44: {  	s0 =	rddreg [dreg:$0x0];
	s2 =	stileid.u32  }
0x45: {  	s1 =	rddreg [dreg:$0x1];
	p0 =	sne.s32 s2, $0x0  }
0x46: {  	s3 =	rddreg [dreg:$0x2];
	[bflag:$0x3] =	sbarrier.arrive $0xFFFF;
	s2 =	simm.s32 @!p0 $0x1C01  }
0x47: {  	[timem:s3], [sflag:s2] =	dma.local @!p0 [hbm:s0], s1  }
0x48: {  	s0 =	simm.s32 @!p0 $0x1  }
0x49: {  	_ =	swait.ge @!p0 [sflag:s0], s1  }
0x4a: {  	s1 =	ssub.s32 @!p0 $0x0, s1;
	[sflag:s0] =	ssyncset.done @!p0 $0x0  }
0x4b: {  	[sflag:s0] =	ssyncadd.s32 @!p0 s1  }
0x4c: {  	[bflag:$0x3] =	sbarrier.arrive $0xFFFF  }
0x4d: {  	_ =	shalt  }

</sc_bundles>
